<compile_context>
chip_gen: v7x
topology: tpu7x:2x2x1
jax: 0.10.2.dev20260603
libtpu: 0.0.44.dev20260713+nightly
codegen_flags: <defaults>
</compile_context>

<pallas_src>
import functools

import jax
import jax.numpy as jnp
from jax import lax
from jax.experimental import pallas as pl
from jax.experimental.pallas import tpu as pltpu
from jax.experimental.pallas import tpu_sc as plsc

_K = 16
_L = 16
_NW = 4

_GDN = lax.GatherDimensionNumbers(
    offset_dims=(), collapsed_slice_dims=(0,), start_index_map=(0,))


def _perm(x, idx):
    return lax.gather(x, idx[:, None], _GDN, (1,),
                      mode=lax.GatherScatterMode.PROMISE_IN_BOUNDS)


def _all_reduce(x, op, lane):
    for s in (1, 2, 4, 8):
        x = op(x, _perm(x, jnp.bitwise_xor(lane, s)))
    return x


def _sc_patch_body(x_hbm, patch_hbm, win_v, win0_v, patch_v, *, B, C, W):
    K = _K
    w_id = lax.axis_index("c") * 16 + lax.axis_index("s")
    b = w_id % B
    j = w_id // B
    cpw = C // _NW

    pltpu.sync_copy(x_hbm.at[b, pl.ds(j * cpw, cpw), 0:K, 0:128], win_v)
    pltpu.sync_copy(x_hbm.at[b, 0, 0:K, 0:128], win0_v)
    zv = jnp.zeros((_L,), jnp.float32)
    for h in range(K):
        for q in range(W // _L):
            patch_v[h, pl.ds(q * _L, _L)] = zv
    lane = lax.iota(jnp.int32, _L)
    w0rows = [win0_v[h, 0:K] for h in range(K)]

    def chan(c, regs):
        m = jnp.abs(win_v[c, 0, 0:K])
        r = jnp.zeros((_L,), jnp.int32)
        for h in range(1, K):
            v = jnp.abs(win_v[c, h, 0:K])
            upd = v > m
            m = jnp.where(upd, v, m)
            r = jnp.where(upd, jnp.full((_L,), h, jnp.int32), r)
        mx = _all_reduce(m, jnp.maximum, lane)
        cand = jnp.where(m == mx, r * K + lane, jnp.int32(1 << 30))
        flat = _all_reduce(cand, jnp.minimum, lane)
        hv = flat >> 4
        wv = flat & (K - 1)
        sel_row = zv
        for h in range(K):
            sel_row = jnp.where(hv == h, w0rows[h], sel_row)
        val = _all_reduce(jnp.where(lane == wv, sel_row, zv), jnp.add, lane)
        return tuple(
            jnp.where(jnp.logical_and(hv == h, lane == wv), val, regs[h])
            for h in range(K))

    regs = lax.fori_loop(0, cpw, chan,
                         tuple(jnp.zeros((_L,), jnp.float32) for _ in range(K)))
    for h in range(K):
        patch_v[h, 0:K] = regs[h]
    pltpu.sync_copy(patch_v, patch_hbm.at[pl.ds((b * _NW + j) * K, K), :])


def _zero_body(out_ref):
    out_ref[...] = jnp.zeros(out_ref.shape, out_ref.dtype)


def _patch_merge_body(zeros_ref, patch_ref, out_ref, *, B):
    del zeros_ref
    p = patch_ref[...]
    outs = []
    for b in range(B):
        acc = p[b * _NW * _K:b * _NW * _K + _K]
        for j in range(1, _NW):
            pj = p[b * _NW * _K + j * _K:b * _NW * _K + (j + 1) * _K]
            acc = jnp.where(pj != 0.0, pj, acc)
        outs.append(acc)
    out_ref[...] = jnp.stack(outs)[:, None]


def kernel(input_, pool_size):
    B, C, H, W = input_.shape
    K = _K

    mesh = plsc.VectorSubcoreMesh(
        core_axis_name="c", subcore_axis_name="s",
        num_cores=2, num_subcores=16)
    sc_patch = functools.partial(
        pl.kernel,
        out_type=jax.ShapeDtypeStruct((B * _NW * K, W), jnp.float32),
        mesh=mesh,
        scratch_types=[
            pltpu.VMEM((C // _NW, K, 128), jnp.float32),
            pltpu.VMEM((K, 128), jnp.float32),
            pltpu.VMEM((K, W), jnp.float32),
        ],
    )(functools.partial(_sc_patch_body, B=B, C=C, W=W))
    patch = sc_patch(input_)

    CB = 32 if C % 32 == 0 else 1
    zeros_out = pl.pallas_call(
        _zero_body,
        grid=(B, C // CB),
        out_specs=pl.BlockSpec((1, CB, H, W), lambda b, cb: (b, cb, 0, 0)),
        out_shape=jax.ShapeDtypeStruct((B, C, H, W), jnp.float32),
    )()
    out = pl.pallas_call(
        functools.partial(_patch_merge_body, B=B),
        grid=(1,),
        in_specs=[
            pl.BlockSpec((B, 1, K, W), lambda i: (0, 0, 0, 0)),
            pl.BlockSpec((B * _NW * K, W), lambda i: (0, 0)),
        ],
        out_specs=pl.BlockSpec((B, 1, K, W), lambda i: (0, 0, 0, 0)),
        out_shape=jax.ShapeDtypeStruct((B, C, H, W), jnp.float32),
        input_output_aliases={0: 0},
    )(zeros_out, patch)
    return out

# --- scband reference (transcript-rebuilt; emitter-appended) ---
"""Pipeline reference for scband-extrema-pool-indices2-d-43800076484728 (READ-ONLY COPY).

The authoritative reference and input builder live on the scoring server;
editing this copy changes nothing except your own understanding.
"""

import jax, jax.numpy as jnp
import numpy as np


def setup_inputs(seed: int = 0) -> dict:
    key = jax.random.key(seed)
    input_ = jax.random.normal(key, (8, 192, 224, 224), dtype=jnp.float32)
    return {"input_": input_, "pool_size": 16}


def reference(input_, pool_size):
    # Faithful translation of extrema_pool_indices_2d.
    # torch.max_pool2d(..., return_indices=True) returns, for each pooling window,
    # the flat index (h * W + w) of the max within the H*W plane of that channel.
    # The original code then keeps only extrema_indices[..., 0, 0], i.e. the index
    # from the top-left pooling window of each (b, c) plane, shape [B, C].
    B, C, H, W = input_.shape
    k = 16  # static window size; setup_inputs always passes pool_size == 16
    window = jnp.abs(input_[:, :, :k, :k]).reshape(B, C, k * k)
    local = jnp.argmax(window, axis=-1)  # [B, C], argmax within top-left k x k window
    h = local // pool_size
    w = local % pool_size
    idx = h * W + w  # flat index into the H*W plane, matching torch's max_pool2d indices
    # NOTE: the original torch code gathers/scatters these H*W-plane indices against the
    # fully flattened [B, C*H*W] tensor (indices all fall inside channel 0's region).
    # We reproduce that behavior faithfully.
    x_flat = input_.reshape(B, -1)  # [B, C*H*W]
    gathered = jnp.take_along_axis(x_flat, idx, axis=-1)  # [B, C]
    out_flat = jnp.zeros_like(x_flat).at[jnp.arange(B)[:, None], idx].set(gathered)
    return out_flat.reshape(input_.shape)

if __name__ == "__main__":
    import jax
    _d = setup_inputs()
    print(jax.jit(kernel)(*tuple(_d.values())))

</pallas_src>

<mosaic_0001>
#map = affine_map<(d0, d1) -> (0, 0, 0, 0)>
#map1 = affine_map<(d0, d1) -> (0, 0)>
module attributes {stable_mosaic.version = 14 : i64} {
  func.func @_sc_patch_body(%arg0: i32, %arg1: i32, %arg2: memref<8x192x224x224xf32, #tpu.memory_space<hbm>>, %arg3: memref<512x224xf32, #tpu.memory_space<hbm>>, %arg4: memref<48x16x128xf32, #tpu.memory_space<vmem>>, %arg5: memref<16x128xf32, #tpu.memory_space<vmem>>, %arg6: memref<16x224xf32, #tpu.memory_space<vmem>>) attributes {dimension_semantics = [#tpu.dimension_semantics<core_parallel>, #tpu.dimension_semantics<subcore_parallel>], iteration_bounds = array<i64: 2, 16>, scalar_prefetch = 0 : i64, scratch_operands = 3 : i64, tpu.core_type = #tpu.core_type<sc_vector_subcore>, window_params = [{transform_indices = #map}, {transform_indices = #map1}]} {
    %mul3A = arith.constant 16 : i32
    %mul3A_0 = arith.muli %arg0, %mul3A : i32
    %add3A = arith.addi %mul3A_0, %arg1 : i32
    %jit3A = arith.constant 8 : i32
    %eq3A = arith.constant 0 : i32
    %eq3A_1 = arith.cmpi eq, %jit3A, %eq3A : i32
    %jit3A_2 = arith.constant 1 : i32
    %select_n3A = arith.select %eq3A_1, %jit3A_2, %jit3A : i32
    %rem3A = arith.remsi %add3A, %select_n3A : i32
    %ne3A = arith.constant 0 : i32
    %ne3A_3 = arith.cmpi ne, %rem3A, %ne3A : i32
    %lt3A = arith.constant 0 : i32
    %lt3A_4 = arith.cmpi slt, %rem3A, %lt3A : i32
    %lt3A_5 = arith.constant 0 : i32
    %lt3A_6 = arith.cmpi slt, %select_n3A, %lt3A_5 : i32
    %ne3A_7 = arith.xori %lt3A_4, %lt3A_6 : i1
    %and3A = arith.andi %ne3A_7, %ne3A_3 : i1
    %add3A_8 = arith.addi %rem3A, %select_n3A : i32
    %select_n3A_9 = arith.select %and3A, %add3A_8, %rem3A : i32
    %jit3A_10 = arith.constant 8 : i32
    %div3A = arith.divsi %add3A, %jit3A_10 : i32
    %sign3A = arith.constant 0 : i32
    %sign3A_11 = arith.cmpi sgt, %add3A, %sign3A : i32
    %sign3A_12 = arith.extui %sign3A_11 : i1 to i32
    %sign3A_13 = arith.constant 0 : i32
    %sign3A_14 = arith.cmpi slt, %add3A, %sign3A_13 : i32
    %sign3A_15 = arith.extui %sign3A_14 : i1 to i32
    %sign3A_16 = arith.subi %sign3A_12, %sign3A_15 : i32
    %sign3A_17 = arith.constant 0 : i32
    %sign3A_18 = arith.cmpi sgt, %jit3A_10, %sign3A_17 : i32
    %sign3A_19 = arith.extui %sign3A_18 : i1 to i32
    %sign3A_20 = arith.constant 0 : i32
    %sign3A_21 = arith.cmpi slt, %jit3A_10, %sign3A_20 : i32
    %sign3A_22 = arith.extui %sign3A_21 : i1 to i32
    %sign3A_23 = arith.subi %sign3A_19, %sign3A_22 : i32
    %ne3A_24 = arith.cmpi ne, %sign3A_16, %sign3A_23 : i32
    %rem3A_25 = arith.remsi %add3A, %jit3A_10 : i32
    %ne3A_26 = arith.constant 0 : i32
    %ne3A_27 = arith.cmpi ne, %rem3A_25, %ne3A_26 : i32
    %and3A_28 = arith.andi %ne3A_24, %ne3A_27 : i1
    %sub3A = arith.constant 1 : i32
    %sub3A_29 = arith.subi %div3A, %sub3A : i32
    %select_n3A_30 = arith.select %and3A_28, %sub3A_29, %div3A : i32
    %mul3A_31 = arith.constant 48 : i32
    %mul3A_32 = arith.muli %select_n3A_30, %mul3A_31 : i32
    "tpu.region"() ({
      %run_scoped3A_1594 = tpu.sem_alloc : memref<!tpu.dma_semaphore, #tpu.memory_space<semaphore_mem>>
      %dma_start3A = arith.constant 0 : i32
      %dma_start3A_1595 = arith.constant 0 : i32
      %dma_start3A_1596 = tpu.memref_slice %arg2[%select_n3A_9, %mul3A_32, %dma_start3A, %dma_start3A_1595] : memref<8x192x224x224xf32, #tpu.memory_space<hbm>> -> memref<1x48x16x128xf32, #tpu.memory_space<hbm>>
      %dma_start3A_1597 = tpu.memref_squeeze %dma_start3A_1596 : memref<1x48x16x128xf32, #tpu.memory_space<hbm>> -> memref<48x16x128xf32, #tpu.memory_space<hbm>>
      %dma_start3A_1598 = arith.constant 0 : i32
      %dma_start3A_1599 = arith.constant 0 : i32
      %dma_start3A_1600 = tpu.memref_slice %arg2[%select_n3A_9, %mul3A_32, %dma_start3A_1598, %dma_start3A_1599] : memref<8x192x224x224xf32, #tpu.memory_space<hbm>> -> memref<1x48x16x128xf32, #tpu.memory_space<hbm>>
      %dma_start3A_1601 = tpu.memref_squeeze %dma_start3A_1600 : memref<1x48x16x128xf32, #tpu.memory_space<hbm>> -> memref<48x16x128xf32, #tpu.memory_space<hbm>>
      tpu.enqueue_dma source(%dma_start3A_1601 : memref<48x16x128xf32, #tpu.memory_space<hbm>>) target(%arg4 : memref<48x16x128xf32, #tpu.memory_space<vmem>>) target_semaphore(%run_scoped3A_1594 : memref<!tpu.dma_semaphore, #tpu.memory_space<semaphore_mem>>)
      %dma_wait3A = arith.constant 0 : i32
      %dma_wait3A_1602 = arith.constant 0 : i32
      %dma_wait3A_1603 = tpu.memref_slice %arg2[%select_n3A_9, %mul3A_32, %dma_wait3A, %dma_wait3A_1602] : memref<8x192x224x224xf32, #tpu.memory_space<hbm>> -> memref<1x48x16x128xf32, #tpu.memory_space<hbm>>
      %dma_wait3A_1604 = tpu.memref_squeeze %dma_wait3A_1603 : memref<1x48x16x128xf32, #tpu.memory_space<hbm>> -> memref<48x16x128xf32, #tpu.memory_space<hbm>>
      %dma_wait3A_1605 = arith.constant 0 : i32
      %dma_wait3A_1606 = arith.constant 0 : i32
      %dma_wait3A_1607 = tpu.memref_slice %arg2[%select_n3A_9, %mul3A_32, %dma_wait3A_1605, %dma_wait3A_1606] : memref<8x192x224x224xf32, #tpu.memory_space<hbm>> -> memref<1x48x16x128xf32, #tpu.memory_space<hbm>>
      %dma_wait3A_1608 = tpu.memref_squeeze %dma_wait3A_1607 : memref<1x48x16x128xf32, #tpu.memory_space<hbm>> -> memref<48x16x128xf32, #tpu.memory_space<hbm>>
      tpu.wait_dma2 semaphore(%run_scoped3A_1594 : memref<!tpu.dma_semaphore, #tpu.memory_space<semaphore_mem>>) src(%dma_wait3A_1608 : memref<48x16x128xf32, #tpu.memory_space<hbm>>) dst(%arg4 : memref<48x16x128xf32, #tpu.memory_space<vmem>>)
      tpu.yield
    }) : () -> ()
    %run_scoped3A = arith.constant 0 : i32
    "tpu.region"() ({
      %run_scoped3A_1594 = tpu.sem_alloc : memref<!tpu.dma_semaphore, #tpu.memory_space<semaphore_mem>>
      %dma_start3A = arith.constant 0 : i32
      %dma_start3A_1595 = arith.constant 0 : i32
      %dma_start3A_1596 = tpu.memref_slice %arg2[%select_n3A_9, %run_scoped3A, %dma_start3A, %dma_start3A_1595] : memref<8x192x224x224xf32, #tpu.memory_space<hbm>> -> memref<1x1x16x128xf32, #tpu.memory_space<hbm>>
      %dma_start3A_1597 = tpu.memref_squeeze %dma_start3A_1596 : memref<1x1x16x128xf32, #tpu.memory_space<hbm>> -> memref<16x128xf32, #tpu.memory_space<hbm>>
      %dma_start3A_1598 = arith.constant 0 : i32
      %dma_start3A_1599 = arith.constant 0 : i32
      %dma_start3A_1600 = tpu.memref_slice %arg2[%select_n3A_9, %run_scoped3A, %dma_start3A_1598, %dma_start3A_1599] : memref<8x192x224x224xf32, #tpu.memory_space<hbm>> -> memref<1x1x16x128xf32, #tpu.memory_space<hbm>>
      %dma_start3A_1601 = tpu.memref_squeeze %dma_start3A_1600 : memref<1x1x16x128xf32, #tpu.memory_space<hbm>> -> memref<16x128xf32, #tpu.memory_space<hbm>>
      tpu.enqueue_dma source(%dma_start3A_1601 : memref<16x128xf32, #tpu.memory_space<hbm>>) target(%arg5 : memref<16x128xf32, #tpu.memory_space<vmem>>) target_semaphore(%run_scoped3A_1594 : memref<!tpu.dma_semaphore, #tpu.memory_space<semaphore_mem>>)
      %dma_wait3A = arith.constant 0 : i32
      %dma_wait3A_1602 = arith.constant 0 : i32
      %dma_wait3A_1603 = tpu.memref_slice %arg2[%select_n3A_9, %run_scoped3A, %dma_wait3A, %dma_wait3A_1602] : memref<8x192x224x224xf32, #tpu.memory_space<hbm>> -> memref<1x1x16x128xf32, #tpu.memory_space<hbm>>
      %dma_wait3A_1604 = tpu.memref_squeeze %dma_wait3A_1603 : memref<1x1x16x128xf32, #tpu.memory_space<hbm>> -> memref<16x128xf32, #tpu.memory_space<hbm>>
      %dma_wait3A_1605 = arith.constant 0 : i32
      %dma_wait3A_1606 = arith.constant 0 : i32
      %dma_wait3A_1607 = tpu.memref_slice %arg2[%select_n3A_9, %run_scoped3A, %dma_wait3A_1605, %dma_wait3A_1606] : memref<8x192x224x224xf32, #tpu.memory_space<hbm>> -> memref<1x1x16x128xf32, #tpu.memory_space<hbm>>
      %dma_wait3A_1608 = tpu.memref_squeeze %dma_wait3A_1607 : memref<1x1x16x128xf32, #tpu.memory_space<hbm>> -> memref<16x128xf32, #tpu.memory_space<hbm>>
      tpu.wait_dma2 semaphore(%run_scoped3A_1594 : memref<!tpu.dma_semaphore, #tpu.memory_space<semaphore_mem>>) src(%dma_wait3A_1608 : memref<16x128xf32, #tpu.memory_space<hbm>>) dst(%arg5 : memref<16x128xf32, #tpu.memory_space<vmem>>)
      tpu.yield
    }) : () -> ()
    %broadcast_in_dim3A = arith.constant 0.000000e+00 : f32
    %broadcast_in_dim3A_33 = vector.broadcast %broadcast_in_dim3A : f32 to vector<16xf32>
    %swap3A = arith.constant 0 : i32
    %swap3A_34 = arith.index_cast %swap3A : i32 to index
    %swap3A_35 = arith.constant 0 : index
    %swap3A_36 = tpu.vector_load %arg6[%swap3A_34, %swap3A_35] {strides = array<i32>} : memref<16x224xf32, #tpu.memory_space<vmem>>, vector<1x16xf32>,
    %swap3A_37 = vector.shape_cast %swap3A_36 : vector<1x16xf32> to vector<16xf32>
    %swap3A_38 = vector.shape_cast %broadcast_in_dim3A_33 : vector<16xf32> to vector<1x16xf32>
    tpu.vector_store %arg6[%swap3A_34, %swap3A_35], %swap3A_38 {strides = array<i32>} : memref<16x224xf32, #tpu.memory_space<vmem>>, vector<1x16xf32>,
    %swap3A_39 = arith.constant 0 : i32
    %swap3A_40 = arith.index_cast %swap3A_39 : i32 to index
    %swap3A_41 = arith.constant 16 : index
    %swap3A_42 = tpu.vector_load %arg6[%swap3A_40, %swap3A_41] {strides = array<i32>} : memref<16x224xf32, #tpu.memory_space<vmem>>, vector<1x16xf32>,
    %swap3A_43 = vector.shape_cast %swap3A_42 : vector<1x16xf32> to vector<16xf32>
    %swap3A_44 = vector.shape_cast %broadcast_in_dim3A_33 : vector<16xf32> to vector<1x16xf32>
    tpu.vector_store %arg6[%swap3A_40, %swap3A_41], %swap3A_44 {strides = array<i32>} : memref<16x224xf32, #tpu.memory_space<vmem>>, vector<1x16xf32>,
    %swap3A_45 = arith.constant 0 : i32
    %swap3A_46 = arith.index_cast %swap3A_45 : i32 to index
    %swap3A_47 = arith.constant 32 : index
    %swap3A_48 = tpu.vector_load %arg6[%swap3A_46, %swap3A_47] {strides = array<i32>} : memref<16x224xf32, #tpu.memory_space<vmem>>, vector<1x16xf32>,
    %swap3A_49 = vector.shape_cast %swap3A_48 : vector<1x16xf32> to vector<16xf32>
    %swap3A_50 = vector.shape_cast %broadcast_in_dim3A_33 : vector<16xf32> to vector<1x16xf32>
    tpu.vector_store %arg6[%swap3A_46, %swap3A_47], %swap3A_50 {strides = array<i32>} : memref<16x224xf32, #tpu.memory_space<vmem>>, vector<1x16xf32>,
    %swap3A_51 = arith.constant 0 : i32
    %swap3A_52 = arith.index_cast %swap3A_51 : i32 to index
    %swap3A_53 = arith.constant 48 : index
    %swap3A_54 = tpu.vector_load %arg6[%swap3A_52, %swap3A_53] {strides = array<i32>} : memref<16x224xf32, #tpu.memory_space<vmem>>, vector<1x16xf32>,
    %swap3A_55 = vector.shape_cast %swap3A_54 : vector<1x16xf32> to vector<16xf32>
    %swap3A_56 = vector.shape_cast %broadcast_in_dim3A_33 : vector<16xf32> to vector<1x16xf32>
    tpu.vector_store %arg6[%swap3A_52, %swap3A_53], %swap3A_56 {strides = array<i32>} : memref<16x224xf32, #tpu.memory_space<vmem>>, vector<1x16xf32>,
    %swap3A_57 = arith.constant 0 : i32
    %swap3A_58 = arith.index_cast %swap3A_57 : i32 to index
    %swap3A_59 = arith.constant 64 : index
    %swap3A_60 = tpu.vector_load %arg6[%swap3A_58, %swap3A_59] {strides = array<i32>} : memref<16x224xf32, #tpu.memory_space<vmem>>, vector<1x16xf32>,
    %swap3A_61 = vector.shape_cast %swap3A_60 : vector<1x16xf32> to vector<16xf32>
    %swap3A_62 = vector.shape_cast %broadcast_in_dim3A_33 : vector<16xf32> to vector<1x16xf32>
    tpu.vector_store %arg6[%swap3A_58, %swap3A_59], %swap3A_62 {strides = array<i32>} : memref<16x224xf32, #tpu.memory_space<vmem>>, vector<1x16xf32>,
    %swap3A_63 = arith.constant 0 : i32
    %swap3A_64 = arith.index_cast %swap3A_63 : i32 to index
    %swap3A_65 = arith.constant 80 : index
    %swap3A_66 = tpu.vector_load %arg6[%swap3A_64, %swap3A_65] {strides = array<i32>} : memref<16x224xf32, #tpu.memory_space<vmem>>, vector<1x16xf32>,
    %swap3A_67 = vector.shape_cast %swap3A_66 : vector<1x16xf32> to vector<16xf32>
    %swap3A_68 = vector.shape_cast %broadcast_in_dim3A_33 : vector<16xf32> to vector<1x16xf32>
    tpu.vector_store %arg6[%swap3A_64, %swap3A_65], %swap3A_68 {strides = array<i32>} : memref<16x224xf32, #tpu.memory_space<vmem>>, vector<1x16xf32>,
    %swap3A_69 = arith.constant 0 : i32
    %swap3A_70 = arith.index_cast %swap3A_69 : i32 to index
    %swap3A_71 = arith.constant 96 : index
    %swap3A_72 = tpu.vector_load %arg6[%swap3A_70, %swap3A_71] {strides = array<i32>} : memref<16x224xf32, #tpu.memory_space<vmem>>, vector<1x16xf32>,
    %swap3A_73 = vector.shape_cast %swap3A_72 : vector<1x16xf32> to vector<16xf32>
    %swap3A_74 = vector.shape_cast %broadcast_in_dim3A_33 : vector<16xf32> to vector<1x16xf32>
    tpu.vector_store %arg6[%swap3A_70, %swap3A_71], %swap3A_74 {strides = array<i32>} : memref<16x224xf32, #tpu.memory_space<vmem>>, vector<1x16xf32>,
    %swap3A_75 = arith.constant 0 : i32
    %swap3A_76 = arith.index_cast %swap3A_75 : i32 to index
    %swap3A_77 = arith.constant 112 : index
    %swap3A_78 = tpu.vector_load %arg6[%swap3A_76, %swap3A_77] {strides = array<i32>} : memref<16x224xf32, #tpu.memory_space<vmem>>, vector<1x16xf32>,
    %swap3A_79 = vector.shape_cast %swap3A_78 : vector<1x16xf32> to vector<16xf32>
    %swap3A_80 = vector.shape_cast %broadcast_in_dim3A_33 : vector<16xf32> to vector<1x16xf32>
    tpu.vector_store %arg6[%swap3A_76, %swap3A_77], %swap3A_80 {strides = array<i32>} : memref<16x224xf32, #tpu.memory_space<vmem>>, vector<1x16xf32>,
    %swap3A_81 = arith.constant 0 : i32
    %swap3A_82 = arith.index_cast %swap3A_81 : i32 to index
    %swap3A_83 = arith.constant 128 : index
    %swap3A_84 = tpu.vector_load %arg6[%swap3A_82, %swap3A_83] {strides = array<i32>} : memref<16x224xf32, #tpu.memory_space<vmem>>, vector<1x16xf32>,
    %swap3A_85 = vector.shape_cast %swap3A_84 : vector<1x16xf32> to vector<16xf32>
    %swap3A_86 = vector.shape_cast %broadcast_in_dim3A_33 : vector<16xf32> to vector<1x16xf32>
    tpu.vector_store %arg6[%swap3A_82, %swap3A_83], %swap3A_86 {strides = array<i32>} : memref<16x224xf32, #tpu.memory_space<vmem>>, vector<1x16xf32>,
    %swap3A_87 = arith.constant 0 : i32
    %swap3A_88 = arith.index_cast %swap3A_87 : i32 to index
    %swap3A_89 = arith.constant 144 : index
    %swap3A_90 = tpu.vector_load %arg6[%swap3A_88, %swap3A_89] {strides = array<i32>} : memref<16x224xf32, #tpu.memory_space<vmem>>, vector<1x16xf32>,
    %swap3A_91 = vector.shape_cast %swap3A_90 : vector<1x16xf32> to vector<16xf32>
    %swap3A_92 = vector.shape_cast %broadcast_in_dim3A_33 : vector<16xf32> to vector<1x16xf32>
    tpu.vector_store %arg6[%swap3A_88, %swap3A_89], %swap3A_92 {strides = array<i32>} : memref<16x224xf32, #tpu.memory_space<vmem>>, vector<1x16xf32>,
    %swap3A_93 = arith.constant 0 : i32
    %swap3A_94 = arith.index_cast %swap3A_93 : i32 to index
    %swap3A_95 = arith.constant 160 : index
    %swap3A_96 = tpu.vector_load %arg6[%swap3A_94, %swap3A_95] {strides = array<i32>} : memref<16x224xf32, #tpu.memory_space<vmem>>, vector<1x16xf32>,
    %swap3A_97 = vector.shape_cast %swap3A_96 : vector<1x16xf32> to vector<16xf32>
    %swap3A_98 = vector.shape_cast %broadcast_in_dim3A_33 : vector<16xf32> to vector<1x16xf32>
    tpu.vector_store %arg6[%swap3A_94, %swap3A_95], %swap3A_98 {strides = array<i32>} : memref<16x224xf32, #tpu.memory_space<vmem>>, vector<1x16xf32>,
    %swap3A_99 = arith.constant 0 : i32
    %swap3A_100 = arith.index_cast %swap3A_99 : i32 to index
    %swap3A_101 = arith.constant 176 : index
    %swap3A_102 = tpu.vector_load %arg6[%swap3A_100, %swap3A_101] {strides = array<i32>} : memref<16x224xf32, #tpu.memory_space<vmem>>, vector<1x16xf32>,
    %swap3A_103 = vector.shape_cast %swap3A_102 : vector<1x16xf32> to vector<16xf32>
    %swap3A_104 = vector.shape_cast %broadcast_in_dim3A_33 : vector<16xf32> to vector<1x16xf32>
    tpu.vector_store %arg6[%swap3A_100, %swap3A_101], %swap3A_104 {strides = array<i32>} : memref<16x224xf32, #tpu.memory_space<vmem>>, vector<1x16xf32>,
    %swap3A_105 = arith.constant 0 : i32
    %swap3A_106 = arith.index_cast %swap3A_105 : i32 to index
    %swap3A_107 = arith.constant 192 : index
    %swap3A_108 = tpu.vector_load %arg6[%swap3A_106, %swap3A_107] {strides = array<i32>} : memref<16x224xf32, #tpu.memory_space<vmem>>, vector<1x16xf32>,
    %swap3A_109 = vector.shape_cast %swap3A_108 : vector<1x16xf32> to vector<16xf32>
    %swap3A_110 = vector.shape_cast %broadcast_in_dim3A_33 : vector<16xf32> to vector<1x16xf32>
    tpu.vector_store %arg6[%swap3A_106, %swap3A_107], %swap3A_110 {strides = array<i32>} : memref<16x224xf32, #tpu.memory_space<vmem>>, vector<1x16xf32>,
    %swap3A_111 = arith.constant 0 : i32
    %swap3A_112 = arith.index_cast %swap3A_111 : i32 to index
    %swap3A_113 = arith.constant 208 : index
    %swap3A_114 = tpu.vector_load %arg6[%swap3A_112, %swap3A_113] {strides = array<i32>} : memref<16x224xf32, #tpu.memory_space<vmem>>, vector<1x16xf32>,
    %swap3A_115 = vector.shape_cast %swap3A_114 : vector<1x16xf32> to vector<16xf32>
    %swap3A_116 = vector.shape_cast %broadcast_in_dim3A_33 : vector<16xf32> to vector<1x16xf32>
    tpu.vector_store %arg6[%swap3A_112, %swap3A_113], %swap3A_116 {strides = array<i32>} : memref<16x224xf32, #tpu.memory_space<vmem>>, vector<1x16xf32>,
    %swap3A_117 = arith.constant 1 : i32
    %swap3A_118 = arith.index_cast %swap3A_117 : i32 to index
    %swap3A_119 = arith.constant 0 : index
    %swap3A_120 = tpu.vector_load %arg6[%swap3A_118, %swap3A_119] {strides = array<i32>} : memref<16x224xf32, #tpu.memory_space<vmem>>, vector<1x16xf32>,
    %swap3A_121 = vector.shape_cast %swap3A_120 : vector<1x16xf32> to vector<16xf32>
    %swap3A_122 = vector.shape_cast %broadcast_in_dim3A_33 : vector<16xf32> to vector<1x16xf32>
    tpu.vector_store %arg6[%swap3A_118, %swap3A_119], %swap3A_122 {strides = array<i32>} : memref<16x224xf32, #tpu.memory_space<vmem>>, vector<1x16xf32>,
    %swap3A_123 = arith.constant 1 : i32
    %swap3A_124 = arith.index_cast %swap3A_123 : i32 to index
    %swap3A_125 = arith.constant 16 : index
    %swap3A_126 = tpu.vector_load %arg6[%swap3A_124, %swap3A_125] {strides = array<i32>} : memref<16x224xf32, #tpu.memory_space<vmem>>, vector<1x16xf32>,
    %swap3A_127 = vector.shape_cast %swap3A_126 : vector<1x16xf32> to vector<16xf32>
    %swap3A_128 = vector.shape_cast %broadcast_in_dim3A_33 : vector<16xf32> to vector<1x16xf32>
    tpu.vector_store %arg6[%swap3A_124, %swap3A_125], %swap3A_128 {strides = array<i32>} : memref<16x224xf32, #tpu.memory_space<vmem>>, vector<1x16xf32>,
    %swap3A_129 = arith.constant 1 : i32
    %swap3A_130 = arith.index_cast %swap3A_129 : i32 to index
    %swap3A_131 = arith.constant 32 : index
    %swap3A_132 = tpu.vector_load %arg6[%swap3A_130, %swap3A_131] {strides = array<i32>} : memref<16x224xf32, #tpu.memory_space<vmem>>, vector<1x16xf32>,
    %swap3A_133 = vector.shape_cast %swap3A_132 : vector<1x16xf32> to vector<16xf32>
    %swap3A_134 = vector.shape_cast %broadcast_in_dim3A_33 : vector<16xf32> to vector<1x16xf32>
    tpu.vector_store %arg6[%swap3A_130, %swap3A_131], %swap3A_134 {strides = array<i32>} : memref<16x224xf32, #tpu.memory_space<vmem>>, vector<1x16xf32>,
    %swap3A_135 = arith.constant 1 : i32
    %swap3A_136 = arith.index_cast %swap3A_135 : i32 to index
    %swap3A_137 = arith.constant 48 : index
    %swap3A_138 = tpu.vector_load %arg6[%swap3A_136, %swap3A_137] {strides = array<i32>} : memref<16x224xf32, #tpu.memory_space<vmem>>, vector<1x16xf32>,
    %swap3A_139 = vector.shape_cast %swap3A_138 : vector<1x16xf32> to vector<16xf32>
    %swap3A_140 = vector.shape_cast %broadcast_in_dim3A_33 : vector<16xf32> to vector<1x16xf32>
    tpu.vector_store %arg6[%swap3A_136, %swap3A_137], %swap3A_140 {strides = array<i32>} : memref<16x224xf32, #tpu.memory_space<vmem>>, vector<1x16xf32>,
    %swap3A_141 = arith.constant 1 : i32
    %swap3A_142 = arith.index_cast %swap3A_141 : i32 to index
    %swap3A_143 = arith.constant 64 : index
    %swap3A_144 = tpu.vector_load %arg6[%swap3A_142, %swap3A_143] {strides = array<i32>} : memref<16x224xf32, #tpu.memory_space<vmem>>, vector<1x16xf32>,
    %swap3A_145 = vector.shape_cast %swap3A_144 : vector<1x16xf32> to vector<16xf32>
    %swap3A_146 = vector.shape_cast %broadcast_in_dim3A_33 : vector<16xf32> to vector<1x16xf32>
    tpu.vector_store %arg6[%swap3A_142, %swap3A_143], %swap3A_146 {strides = array<i32>} : memref<16x224xf32, #tpu.memory_space<vmem>>, vector<1x16xf32>,
    %swap3A_147 = arith.constant 1 : i32
    %swap3A_148 = arith.index_cast %swap3A_147 : i32 to index
    %swap3A_149 = arith.constant 80 : index
    %swap3A_150 = tpu.vector_load %arg6[%swap3A_148, %swap3A_149] {strides = array<i32>} : memref<16x224xf32, #tpu.memory_space<vmem>>, vector<1x16xf32>,
    %swap3A_151 = vector.shape_cast %swap3A_150 : vector<1x16xf32> to vector<16xf32>
    %swap3A_152 = vector.shape_cast %broadcast_in_dim3A_33 : vector<16xf32> to vector<1x16xf32>
    tpu.vector_store %arg6[%swap3A_148, %swap3A_149], %swap3A_152 {strides = array<i32>} : memref<16x224xf32, #tpu.memory_space<vmem>>, vector<1x16xf32>,
    %swap3A_153 = arith.constant 1 : i32
    %swap3A_154 = arith.index_cast %swap3A_153 : i32 to index
    %swap3A_155 = arith.constant 96 : index
    %swap3A_156 = tpu.vector_load %arg6[%swap3A_154, %swap3A_155] {strides = array<i32>} : memref<16x224xf32, #tpu.memory_space<vmem>>, vector<1x16xf32>,
    %swap3A_157 = vector.shape_cast %swap3A_156 : vector<1x16xf32> to vector<16xf32>
    %swap3A_158 = vector.shape_cast %broadcast_in_dim3A_33 : vector<16xf32> to vector<1x16xf32>
    tpu.vector_store %arg6[%swap3A_154, %swap3A_155], %swap3A_158 {strides = array<i32>} : memref<16x224xf32, #tpu.memory_space<vmem>>, vector<1x16xf32>,
    %swap3A_159 = arith.constant 1 : i32
    %swap3A_160 = arith.index_cast %swap3A_159 : i32 to index
    %swap3A_161 = arith.constant 112 : index
    %swap3A_162 = tpu.vector_load %arg6[%swap3A_160, %swap3A_161] {strides = array<i32>} : memref<16x224xf32, #tpu.memory_space<vmem>>, vector<1x16xf32>,
    %swap3A_163 = vector.shape_cast %swap3A_162 : vector<1x16xf32> to vector<16xf32>
    %swap3A_164 = vector.shape_cast %broadcast_in_dim3A_33 : vector<16xf32> to vector<1x16xf32>
    tpu.vector_store %arg6[%swap3A_160, %swap3A_161], %swap3A_164 {strides = array<i32>} : memref<16x224xf32, #tpu.memory_space<vmem>>, vector<1x16xf32>,
    %swap3A_165 = arith.constant 1 : i32
    %swap3A_166 = arith.index_cast %swap3A_165 : i32 to index
    %swap3A_167 = arith.constant 128 : index
    %swap3A_168 = tpu.vector_load %arg6[%swap3A_166, %swap3A_167] {strides = array<i32>} : memref<16x224xf32, #tpu.memory_space<vmem>>, vector<1x16xf32>,
    %swap3A_169 = vector.shape_cast %swap3A_168 : vector<1x16xf32> to vector<16xf32>
    %swap3A_170 = vector.shape_cast %broadcast_in_dim3A_33 : vector<16xf32> to vector<1x16xf32>
    tpu.vector_store %arg6[%swap3A_166, %swap3A_167], %swap3A_170 {strides = array<i32>} : memref<16x224xf32, #tpu.memory_space<vmem>>, vector<1x16xf32>,
    %swap3A_171 = arith.constant 1 : i32
    %swap3A_172 = arith.index_cast %swap3A_171 : i32 to index
    %swap3A_173 = arith.constant 144 : index
    %swap3A_174 = tpu.vector_load %arg6[%swap3A_172, %swap3A_173] {strides = array<i32>} : memref<16x224xf32, #tpu.memory_space<vmem>>, vector<1x16xf32>,
    %swap3A_175 = vector.shape_cast %swap3A_174 : vector<1x16xf32> to vector<16xf32>
    %swap3A_176 = vector.shape_cast %broadcast_in_dim3A_33 : vector<16xf32> to vector<1x16xf32>
    tpu.vector_store %arg6[%swap3A_172, %swap3A_173], %swap3A_176 {strides = array<i32>} : memref<16x224xf32, #tpu.memory_space<vmem>>, vector<1x16xf32>,
    %swap3A_177 = arith.constant 1 : i32
    %swap3A_178 = arith.index_cast %swap3A_177 : i32 to index
    %swap3A_179 = arith.constant 160 : index
    %swap3A_180 = tpu.vector_load %arg6[%swap3A_178, %swap3A_179] {strides = array<i32>} : memref<16x224xf32, #tpu.memory_space<vmem>>, vector<1x16xf32>,
    %swap3A_181 = vector.shape_cast %swap3A_180 : vector<1x16xf32> to vector<16xf32>
    %swap3A_182 = vector.shape_cast %broadcast_in_dim3A_33 : vector<16xf32> to vector<1x16xf32>
    tpu.vector_store %arg6[%swap3A_178, %swap3A_179], %swap3A_182 {strides = array<i32>} : memref<16x224xf32, #tpu.memory_space<vmem>>, vector<1x16xf32>,
    %swap3A_183 = arith.constant 1 : i32
    %swap3A_184 = arith.index_cast %swap3A_183 : i32 to index
    %swap3A_185 = arith.constant 176 : index
    %swap3A_186 = tpu.vector_load %arg6[%swap3A_184, %swap3A_185] {strides = array<i32>} : memref<16x224xf32, #tpu.memory_space<vmem>>, vector<1x16xf32>,
    %swap3A_187 = vector.shape_cast %swap3A_186 : vector<1x16xf32> to vector<16xf32>
    %swap3A_188 = vector.shape_cast %broadcast_in_dim3A_33 : vector<16xf32> to vector<1x16xf32>
    tpu.vector_store %arg6[%swap3A_184, %swap3A_185], %swap3A_188 {strides = array<i32>} : memref<16x224xf32, #tpu.memory_space<vmem>>, vector<1x16xf32>,
    %swap3A_189 = arith.constant 1 : i32
    %swap3A_190 = arith.index_cast %swap3A_189 : i32 to index
    %swap3A_191 = arith.constant 192 : index
    %swap3A_192 = tpu.vector_load %arg6[%swap3A_190, %swap3A_191] {strides = array<i32>} : memref<16x224xf32, #tpu.memory_space<vmem>>, vector<1x16xf32>,
    %swap3A_193 = vector.shape_cast %swap3A_192 : vector<1x16xf32> to vector<16xf32>
    %swap3A_194 = vector.shape_cast %broadcast_in_dim3A_33 : vector<16xf32> to vector<1x16xf32>
    tpu.vector_store %arg6[%swap3A_190, %swap3A_191], %swap3A_194 {strides = array<i32>} : memref<16x224xf32, #tpu.memory_space<vmem>>, vector<1x16xf32>,
    %swap3A_195 = arith.constant 1 : i32
    %swap3A_196 = arith.index_cast %swap3A_195 : i32 to index
    %swap3A_197 = arith.constant 208 : index
    %swap3A_198 = tpu.vector_load %arg6[%swap3A_196, %swap3A_197] {strides = array<i32>} : memref<16x224xf32, #tpu.memory_space<vmem>>, vector<1x16xf32>,
    %swap3A_199 = vector.shape_cast %swap3A_198 : vector<1x16xf32> to vector<16xf32>
    %swap3A_200 = vector.shape_cast %broadcast_in_dim3A_33 : vector<16xf32> to vector<1x16xf32>
    tpu.vector_store %arg6[%swap3A_196, %swap3A_197], %swap3A_200 {strides = array<i32>} : memref<16x224xf32, #tpu.memory_space<vmem>>, vector<1x16xf32>,
    %swap3A_201 = arith.constant 2 : i32
    %swap3A_202 = arith.index_cast %swap3A_201 : i32 to index
    %swap3A_203 = arith.constant 0 : index
    %swap3A_204 = tpu.vector_load %arg6[%swap3A_202, %swap3A_203] {strides = array<i32>} : memref<16x224xf32, #tpu.memory_space<vmem>>, vector<1x16xf32>,
    %swap3A_205 = vector.shape_cast %swap3A_204 : vector<1x16xf32> to vector<16xf32>
    %swap3A_206 = vector.shape_cast %broadcast_in_dim3A_33 : vector<16xf32> to vector<1x16xf32>
    tpu.vector_store %arg6[%swap3A_202, %swap3A_203], %swap3A_206 {strides = array<i32>} : memref<16x224xf32, #tpu.memory_space<vmem>>, vector<1x16xf32>,
    %swap3A_207 = arith.constant 2 : i32
    %swap3A_208 = arith.index_cast %swap3A_207 : i32 to index
    %swap3A_209 = arith.constant 16 : index
    %swap3A_210 = tpu.vector_load %arg6[%swap3A_208, %swap3A_209] {strides = array<i32>} : memref<16x224xf32, #tpu.memory_space<vmem>>, vector<1x16xf32>,
    %swap3A_211 = vector.shape_cast %swap3A_210 : vector<1x16xf32> to vector<16xf32>
    %swap3A_212 = vector.shape_cast %broadcast_in_dim3A_33 : vector<16xf32> to vector<1x16xf32>
    tpu.vector_store %arg6[%swap3A_208, %swap3A_209], %swap3A_212 {strides = array<i32>} : memref<16x224xf32, #tpu.memory_space<vmem>>, vector<1x16xf32>,
    %swap3A_213 = arith.constant 2 : i32
    %swap3A_214 = arith.index_cast %swap3A_213 : i32 to index
    %swap3A_215 = arith.constant 32 : index
    %swap3A_216 = tpu.vector_load %arg6[%swap3A_214, %swap3A_215] {strides = array<i32>} : memref<16x224xf32, #tpu.memory_space<vmem>>, vector<1x16xf32>,
    %swap3A_217 = vector.shape_cast %swap3A_216 : vector<1x16xf32> to vector<16xf32>
    %swap3A_218 = vector.shape_cast %broadcast_in_dim3A_33 : vector<16xf32> to vector<1x16xf32>
    tpu.vector_store %arg6[%swap3A_214, %swap3A_215], %swap3A_218 {strides = array<i32>} : memref<16x224xf32, #tpu.memory_space<vmem>>, vector<1x16xf32>,
    %swap3A_219 = arith.constant 2 : i32
    %swap3A_220 = arith.index_cast %swap3A_219 : i32 to index
    %swap3A_221 = arith.constant 48 : index
    %swap3A_222 = tpu.vector_load %arg6[%swap3A_220, %swap3A_221] {strides = array<i32>} : memref<16x224xf32, #tpu.memory_space<vmem>>, vector<1x16xf32>,
    %swap3A_223 = vector.shape_cast %swap3A_222 : vector<1x16xf32> to vector<16xf32>
    %swap3A_224 = vector.shape_cast %broadcast_in_dim3A_33 : vector<16xf32> to vector<1x16xf32>
    tpu.vector_store %arg6[%swap3A_220, %swap3A_221], %swap3A_224 {strides = array<i32>} : memref<16x224xf32, #tpu.memory_space<vmem>>, vector<1x16xf32>,
    %swap3A_225 = arith.constant 2 : i32
    %swap3A_226 = arith.index_cast %swap3A_225 : i32 to index
    %swap3A_227 = arith.constant 64 : index
    %swap3A_228 = tpu.vector_load %arg6[%swap3A_226, %swap3A_227] {strides = array<i32>} : memref<16x224xf32, #tpu.memory_space<vmem>>, vector<1x16xf32>,
    %swap3A_229 = vector.shape_cast %swap3A_228 : vector<1x16xf32> to vector<16xf32>
    %swap3A_230 = vector.shape_cast %broadcast_in_dim3A_33 : vector<16xf32> to vector<1x16xf32>
    tpu.vector_store %arg6[%swap3A_226, %swap3A_227], %swap3A_230 {strides = array<i32>} : memref<16x224xf32, #tpu.memory_space<vmem>>, vector<1x16xf32>,
    %swap3A_231 = arith.constant 2 : i32
    %swap3A_232 = arith.index_cast %swap3A_231 : i32 to index
    %swap3A_233 = arith.constant 80 : index
    %swap3A_234 = tpu.vector_load %arg6[%swap3A_232, %swap3A_233] {strides = array<i32>} : memref<16x224xf32, #tpu.memory_space<vmem>>, vector<1x16xf32>,
    %swap3A_235 = vector.shape_cast %swap3A_234 : vector<1x16xf32> to vector<16xf32>
    %swap3A_236 = vector.shape_cast %broadcast_in_dim3A_33 : vector<16xf32> to vector<1x16xf32>
    tpu.vector_store %arg6[%swap3A_232, %swap3A_233], %swap3A_236 {strides = array<i32>} : memref<16x224xf32, #tpu.memory_space<vmem>>, vector<1x16xf32>,
    %swap3A_237 = arith.constant 2 : i32
    %swap3A_238 = arith.index_cast %swap3A_237 : i32 to index
    %swap3A_239 = arith.constant 96 : index
    %swap3A_240 = tpu.vector_load %arg6[%swap3A_238, %swap3A_239] {strides = array<i32>} : memref<16x224xf32, #tpu.memory_space<vmem>>, vector<1x16xf32>,
    %swap3A_241 = vector.shape_cast %swap3A_240 : vector<1x16xf32> to vector<16xf32>
    %swap3A_242 = vector.shape_cast %broadcast_in_dim3A_33 : vector<16xf32> to vector<1x16xf32>
    tpu.vector_store %arg6[%swap3A_238, %swap3A_239], %swap3A_242 {strides = array<i32>} : memref<16x224xf32, #tpu.memory_space<vmem>>, vector<1x16xf32>,
    %swap3A_243 = arith.constant 2 : i32
    %swap3A_244 = arith.index_cast %swap3A_243 : i32 to index
    %swap3A_245 = arith.constant 112 : index
    %swap3A_246 = tpu.vector_load %arg6[%swap3A_244, %swap3A_245] {strides = array<i32>} : memref<16x224xf32, #tpu.memory_space<vmem>>, vector<1x16xf32>,
    %swap3A_247 = vector.shape_cast %swap3A_246 : vector<1x16xf32> to vector<16xf32>
    %swap3A_248 = vector.shape_cast %broadcast_in_dim3A_33 : vector<16xf32> to vector<1x16xf32>
    tpu.vector_store %arg6[%swap3A_244, %swap3A_245], %swap3A_248 {strides = array<i32>} : memref<16x224xf32, #tpu.memory_space<vmem>>, vector<1x16xf32>,
    %swap3A_249 = arith.constant 2 : i32
    %swap3A_250 = arith.index_cast %swap3A_249 : i32 to index
    %swap3A_251 = arith.constant 128 : index
    %swap3A_252 = tpu.vector_load %arg6[%swap3A_250, %swap3A_251] {strides = array<i32>} : memref<16x224xf32, #tpu.memory_space<vmem>>, vector<1x16xf32>,
    %swap3A_253 = vector.shape_cast %swap3A_252 : vector<1x16xf32> to vector<16xf32>
    %swap3A_254 = vector.shape_cast %broadcast_in_dim3A_33 : vector<16xf32> to vector<1x16xf32>
    tpu.vector_store %arg6[%swap3A_250, %swap3A_251], %swap3A_254 {strides = array<i32>} : memref<16x224xf32, #tpu.memory_space<vmem>>, vector<1x16xf32>,
    %swap3A_255 = arith.constant 2 : i32
    %swap3A_256 = arith.index_cast %swap3A_255 : i32 to index
    %swap3A_257 = arith.constant 144 : index
    %swap3A_258 = tpu.vector_load %arg6[%swap3A_256, %swap3A_257] {strides = array<i32>} : memref<16x224xf32, #tpu.memory_space<vmem>>, vector<1x16xf32>,
    %swap3A_259 = vector.shape_cast %swap3A_258 : vector<1x16xf32> to vector<16xf32>
    %swap3A_260 = vector.shape_cast %broadcast_in_dim3A_33 : vector<16xf32> to vector<1x16xf32>
    tpu.vector_store %arg6[%swap3A_256, %swap3A_257], %swap3A_260 {strides = array<i32>} : memref<16x224xf32, #tpu.memory_space<vmem>>, vector<1x16xf32>,
    %swap3A_261 = arith.constant 2 : i32
    %swap3A_262 = arith.index_cast %swap3A_261 : i32 to index
    %swap3A_263 = arith.constant 160 : index
    %swap3A_264 = tpu.vector_load %arg6[%swap3A_262, %swap3A_263] {strides = array<i32>} : memref<16x224xf32, #tpu.memory_space<vmem>>, vector<1x16xf32>,
    %swap3A_265 = vector.shape_cast %swap3A_264 : vector<1x16xf32> to vector<16xf32>
    %swap3A_266 = vector.shape_cast %broadcast_in_dim3A_33 : vector<16xf32> to vector<1x16xf32>
    tpu.vector_store %arg6[%swap3A_262, %swap3A_263], %swap3A_266 {strides = array<i32>} : memref<16x224xf32, #tpu.memory_space<vmem>>, vector<1x16xf32>,
    %swap3A_267 = arith.constant 2 : i32
    %swap3A_268 = arith.index_cast %swap3A_267 : i32 to index
    %swap3A_269 = arith.constant 176 : index
    %swap3A_270 = tpu.vector_load %arg6[%swap3A_268, %swap3A_269] {strides = array<i32>} : memref<16x224xf32, #tpu.memory_space<vmem>>, vector<1x16xf32>,
    %swap3A_271 = vector.shape_cast %swap3A_270 : vector<1x16xf32> to vector<16xf32>
    %swap3A_272 = vector.shape_cast %broadcast_in_dim3A_33 : vector<16xf32> to vector<1x16xf32>
    tpu.vector_store %arg6[%swap3A_268, %swap3A_269], %swap3A_272 {strides = array<i32>} : memref<16x224xf32, #tpu.memory_space<vmem>>, vector<1x16xf32>,
    %swap3A_273 = arith.constant 2 : i32
    %swap3A_274 = arith.index_cast %swap3A_273 : i32 to index
    %swap3A_275 = arith.constant 192 : index
    %swap3A_276 = tpu.vector_load %arg6[%swap3A_274, %swap3A_275] {strides = array<i32>} : memref<16x224xf32, #tpu.memory_space<vmem>>, vector<1x16xf32>,
    %swap3A_277 = vector.shape_cast %swap3A_276 : vector<1x16xf32> to vector<16xf32>
    %swap3A_278 = vector.shape_cast %broadcast_in_dim3A_33 : vector<16xf32> to vector<1x16xf32>
    tpu.vector_store %arg6[%swap3A_274, %swap3A_275], %swap3A_278 {strides = array<i32>} : memref<16x224xf32, #tpu.memory_space<vmem>>, vector<1x16xf32>,
    %swap3A_279 = arith.constant 2 : i32
    %swap3A_280 = arith.index_cast %swap3A_279 : i32 to index
    %swap3A_281 = arith.constant 208 : index
    %swap3A_282 = tpu.vector_load %arg6[%swap3A_280, %swap3A_281] {strides = array<i32>} : memref<16x224xf32, #tpu.memory_space<vmem>>, vector<1x16xf32>,
    %swap3A_283 = vector.shape_cast %swap3A_282 : vector<1x16xf32> to vector<16xf32>
    %swap3A_284 = vector.shape_cast %broadcast_in_dim3A_33 : vector<16xf32> to vector<1x16xf32>
    tpu.vector_store %arg6[%swap3A_280, %swap3A_281], %swap3A_284 {strides = array<i32>} : memref<16x224xf32, #tpu.memory_space<vmem>>, vector<1x16xf32>,
    %swap3A_285 = arith.constant 3 : i32
    %swap3A_286 = arith.index_cast %swap3A_285 : i32 to index
    %swap3A_287 = arith.constant 0 : index
    %swap3A_288 = tpu.vector_load %arg6[%swap3A_286, %swap3A_287] {strides = array<i32>} : memref<16x224xf32, #tpu.memory_space<vmem>>, vector<1x16xf32>,
    %swap3A_289 = vector.shape_cast %swap3A_288 : vector<1x16xf32> to vector<16xf32>
    %swap3A_290 = vector.shape_cast %broadcast_in_dim3A_33 : vector<16xf32> to vector<1x16xf32>
    tpu.vector_store %arg6[%swap3A_286, %swap3A_287], %swap3A_290 {strides = array<i32>} : memref<16x224xf32, #tpu.memory_space<vmem>>, vector<1x16xf32>,
    %swap3A_291 = arith.constant 3 : i32
    %swap3A_292 = arith.index_cast %swap3A_291 : i32 to index
    %swap3A_293 = arith.constant 16 : index
    %swap3A_294 = tpu.vector_load %arg6[%swap3A_292, %swap3A_293] {strides = array<i32>} : memref<16x224xf32, #tpu.memory_space<vmem>>, vector<1x16xf32>,
    %swap3A_295 = vector.shape_cast %swap3A_294 : vector<1x16xf32> to vector<16xf32>
    %swap3A_296 = vector.shape_cast %broadcast_in_dim3A_33 : vector<16xf32> to vector<1x16xf32>
    tpu.vector_store %arg6[%swap3A_292, %swap3A_293], %swap3A_296 {strides = array<i32>} : memref<16x224xf32, #tpu.memory_space<vmem>>, vector<1x16xf32>,
    %swap3A_297 = arith.constant 3 : i32
    %swap3A_298 = arith.index_cast %swap3A_297 : i32 to index
    %swap3A_299 = arith.constant 32 : index
    %swap3A_300 = tpu.vector_load %arg6[%swap3A_298, %swap3A_299] {strides = array<i32>} : memref<16x224xf32, #tpu.memory_space<vmem>>, vector<1x16xf32>,
    %swap3A_301 = vector.shape_cast %swap3A_300 : vector<1x16xf32> to vector<16xf32>
    %swap3A_302 = vector.shape_cast %broadcast_in_dim3A_33 : vector<16xf32> to vector<1x16xf32>
    tpu.vector_store %arg6[%swap3A_298, %swap3A_299], %swap3A_302 {strides = array<i32>} : memref<16x224xf32, #tpu.memory_space<vmem>>, vector<1x16xf32>,
    %swap3A_303 = arith.constant 3 : i32
    %swap3A_304 = arith.index_cast %swap3A_303 : i32 to index
    %swap3A_305 = arith.constant 48 : index
    %swap3A_306 = tpu.vector_load %arg6[%swap3A_304, %swap3A_305] {strides = array<i32>} : memref<16x224xf32, #tpu.memory_space<vmem>>, vector<1x16xf32>,
    %swap3A_307 = vector.shape_cast %swap3A_306 : vector<1x16xf32> to vector<16xf32>
    %swap3A_308 = vector.shape_cast %broadcast_in_dim3A_33 : vector<16xf32> to vector<1x16xf32>
    tpu.vector_store %arg6[%swap3A_304, %swap3A_305], %swap3A_308 {strides = array<i32>} : memref<16x224xf32, #tpu.memory_space<vmem>>, vector<1x16xf32>,
    %swap3A_309 = arith.constant 3 : i32
    %swap3A_310 = arith.index_cast %swap3A_309 : i32 to index
    %swap3A_311 = arith.constant 64 : index
    %swap3A_312 = tpu.vector_load %arg6[%swap3A_310, %swap3A_311] {strides = array<i32>} : memref<16x224xf32, #tpu.memory_space<vmem>>, vector<1x16xf32>,
    %swap3A_313 = vector.shape_cast %swap3A_312 : vector<1x16xf32> to vector<16xf32>
    %swap3A_314 = vector.shape_cast %broadcast_in_dim3A_33 : vector<16xf32> to vector<1x16xf32>
    tpu.vector_store %arg6[%swap3A_310, %swap3A_311], %swap3A_314 {strides = array<i32>} : memref<16x224xf32, #tpu.memory_space<vmem>>, vector<1x16xf32>,
    %swap3A_315 = arith.constant 3 : i32
    %swap3A_316 = arith.index_cast %swap3A_315 : i32 to index
    %swap3A_317 = arith.constant 80 : index
    %swap3A_318 = tpu.vector_load %arg6[%swap3A_316, %swap3A_317] {strides = array<i32>} : memref<16x224xf32, #tpu.memory_space<vmem>>, vector<1x16xf32>,
    %swap3A_319 = vector.shape_cast %swap3A_318 : vector<1x16xf32> to vector<16xf32>
    %swap3A_320 = vector.shape_cast %broadcast_in_dim3A_33 : vector<16xf32> to vector<1x16xf32>
    tpu.vector_store %arg6[%swap3A_316, %swap3A_317], %swap3A_320 {strides = array<i32>} : memref<16x224xf32, #tpu.memory_space<vmem>>, vector<1x16xf32>,
    %swap3A_321 = arith.constant 3 : i32
    %swap3A_322 = arith.index_cast %swap3A_321 : i32 to index
    %swap3A_323 = arith.constant 96 : index
    %swap3A_324 = tpu.vector_load %arg6[%swap3A_322, %swap3A_323] {strides = array<i32>} : memref<16x224xf32, #tpu.memory_space<vmem>>, vector<1x16xf32>,
    %swap3A_325 = vector.shape_cast %swap3A_324 : vector<1x16xf32> to vector<16xf32>
    %swap3A_326 = vector.shape_cast %broadcast_in_dim3A_33 : vector<16xf32> to vector<1x16xf32>
    tpu.vector_store %arg6[%swap3A_322, %swap3A_323], %swap3A_326 {strides = array<i32>} : memref<16x224xf32, #tpu.memory_space<vmem>>, vector<1x16xf32>,
    %swap3A_327 = arith.constant 3 : i32
    %swap3A_328 = arith.index_cast %swap3A_327 : i32 to index
    %swap3A_329 = arith.constant 112 : index
    %swap3A_330 = tpu.vector_load %arg6[%swap3A_328, %swap3A_329] {strides = array<i32>} : memref<16x224xf32, #tpu.memory_space<vmem>>, vector<1x16xf32>,
    %swap3A_331 = vector.shape_cast %swap3A_330 : vector<1x16xf32> to vector<16xf32>
    %swap3A_332 = vector.shape_cast %broadcast_in_dim3A_33 : vector<16xf32> to vector<1x16xf32>
    tpu.vector_store %arg6[%swap3A_328, %swap3A_329], %swap3A_332 {strides = array<i32>} : memref<16x224xf32, #tpu.memory_space<vmem>>, vector<1x16xf32>,
    %swap3A_333 = arith.constant 3 : i32
    %swap3A_334 = arith.index_cast %swap3A_333 : i32 to index
    %swap3A_335 = arith.constant 128 : index
    %swap3A_336 = tpu.vector_load %arg6[%swap3A_334, %swap3A_335] {strides = array<i32>} : memref<16x224xf32, #tpu.memory_space<vmem>>, vector<1x16xf32>,
    %swap3A_337 = vector.shape_cast %swap3A_336 : vector<1x16xf32> to vector<16xf32>
    %swap3A_338 = vector.shape_cast %broadcast_in_dim3A_33 : vector<16xf32> to vector<1x16xf32>
    tpu.vector_store %arg6[%swap3A_334, %swap3A_335], %swap3A_338 {strides = array<i32>} : memref<16x224xf32, #tpu.memory_space<vmem>>, vector<1x16xf32>,
    %swap3A_339 = arith.constant 3 : i32
    %swap3A_340 = arith.index_cast %swap3A_339 : i32 to index
    %swap3A_341 = arith.constant 144 : index
    %swap3A_342 = tpu.vector_load %arg6[%swap3A_340, %swap3A_341] {strides = array<i32>} : memref<16x224xf32, #tpu.memory_space<vmem>>, vector<1x16xf32>,
    %swap3A_343 = vector.shape_cast %swap3A_342 : vector<1x16xf32> to vector<16xf32>
    %swap3A_344 = vector.shape_cast %broadcast_in_dim3A_33 : vector<16xf32> to vector<1x16xf32>
    tpu.vector_store %arg6[%swap3A_340, %swap3A_341], %swap3A_344 {strides = array<i32>} : memref<16x224xf32, #tpu.memory_space<vmem>>, vector<1x16xf32>,
    %swap3A_345 = arith.constant 3 : i32
    %swap3A_346 = arith.index_cast %swap3A_345 : i32 to index
    %swap3A_347 = arith.constant 160 : index
    %swap3A_348 = tpu.vector_load %arg6[%swap3A_346, %swap3A_347] {strides = array<i32>} : memref<16x224xf32, #tpu.memory_space<vmem>>, vector<1x16xf32>,
    %swap3A_349 = vector.shape_cast %swap3A_348 : vector<1x16xf32> to vector<16xf32>
    %swap3A_350 = vector.shape_cast %broadcast_in_dim3A_33 : vector<16xf32> to vector<1x16xf32>
    tpu.vector_store %arg6[%swap3A_346, %swap3A_347], %swap3A_350 {strides = array<i32>} : memref<16x224xf32, #tpu.memory_space<vmem>>, vector<1x16xf32>,
    %swap3A_351 = arith.constant 3 : i32
    %swap3A_352 = arith.index_cast %swap3A_351 : i32 to index
    %swap3A_353 = arith.constant 176 : index
    %swap3A_354 = tpu.vector_load %arg6[%swap3A_352, %swap3A_353] {strides = array<i32>} : memref<16x224xf32, #tpu.memory_space<vmem>>, vector<1x16xf32>,
    %swap3A_355 = vector.shape_cast %swap3A_354 : vector<1x16xf32> to vector<16xf32>
    %swap3A_356 = vector.shape_cast %broadcast_in_dim3A_33 : vector<16xf32> to vector<1x16xf32>
    tpu.vector_store %arg6[%swap3A_352, %swap3A_353], %swap3A_356 {strides = array<i32>} : memref<16x224xf32, #tpu.memory_space<vmem>>, vector<1x16xf32>,
    %swap3A_357 = arith.constant 3 : i32
    %swap3A_358 = arith.index_cast %swap3A_357 : i32 to index
    %swap3A_359 = arith.constant 192 : index
    %swap3A_360 = tpu.vector_load %arg6[%swap3A_358, %swap3A_359] {strides = array<i32>} : memref<16x224xf32, #tpu.memory_space<vmem>>, vector<1x16xf32>,
    %swap3A_361 = vector.shape_cast %swap3A_360 : vector<1x16xf32> to vector<16xf32>
    %swap3A_362 = vector.shape_cast %broadcast_in_dim3A_33 : vector<16xf32> to vector<1x16xf32>
    tpu.vector_store %arg6[%swap3A_358, %swap3A_359], %swap3A_362 {strides = array<i32>} : memref<16x224xf32, #tpu.memory_space<vmem>>, vector<1x16xf32>,
    %swap3A_363 = arith.constant 3 : i32
    %swap3A_364 = arith.index_cast %swap3A_363 : i32 to index
    %swap3A_365 = arith.constant 208 : index
    %swap3A_366 = tpu.vector_load %arg6[%swap3A_364, %swap3A_365] {strides = array<i32>} : memref<16x224xf32, #tpu.memory_space<vmem>>, vector<1x16xf32>,
    %swap3A_367 = vector.shape_cast %swap3A_366 : vector<1x16xf32> to vector<16xf32>
    %swap3A_368 = vector.shape_cast %broadcast_in_dim3A_33 : vector<16xf32> to vector<1x16xf32>
    tpu.vector_store %arg6[%swap3A_364, %swap3A_365], %swap3A_368 {strides = array<i32>} : memref<16x224xf32, #tpu.memory_space<vmem>>, vector<1x16xf32>,
    %swap3A_369 = arith.constant 4 : i32
    %swap3A_370 = arith.index_cast %swap3A_369 : i32 to index
    %swap3A_371 = arith.constant 0 : index
    %swap3A_372 = tpu.vector_load %arg6[%swap3A_370, %swap3A_371] {strides = array<i32>} : memref<16x224xf32, #tpu.memory_space<vmem>>, vector<1x16xf32>,
    %swap3A_373 = vector.shape_cast %swap3A_372 : vector<1x16xf32> to vector<16xf32>
    %swap3A_374 = vector.shape_cast %broadcast_in_dim3A_33 : vector<16xf32> to vector<1x16xf32>
    tpu.vector_store %arg6[%swap3A_370, %swap3A_371], %swap3A_374 {strides = array<i32>} : memref<16x224xf32, #tpu.memory_space<vmem>>, vector<1x16xf32>,
    %swap3A_375 = arith.constant 4 : i32
    %swap3A_376 = arith.index_cast %swap3A_375 : i32 to index
    %swap3A_377 = arith.constant 16 : index
    %swap3A_378 = tpu.vector_load %arg6[%swap3A_376, %swap3A_377] {strides = array<i32>} : memref<16x224xf32, #tpu.memory_space<vmem>>, vector<1x16xf32>,
    %swap3A_379 = vector.shape_cast %swap3A_378 : vector<1x16xf32> to vector<16xf32>
    %swap3A_380 = vector.shape_cast %broadcast_in_dim3A_33 : vector<16xf32> to vector<1x16xf32>
    tpu.vector_store %arg6[%swap3A_376, %swap3A_377], %swap3A_380 {strides = array<i32>} : memref<16x224xf32, #tpu.memory_space<vmem>>, vector<1x16xf32>,
    %swap3A_381 = arith.constant 4 : i32
    %swap3A_382 = arith.index_cast %swap3A_381 : i32 to index
    %swap3A_383 = arith.constant 32 : index
    %swap3A_384 = tpu.vector_load %arg6[%swap3A_382, %swap3A_383] {strides = array<i32>} : memref<16x224xf32, #tpu.memory_space<vmem>>, vector<1x16xf32>,
    %swap3A_385 = vector.shape_cast %swap3A_384 : vector<1x16xf32> to vector<16xf32>
    %swap3A_386 = vector.shape_cast %broadcast_in_dim3A_33 : vector<16xf32> to vector<1x16xf32>
    tpu.vector_store %arg6[%swap3A_382, %swap3A_383], %swap3A_386 {strides = array<i32>} : memref<16x224xf32, #tpu.memory_space<vmem>>, vector<1x16xf32>,
    %swap3A_387 = arith.constant 4 : i32
    %swap3A_388 = arith.index_cast %swap3A_387 : i32 to index
    %swap3A_389 = arith.constant 48 : index
    %swap3A_390 = tpu.vector_load %arg6[%swap3A_388, %swap3A_389] {strides = array<i32>} : memref<16x224xf32, #tpu.memory_space<vmem>>, vector<1x16xf32>,
    %swap3A_391 = vector.shape_cast %swap3A_390 : vector<1x16xf32> to vector<16xf32>
    %swap3A_392 = vector.shape_cast %broadcast_in_dim3A_33 : vector<16xf32> to vector<1x16xf32>
    tpu.vector_store %arg6[%swap3A_388, %swap3A_389], %swap3A_392 {strides = array<i32>} : memref<16x224xf32, #tpu.memory_space<vmem>>, vector<1x16xf32>,
    %swap3A_393 = arith.constant 4 : i32
    %swap3A_394 = arith.index_cast %swap3A_393 : i32 to index
    %swap3A_395 = arith.constant 64 : index
    %swap3A_396 = tpu.vector_load %arg6[%swap3A_394, %swap3A_395] {strides = array<i32>} : memref<16x224xf32, #tpu.memory_space<vmem>>, vector<1x16xf32>,
    %swap3A_397 = vector.shape_cast %swap3A_396 : vector<1x16xf32> to vector<16xf32>
    %swap3A_398 = vector.shape_cast %broadcast_in_dim3A_33 : vector<16xf32> to vector<1x16xf32>
    tpu.vector_store %arg6[%swap3A_394, %swap3A_395], %swap3A_398 {strides = array<i32>} : memref<16x224xf32, #tpu.memory_space<vmem>>, vector<1x16xf32>,
    %swap3A_399 = arith.constant 4 : i32
    %swap3A_400 = arith.index_cast %swap3A_399 : i32 to index
    %swap3A_401 = arith.constant 80 : index
    %swap3A_402 = tpu.vector_load %arg6[%swap3A_400, %swap3A_401] {strides = array<i32>} : memref<16x224xf32, #tpu.memory_space<vmem>>, vector<1x16xf32>,
    %swap3A_403 = vector.shape_cast %swap3A_402 : vector<1x16xf32> to vector<16xf32>
    %swap3A_404 = vector.shape_cast %broadcast_in_dim3A_33 : vector<16xf32> to vector<1x16xf32>
    tpu.vector_store %arg6[%swap3A_400, %swap3A_401], %swap3A_404 {strides = array<i32>} : memref<16x224xf32, #tpu.memory_space<vmem>>, vector<1x16xf32>,
    %swap3A_405 = arith.constant 4 : i32
    %swap3A_406 = arith.index_cast %swap3A_405 : i32 to index
    %swap3A_407 = arith.constant 96 : index
    %swap3A_408 = tpu.vector_load %arg6[%swap3A_406, %swap3A_407] {strides = array<i32>} : memref<16x224xf32, #tpu.memory_space<vmem>>, vector<1x16xf32>,
    %swap3A_409 = vector.shape_cast %swap3A_408 : vector<1x16xf32> to vector<16xf32>
    %swap3A_410 = vector.shape_cast %broadcast_in_dim3A_33 : vector<16xf32> to vector<1x16xf32>
    tpu.vector_store %arg6[%swap3A_406, %swap3A_407], %swap3A_410 {strides = array<i32>} : memref<16x224xf32, #tpu.memory_space<vmem>>, vector<1x16xf32>,
    %swap3A_411 = arith.constant 4 : i32
    %swap3A_412 = arith.index_cast %swap3A_411 : i32 to index
    %swap3A_413 = arith.constant 112 : index
    %swap3A_414 = tpu.vector_load %arg6[%swap3A_412, %swap3A_413] {strides = array<i32>} : memref<16x224xf32, #tpu.memory_space<vmem>>, vector<1x16xf32>,
    %swap3A_415 = vector.shape_cast %swap3A_414 : vector<1x16xf32> to vector<16xf32>
    %swap3A_416 = vector.shape_cast %broadcast_in_dim3A_33 : vector<16xf32> to vector<1x16xf32>
    tpu.vector_store %arg6[%swap3A_412, %swap3A_413], %swap3A_416 {strides = array<i32>} : memref<16x224xf32, #tpu.memory_space<vmem>>, vector<1x16xf32>,
    %swap3A_417 = arith.constant 4 : i32
    %swap3A_418 = arith.index_cast %swap3A_417 : i32 to index
    %swap3A_419 = arith.constant 128 : index
    %swap3A_420 = tpu.vector_load %arg6[%swap3A_418, %swap3A_419] {strides = array<i32>} : memref<16x224xf32, #tpu.memory_space<vmem>>, vector<1x16xf32>,
    %swap3A_421 = vector.shape_cast %swap3A_420 : vector<1x16xf32> to vector<16xf32>
    %swap3A_422 = vector.shape_cast %broadcast_in_dim3A_33 : vector<16xf32> to vector<1x16xf32>
    tpu.vector_store %arg6[%swap3A_418, %swap3A_419], %swap3A_422 {strides = array<i32>} : memref<16x224xf32, #tpu.memory_space<vmem>>, vector<1x16xf32>,
    %swap3A_423 = arith.constant 4 : i32
    %swap3A_424 = arith.index_cast %swap3A_423 : i32 to index
    %swap3A_425 = arith.constant 144 : index
    %swap3A_426 = tpu.vector_load %arg6[%swap3A_424, %swap3A_425] {strides = array<i32>} : memref<16x224xf32, #tpu.memory_space<vmem>>, vector<1x16xf32>,
    %swap3A_427 = vector.shape_cast %swap3A_426 : vector<1x16xf32> to vector<16xf32>
    %swap3A_428 = vector.shape_cast %broadcast_in_dim3A_33 : vector<16xf32> to vector<1x16xf32>
    tpu.vector_store %arg6[%swap3A_424, %swap3A_425], %swap3A_428 {strides = array<i32>} : memref<16x224xf32, #tpu.memory_space<vmem>>, vector<1x16xf32>,
    %swap3A_429 = arith.constant 4 : i32
    %swap3A_430 = arith.index_cast %swap3A_429 : i32 to index
    %swap3A_431 = arith.constant 160 : index
    %swap3A_432 = tpu.vector_load %arg6[%swap3A_430, %swap3A_431] {strides = array<i32>} : memref<16x224xf32, #tpu.memory_space<vmem>>, vector<1x16xf32>,
    %swap3A_433 = vector.shape_cast %swap3A_432 : vector<1x16xf32> to vector<16xf32>
    %swap3A_434 = vector.shape_cast %broadcast_in_dim3A_33 : vector<16xf32> to vector<1x16xf32>
    tpu.vector_store %arg6[%swap3A_430, %swap3A_431], %swap3A_434 {strides = array<i32>} : memref<16x224xf32, #tpu.memory_space<vmem>>, vector<1x16xf32>,
    %swap3A_435 = arith.constant 4 : i32
    %swap3A_436 = arith.index_cast %swap3A_435 : i32 to index
    %swap3A_437 = arith.constant 176 : index
    %swap3A_438 = tpu.vector_load %arg6[%swap3A_436, %swap3A_437] {strides = array<i32>} : memref<16x224xf32, #tpu.memory_space<vmem>>, vector<1x16xf32>,
    %swap3A_439 = vector.shape_cast %swap3A_438 : vector<1x16xf32> to vector<16xf32>
    %swap3A_440 = vector.shape_cast %broadcast_in_dim3A_33 : vector<16xf32> to vector<1x16xf32>
    tpu.vector_store %arg6[%swap3A_436, %swap3A_437], %swap3A_440 {strides = array<i32>} : memref<16x224xf32, #tpu.memory_space<vmem>>, vector<1x16xf32>,
    %swap3A_441 = arith.constant 4 : i32
    %swap3A_442 = arith.index_cast %swap3A_441 : i32 to index
    %swap3A_443 = arith.constant 192 : index
    %swap3A_444 = tpu.vector_load %arg6[%swap3A_442, %swap3A_443] {strides = array<i32>} : memref<16x224xf32, #tpu.memory_space<vmem>>, vector<1x16xf32>,
    %swap3A_445 = vector.shape_cast %swap3A_444 : vector<1x16xf32> to vector<16xf32>
    %swap3A_446 = vector.shape_cast %broadcast_in_dim3A_33 : vector<16xf32> to vector<1x16xf32>
    tpu.vector_store %arg6[%swap3A_442, %swap3A_443], %swap3A_446 {strides = array<i32>} : memref<16x224xf32, #tpu.memory_space<vmem>>, vector<1x16xf32>,
    %swap3A_447 = arith.constant 4 : i32
    %swap3A_448 = arith.index_cast %swap3A_447 : i32 to index
    %swap3A_449 = arith.constant 208 : index
    %swap3A_450 = tpu.vector_load %arg6[%swap3A_448, %swap3A_449] {strides = array<i32>} : memref<16x224xf32, #tpu.memory_space<vmem>>, vector<1x16xf32>,
    %swap3A_451 = vector.shape_cast %swap3A_450 : vector<1x16xf32> to vector<16xf32>
    %swap3A_452 = vector.shape_cast %broadcast_in_dim3A_33 : vector<16xf32> to vector<1x16xf32>
    tpu.vector_store %arg6[%swap3A_448, %swap3A_449], %swap3A_452 {strides = array<i32>} : memref<16x224xf32, #tpu.memory_space<vmem>>, vector<1x16xf32>,
    %swap3A_453 = arith.constant 5 : i32
    %swap3A_454 = arith.index_cast %swap3A_453 : i32 to index
    %swap3A_455 = arith.constant 0 : index
    %swap3A_456 = tpu.vector_load %arg6[%swap3A_454, %swap3A_455] {strides = array<i32>} : memref<16x224xf32, #tpu.memory_space<vmem>>, vector<1x16xf32>,
    %swap3A_457 = vector.shape_cast %swap3A_456 : vector<1x16xf32> to vector<16xf32>
    %swap3A_458 = vector.shape_cast %broadcast_in_dim3A_33 : vector<16xf32> to vector<1x16xf32>
    tpu.vector_store %arg6[%swap3A_454, %swap3A_455], %swap3A_458 {strides = array<i32>} : memref<16x224xf32, #tpu.memory_space<vmem>>, vector<1x16xf32>,
    %swap3A_459 = arith.constant 5 : i32
    %swap3A_460 = arith.index_cast %swap3A_459 : i32 to index
    %swap3A_461 = arith.constant 16 : index
    %swap3A_462 = tpu.vector_load %arg6[%swap3A_460, %swap3A_461] {strides = array<i32>} : memref<16x224xf32, #tpu.memory_space<vmem>>, vector<1x16xf32>,
    %swap3A_463 = vector.shape_cast %swap3A_462 : vector<1x16xf32> to vector<16xf32>
    %swap3A_464 = vector.shape_cast %broadcast_in_dim3A_33 : vector<16xf32> to vector<1x16xf32>
    tpu.vector_store %arg6[%swap3A_460, %swap3A_461], %swap3A_464 {strides = array<i32>} : memref<16x224xf32, #tpu.memory_space<vmem>>, vector<1x16xf32>,
    %swap3A_465 = arith.constant 5 : i32
    %swap3A_466 = arith.index_cast %swap3A_465 : i32 to index
    %swap3A_467 = arith.constant 32 : index
    %swap3A_468 = tpu.vector_load %arg6[%swap3A_466, %swap3A_467] {strides = array<i32>} : memref<16x224xf32, #tpu.memory_space<vmem>>, vector<1x16xf32>,
    %swap3A_469 = vector.shape_cast %swap3A_468 : vector<1x16xf32> to vector<16xf32>
    %swap3A_470 = vector.shape_cast %broadcast_in_dim3A_33 : vector<16xf32> to vector<1x16xf32>
    tpu.vector_store %arg6[%swap3A_466, %swap3A_467], %swap3A_470 {strides = array<i32>} : memref<16x224xf32, #tpu.memory_space<vmem>>, vector<1x16xf32>,
    %swap3A_471 = arith.constant 5 : i32
    %swap3A_472 = arith.index_cast %swap3A_471 : i32 to index
    %swap3A_473 = arith.constant 48 : index
    %swap3A_474 = tpu.vector_load %arg6[%swap3A_472, %swap3A_473] {strides = array<i32>} : memref<16x224xf32, #tpu.memory_space<vmem>>, vector<1x16xf32>,
    %swap3A_475 = vector.shape_cast %swap3A_474 : vector<1x16xf32> to vector<16xf32>
    %swap3A_476 = vector.shape_cast %broadcast_in_dim3A_33 : vector<16xf32> to vector<1x16xf32>
    tpu.vector_store %arg6[%swap3A_472, %swap3A_473], %swap3A_476 {strides = array<i32>} : memref<16x224xf32, #tpu.memory_space<vmem>>, vector<1x16xf32>,
    %swap3A_477 = arith.constant 5 : i32
    %swap3A_478 = arith.index_cast %swap3A_477 : i32 to index
    %swap3A_479 = arith.constant 64 : index
    %swap3A_480 = tpu.vector_load %arg6[%swap3A_478, %swap3A_479] {strides = array<i32>} : memref<16x224xf32, #tpu.memory_space<vmem>>, vector<1x16xf32>,
    %swap3A_481 = vector.shape_cast %swap3A_480 : vector<1x16xf32> to vector<16xf32>
    %swap3A_482 = vector.shape_cast %broadcast_in_dim3A_33 : vector<16xf32> to vector<1x16xf32>
    tpu.vector_store %arg6[%swap3A_478, %swap3A_479], %swap3A_482 {strides = array<i32>} : memref<16x224xf32, #tpu.memory_space<vmem>>, vector<1x16xf32>,
    %swap3A_483 = arith.constant 5 : i32
    %swap3A_484 = arith.index_cast %swap3A_483 : i32 to index
    %swap3A_485 = arith.constant 80 : index
    %swap3A_486 = tpu.vector_load %arg6[%swap3A_484, %swap3A_485] {strides = array<i32>} : memref<16x224xf32, #tpu.memory_space<vmem>>, vector<1x16xf32>,
    %swap3A_487 = vector.shape_cast %swap3A_486 : vector<1x16xf32> to vector<16xf32>
    %swap3A_488 = vector.shape_cast %broadcast_in_dim3A_33 : vector<16xf32> to vector<1x16xf32>
    tpu.vector_store %arg6[%swap3A_484, %swap3A_485], %swap3A_488 {strides = array<i32>} : memref<16x224xf32, #tpu.memory_space<vmem>>, vector<1x16xf32>,
    %swap3A_489 = arith.constant 5 : i32
    %swap3A_490 = arith.index_cast %swap3A_489 : i32 to index
    %swap3A_491 = arith.constant 96 : index
    %swap3A_492 = tpu.vector_load %arg6[%swap3A_490, %swap3A_491] {strides = array<i32>} : memref<16x224xf32, #tpu.memory_space<vmem>>, vector<1x16xf32>,
    %swap3A_493 = vector.shape_cast %swap3A_492 : vector<1x16xf32> to vector<16xf32>
    %swap3A_494 = vector.shape_cast %broadcast_in_dim3A_33 : vector<16xf32> to vector<1x16xf32>
    tpu.vector_store %arg6[%swap3A_490, %swap3A_491], %swap3A_494 {strides = array<i32>} : memref<16x224xf32, #tpu.memory_space<vmem>>, vector<1x16xf32>,
    %swap3A_495 = arith.constant 5 : i32
    %swap3A_496 = arith.index_cast %swap3A_495 : i32 to index
    %swap3A_497 = arith.constant 112 : index
    %swap3A_498 = tpu.vector_load %arg6[%swap3A_496, %swap3A_497] {strides = array<i32>} : memref<16x224xf32, #tpu.memory_space<vmem>>, vector<1x16xf32>,
    %swap3A_499 = vector.shape_cast %swap3A_498 : vector<1x16xf32> to vector<16xf32>
    %swap3A_500 = vector.shape_cast %broadcast_in_dim3A_33 : vector<16xf32> to vector<1x16xf32>
    tpu.vector_store %arg6[%swap3A_496, %swap3A_497], %swap3A_500 {strides = array<i32>} : memref<16x224xf32, #tpu.memory_space<vmem>>, vector<1x16xf32>,
    %swap3A_501 = arith.constant 5 : i32
    %swap3A_502 = arith.index_cast %swap3A_501 : i32 to index
    %swap3A_503 = arith.constant 128 : index
    %swap3A_504 = tpu.vector_load %arg6[%swap3A_502, %swap3A_503] {strides = array<i32>} : memref<16x224xf32, #tpu.memory_space<vmem>>, vector<1x16xf32>,
    %swap3A_505 = vector.shape_cast %swap3A_504 : vector<1x16xf32> to vector<16xf32>
    %swap3A_506 = vector.shape_cast %broadcast_in_dim3A_33 : vector<16xf32> to vector<1x16xf32>
    tpu.vector_store %arg6[%swap3A_502, %swap3A_503], %swap3A_506 {strides = array<i32>} : memref<16x224xf32, #tpu.memory_space<vmem>>, vector<1x16xf32>,
    %swap3A_507 = arith.constant 5 : i32
    %swap3A_508 = arith.index_cast %swap3A_507 : i32 to index
    %swap3A_509 = arith.constant 144 : index
    %swap3A_510 = tpu.vector_load %arg6[%swap3A_508, %swap3A_509] {strides = array<i32>} : memref<16x224xf32, #tpu.memory_space<vmem>>, vector<1x16xf32>,
    %swap3A_511 = vector.shape_cast %swap3A_510 : vector<1x16xf32> to vector<16xf32>
    %swap3A_512 = vector.shape_cast %broadcast_in_dim3A_33 : vector<16xf32> to vector<1x16xf32>
    tpu.vector_store %arg6[%swap3A_508, %swap3A_509], %swap3A_512 {strides = array<i32>} : memref<16x224xf32, #tpu.memory_space<vmem>>, vector<1x16xf32>,
    %swap3A_513 = arith.constant 5 : i32
    %swap3A_514 = arith.index_cast %swap3A_513 : i32 to index
    %swap3A_515 = arith.constant 160 : index
    %swap3A_516 = tpu.vector_load %arg6[%swap3A_514, %swap3A_515] {strides = array<i32>} : memref<16x224xf32, #tpu.memory_space<vmem>>, vector<1x16xf32>,
    %swap3A_517 = vector.shape_cast %swap3A_516 : vector<1x16xf32> to vector<16xf32>
    %swap3A_518 = vector.shape_cast %broadcast_in_dim3A_33 : vector<16xf32> to vector<1x16xf32>
    tpu.vector_store %arg6[%swap3A_514, %swap3A_515], %swap3A_518 {strides = array<i32>} : memref<16x224xf32, #tpu.memory_space<vmem>>, vector<1x16xf32>,
    %swap3A_519 = arith.constant 5 : i32
    %swap3A_520 = arith.index_cast %swap3A_519 : i32 to index
    %swap3A_521 = arith.constant 176 : index
    %swap3A_522 = tpu.vector_load %arg6[%swap3A_520, %swap3A_521] {strides = array<i32>} : memref<16x224xf32, #tpu.memory_space<vmem>>, vector<1x16xf32>,
    %swap3A_523 = vector.shape_cast %swap3A_522 : vector<1x16xf32> to vector<16xf32>
    %swap3A_524 = vector.shape_cast %broadcast_in_dim3A_33 : vector<16xf32> to vector<1x16xf32>
    tpu.vector_store %arg6[%swap3A_520, %swap3A_521], %swap3A_524 {strides = array<i32>} : memref<16x224xf32, #tpu.memory_space<vmem>>, vector<1x16xf32>,
    %swap3A_525 = arith.constant 5 : i32
    %swap3A_526 = arith.index_cast %swap3A_525 : i32 to index
    %swap3A_527 = arith.constant 192 : index
    %swap3A_528 = tpu.vector_load %arg6[%swap3A_526, %swap3A_527] {strides = array<i32>} : memref<16x224xf32, #tpu.memory_space<vmem>>, vector<1x16xf32>,
    %swap3A_529 = vector.shape_cast %swap3A_528 : vector<1x16xf32> to vector<16xf32>
    %swap3A_530 = vector.shape_cast %broadcast_in_dim3A_33 : vector<16xf32> to vector<1x16xf32>
    tpu.vector_store %arg6[%swap3A_526, %swap3A_527], %swap3A_530 {strides = array<i32>} : memref<16x224xf32, #tpu.memory_space<vmem>>, vector<1x16xf32>,
    %swap3A_531 = arith.constant 5 : i32
    %swap3A_532 = arith.index_cast %swap3A_531 : i32 to index
    %swap3A_533 = arith.constant 208 : index
    %swap3A_534 = tpu.vector_load %arg6[%swap3A_532, %swap3A_533] {strides = array<i32>} : memref<16x224xf32, #tpu.memory_space<vmem>>, vector<1x16xf32>,
    %swap3A_535 = vector.shape_cast %swap3A_534 : vector<1x16xf32> to vector<16xf32>
    %swap3A_536 = vector.shape_cast %broadcast_in_dim3A_33 : vector<16xf32> to vector<1x16xf32>
    tpu.vector_store %arg6[%swap3A_532, %swap3A_533], %swap3A_536 {strides = array<i32>} : memref<16x224xf32, #tpu.memory_space<vmem>>, vector<1x16xf32>,
    %swap3A_537 = arith.constant 6 : i32
    %swap3A_538 = arith.index_cast %swap3A_537 : i32 to index
    %swap3A_539 = arith.constant 0 : index
    %swap3A_540 = tpu.vector_load %arg6[%swap3A_538, %swap3A_539] {strides = array<i32>} : memref<16x224xf32, #tpu.memory_space<vmem>>, vector<1x16xf32>,
    %swap3A_541 = vector.shape_cast %swap3A_540 : vector<1x16xf32> to vector<16xf32>
    %swap3A_542 = vector.shape_cast %broadcast_in_dim3A_33 : vector<16xf32> to vector<1x16xf32>
    tpu.vector_store %arg6[%swap3A_538, %swap3A_539], %swap3A_542 {strides = array<i32>} : memref<16x224xf32, #tpu.memory_space<vmem>>, vector<1x16xf32>,
    %swap3A_543 = arith.constant 6 : i32
    %swap3A_544 = arith.index_cast %swap3A_543 : i32 to index
    %swap3A_545 = arith.constant 16 : index
    %swap3A_546 = tpu.vector_load %arg6[%swap3A_544, %swap3A_545] {strides = array<i32>} : memref<16x224xf32, #tpu.memory_space<vmem>>, vector<1x16xf32>,
    %swap3A_547 = vector.shape_cast %swap3A_546 : vector<1x16xf32> to vector<16xf32>
    %swap3A_548 = vector.shape_cast %broadcast_in_dim3A_33 : vector<16xf32> to vector<1x16xf32>
    tpu.vector_store %arg6[%swap3A_544, %swap3A_545], %swap3A_548 {strides = array<i32>} : memref<16x224xf32, #tpu.memory_space<vmem>>, vector<1x16xf32>,
    %swap3A_549 = arith.constant 6 : i32
    %swap3A_550 = arith.index_cast %swap3A_549 : i32 to index
    %swap3A_551 = arith.constant 32 : index
    %swap3A_552 = tpu.vector_load %arg6[%swap3A_550, %swap3A_551] {strides = array<i32>} : memref<16x224xf32, #tpu.memory_space<vmem>>, vector<1x16xf32>,
    %swap3A_553 = vector.shape_cast %swap3A_552 : vector<1x16xf32> to vector<16xf32>
    %swap3A_554 = vector.shape_cast %broadcast_in_dim3A_33 : vector<16xf32> to vector<1x16xf32>
    tpu.vector_store %arg6[%swap3A_550, %swap3A_551], %swap3A_554 {strides = array<i32>} : memref<16x224xf32, #tpu.memory_space<vmem>>, vector<1x16xf32>,
    %swap3A_555 = arith.constant 6 : i32
    %swap3A_556 = arith.index_cast %swap3A_555 : i32 to index
    %swap3A_557 = arith.constant 48 : index
    %swap3A_558 = tpu.vector_load %arg6[%swap3A_556, %swap3A_557] {strides = array<i32>} : memref<16x224xf32, #tpu.memory_space<vmem>>, vector<1x16xf32>,
    %swap3A_559 = vector.shape_cast %swap3A_558 : vector<1x16xf32> to vector<16xf32>
    %swap3A_560 = vector.shape_cast %broadcast_in_dim3A_33 : vector<16xf32> to vector<1x16xf32>
    tpu.vector_store %arg6[%swap3A_556, %swap3A_557], %swap3A_560 {strides = array<i32>} : memref<16x224xf32, #tpu.memory_space<vmem>>, vector<1x16xf32>,
    %swap3A_561 = arith.constant 6 : i32
    %swap3A_562 = arith.index_cast %swap3A_561 : i32 to index
    %swap3A_563 = arith.constant 64 : index
    %swap3A_564 = tpu.vector_load %arg6[%swap3A_562, %swap3A_563] {strides = array<i32>} : memref<16x224xf32, #tpu.memory_space<vmem>>, vector<1x16xf32>,
    %swap3A_565 = vector.shape_cast %swap3A_564 : vector<1x16xf32> to vector<16xf32>
    %swap3A_566 = vector.shape_cast %broadcast_in_dim3A_33 : vector<16xf32> to vector<1x16xf32>
    tpu.vector_store %arg6[%swap3A_562, %swap3A_563], %swap3A_566 {strides = array<i32>} : memref<16x224xf32, #tpu.memory_space<vmem>>, vector<1x16xf32>,
    %swap3A_567 = arith.constant 6 : i32
    %swap3A_568 = arith.index_cast %swap3A_567 : i32 to index
    %swap3A_569 = arith.constant 80 : index
    %swap3A_570 = tpu.vector_load %arg6[%swap3A_568, %swap3A_569] {strides = array<i32>} : memref<16x224xf32, #tpu.memory_space<vmem>>, vector<1x16xf32>,
    %swap3A_571 = vector.shape_cast %swap3A_570 : vector<1x16xf32> to vector<16xf32>
    %swap3A_572 = vector.shape_cast %broadcast_in_dim3A_33 : vector<16xf32> to vector<1x16xf32>
    tpu.vector_store %arg6[%swap3A_568, %swap3A_569], %swap3A_572 {strides = array<i32>} : memref<16x224xf32, #tpu.memory_space<vmem>>, vector<1x16xf32>,
    %swap3A_573 = arith.constant 6 : i32
    %swap3A_574 = arith.index_cast %swap3A_573 : i32 to index
    %swap3A_575 = arith.constant 96 : index
    %swap3A_576 = tpu.vector_load %arg6[%swap3A_574, %swap3A_575] {strides = array<i32>} : memref<16x224xf32, #tpu.memory_space<vmem>>, vector<1x16xf32>,
    %swap3A_577 = vector.shape_cast %swap3A_576 : vector<1x16xf32> to vector<16xf32>
    %swap3A_578 = vector.shape_cast %broadcast_in_dim3A_33 : vector<16xf32> to vector<1x16xf32>
    tpu.vector_store %arg6[%swap3A_574, %swap3A_575], %swap3A_578 {strides = array<i32>} : memref<16x224xf32, #tpu.memory_space<vmem>>, vector<1x16xf32>,
    %swap3A_579 = arith.constant 6 : i32
    %swap3A_580 = arith.index_cast %swap3A_579 : i32 to index
    %swap3A_581 = arith.constant 112 : index
    %swap3A_582 = tpu.vector_load %arg6[%swap3A_580, %swap3A_581] {strides = array<i32>} : memref<16x224xf32, #tpu.memory_space<vmem>>, vector<1x16xf32>,
    %swap3A_583 = vector.shape_cast %swap3A_582 : vector<1x16xf32> to vector<16xf32>
    %swap3A_584 = vector.shape_cast %broadcast_in_dim3A_33 : vector<16xf32> to vector<1x16xf32>
    tpu.vector_store %arg6[%swap3A_580, %swap3A_581], %swap3A_584 {strides = array<i32>} : memref<16x224xf32, #tpu.memory_space<vmem>>, vector<1x16xf32>,
    %swap3A_585 = arith.constant 6 : i32
    %swap3A_586 = arith.index_cast %swap3A_585 : i32 to index
    %swap3A_587 = arith.constant 128 : index
    %swap3A_588 = tpu.vector_load %arg6[%swap3A_586, %swap3A_587] {strides = array<i32>} : memref<16x224xf32, #tpu.memory_space<vmem>>, vector<1x16xf32>,
    %swap3A_589 = vector.shape_cast %swap3A_588 : vector<1x16xf32> to vector<16xf32>
    %swap3A_590 = vector.shape_cast %broadcast_in_dim3A_33 : vector<16xf32> to vector<1x16xf32>
    tpu.vector_store %arg6[%swap3A_586, %swap3A_587], %swap3A_590 {strides = array<i32>} : memref<16x224xf32, #tpu.memory_space<vmem>>, vector<1x16xf32>,
    %swap3A_591 = arith.constant 6 : i32
    %swap3A_592 = arith.index_cast %swap3A_591 : i32 to index
    %swap3A_593 = arith.constant 144 : index
    %swap3A_594 = tpu.vector_load %arg6[%swap3A_592, %swap3A_593] {strides = array<i32>} : memref<16x224xf32, #tpu.memory_space<vmem>>, vector<1x16xf32>,
    %swap3A_595 = vector.shape_cast %swap3A_594 : vector<1x16xf32> to vector<16xf32>
    %swap3A_596 = vector.shape_cast %broadcast_in_dim3A_33 : vector<16xf32> to vector<1x16xf32>
    tpu.vector_store %arg6[%swap3A_592, %swap3A_593], %swap3A_596 {strides = array<i32>} : memref<16x224xf32, #tpu.memory_space<vmem>>, vector<1x16xf32>,
    %swap3A_597 = arith.constant 6 : i32
    %swap3A_598 = arith.index_cast %swap3A_597 : i32 to index
    %swap3A_599 = arith.constant 160 : index
    %swap3A_600 = tpu.vector_load %arg6[%swap3A_598, %swap3A_599] {strides = array<i32>} : memref<16x224xf32, #tpu.memory_space<vmem>>, vector<1x16xf32>,
    %swap3A_601 = vector.shape_cast %swap3A_600 : vector<1x16xf32> to vector<16xf32>
    %swap3A_602 = vector.shape_cast %broadcast_in_dim3A_33 : vector<16xf32> to vector<1x16xf32>
    tpu.vector_store %arg6[%swap3A_598, %swap3A_599], %swap3A_602 {strides = array<i32>} : memref<16x224xf32, #tpu.memory_space<vmem>>, vector<1x16xf32>,
    %swap3A_603 = arith.constant 6 : i32
    %swap3A_604 = arith.index_cast %swap3A_603 : i32 to index
    %swap3A_605 = arith.constant 176 : index
    %swap3A_606 = tpu.vector_load %arg6[%swap3A_604, %swap3A_605] {strides = array<i32>} : memref<16x224xf32, #tpu.memory_space<vmem>>, vector<1x16xf32>,
    %swap3A_607 = vector.shape_cast %swap3A_606 : vector<1x16xf32> to vector<16xf32>
    %swap3A_608 = vector.shape_cast %broadcast_in_dim3A_33 : vector<16xf32> to vector<1x16xf32>
    tpu.vector_store %arg6[%swap3A_604, %swap3A_605], %swap3A_608 {strides = array<i32>} : memref<16x224xf32, #tpu.memory_space<vmem>>, vector<1x16xf32>,
    %swap3A_609 = arith.constant 6 : i32
    %swap3A_610 = arith.index_cast %swap3A_609 : i32 to index
    %swap3A_611 = arith.constant 192 : index
    %swap3A_612 = tpu.vector_load %arg6[%swap3A_610, %swap3A_611] {strides = array<i32>} : memref<16x224xf32, #tpu.memory_space<vmem>>, vector<1x16xf32>,
    %swap3A_613 = vector.shape_cast %swap3A_612 : vector<1x16xf32> to vector<16xf32>
    %swap3A_614 = vector.shape_cast %broadcast_in_dim3A_33 : vector<16xf32> to vector<1x16xf32>
    tpu.vector_store %arg6[%swap3A_610, %swap3A_611], %swap3A_614 {strides = array<i32>} : memref<16x224xf32, #tpu.memory_space<vmem>>, vector<1x16xf32>,
    %swap3A_615 = arith.constant 6 : i32
    %swap3A_616 = arith.index_cast %swap3A_615 : i32 to index
    %swap3A_617 = arith.constant 208 : index
    %swap3A_618 = tpu.vector_load %arg6[%swap3A_616, %swap3A_617] {strides = array<i32>} : memref<16x224xf32, #tpu.memory_space<vmem>>, vector<1x16xf32>,
    %swap3A_619 = vector.shape_cast %swap3A_618 : vector<1x16xf32> to vector<16xf32>
    %swap3A_620 = vector.shape_cast %broadcast_in_dim3A_33 : vector<16xf32> to vector<1x16xf32>
    tpu.vector_store %arg6[%swap3A_616, %swap3A_617], %swap3A_620 {strides = array<i32>} : memref<16x224xf32, #tpu.memory_space<vmem>>, vector<1x16xf32>,
    %swap3A_621 = arith.constant 7 : i32
    %swap3A_622 = arith.index_cast %swap3A_621 : i32 to index
    %swap3A_623 = arith.constant 0 : index
    %swap3A_624 = tpu.vector_load %arg6[%swap3A_622, %swap3A_623] {strides = array<i32>} : memref<16x224xf32, #tpu.memory_space<vmem>>, vector<1x16xf32>,
    %swap3A_625 = vector.shape_cast %swap3A_624 : vector<1x16xf32> to vector<16xf32>
    %swap3A_626 = vector.shape_cast %broadcast_in_dim3A_33 : vector<16xf32> to vector<1x16xf32>
    tpu.vector_store %arg6[%swap3A_622, %swap3A_623], %swap3A_626 {strides = array<i32>} : memref<16x224xf32, #tpu.memory_space<vmem>>, vector<1x16xf32>,
    %swap3A_627 = arith.constant 7 : i32
    %swap3A_628 = arith.index_cast %swap3A_627 : i32 to index
    %swap3A_629 = arith.constant 16 : index
    %swap3A_630 = tpu.vector_load %arg6[%swap3A_628, %swap3A_629] {strides = array<i32>} : memref<16x224xf32, #tpu.memory_space<vmem>>, vector<1x16xf32>,
    %swap3A_631 = vector.shape_cast %swap3A_630 : vector<1x16xf32> to vector<16xf32>
    %swap3A_632 = vector.shape_cast %broadcast_in_dim3A_33 : vector<16xf32> to vector<1x16xf32>
    tpu.vector_store %arg6[%swap3A_628, %swap3A_629], %swap3A_632 {strides = array<i32>} : memref<16x224xf32, #tpu.memory_space<vmem>>, vector<1x16xf32>,
    %swap3A_633 = arith.constant 7 : i32
    %swap3A_634 = arith.index_cast %swap3A_633 : i32 to index
    %swap3A_635 = arith.constant 32 : index
    %swap3A_636 = tpu.vector_load %arg6[%swap3A_634, %swap3A_635] {strides = array<i32>} : memref<16x224xf32, #tpu.memory_space<vmem>>, vector<1x16xf32>,
    %swap3A_637 = vector.shape_cast %swap3A_636 : vector<1x16xf32> to vector<16xf32>
    %swap3A_638 = vector.shape_cast %broadcast_in_dim3A_33 : vector<16xf32> to vector<1x16xf32>
    tpu.vector_store %arg6[%swap3A_634, %swap3A_635], %swap3A_638 {strides = array<i32>} : memref<16x224xf32, #tpu.memory_space<vmem>>, vector<1x16xf32>,
    %swap3A_639 = arith.constant 7 : i32
    %swap3A_640 = arith.index_cast %swap3A_639 : i32 to index
    %swap3A_641 = arith.constant 48 : index
    %swap3A_642 = tpu.vector_load %arg6[%swap3A_640, %swap3A_641] {strides = array<i32>} : memref<16x224xf32, #tpu.memory_space<vmem>>, vector<1x16xf32>,
    %swap3A_643 = vector.shape_cast %swap3A_642 : vector<1x16xf32> to vector<16xf32>
    %swap3A_644 = vector.shape_cast %broadcast_in_dim3A_33 : vector<16xf32> to vector<1x16xf32>
    tpu.vector_store %arg6[%swap3A_640, %swap3A_641], %swap3A_644 {strides = array<i32>} : memref<16x224xf32, #tpu.memory_space<vmem>>, vector<1x16xf32>,
    %swap3A_645 = arith.constant 7 : i32
    %swap3A_646 = arith.index_cast %swap3A_645 : i32 to index
    %swap3A_647 = arith.constant 64 : index
    %swap3A_648 = tpu.vector_load %arg6[%swap3A_646, %swap3A_647] {strides = array<i32>} : memref<16x224xf32, #tpu.memory_space<vmem>>, vector<1x16xf32>,
    %swap3A_649 = vector.shape_cast %swap3A_648 : vector<1x16xf32> to vector<16xf32>
    %swap3A_650 = vector.shape_cast %broadcast_in_dim3A_33 : vector<16xf32> to vector<1x16xf32>
    tpu.vector_store %arg6[%swap3A_646, %swap3A_647], %swap3A_650 {strides = array<i32>} : memref<16x224xf32, #tpu.memory_space<vmem>>, vector<1x16xf32>,
    %swap3A_651 = arith.constant 7 : i32
    %swap3A_652 = arith.index_cast %swap3A_651 : i32 to index
    %swap3A_653 = arith.constant 80 : index
    %swap3A_654 = tpu.vector_load %arg6[%swap3A_652, %swap3A_653] {strides = array<i32>} : memref<16x224xf32, #tpu.memory_space<vmem>>, vector<1x16xf32>,
    %swap3A_655 = vector.shape_cast %swap3A_654 : vector<1x16xf32> to vector<16xf32>
    %swap3A_656 = vector.shape_cast %broadcast_in_dim3A_33 : vector<16xf32> to vector<1x16xf32>
    tpu.vector_store %arg6[%swap3A_652, %swap3A_653], %swap3A_656 {strides = array<i32>} : memref<16x224xf32, #tpu.memory_space<vmem>>, vector<1x16xf32>,
    %swap3A_657 = arith.constant 7 : i32
    %swap3A_658 = arith.index_cast %swap3A_657 : i32 to index
    %swap3A_659 = arith.constant 96 : index
    %swap3A_660 = tpu.vector_load %arg6[%swap3A_658, %swap3A_659] {strides = array<i32>} : memref<16x224xf32, #tpu.memory_space<vmem>>, vector<1x16xf32>,
    %swap3A_661 = vector.shape_cast %swap3A_660 : vector<1x16xf32> to vector<16xf32>
    %swap3A_662 = vector.shape_cast %broadcast_in_dim3A_33 : vector<16xf32> to vector<1x16xf32>
    tpu.vector_store %arg6[%swap3A_658, %swap3A_659], %swap3A_662 {strides = array<i32>} : memref<16x224xf32, #tpu.memory_space<vmem>>, vector<1x16xf32>,
    %swap3A_663 = arith.constant 7 : i32
    %swap3A_664 = arith.index_cast %swap3A_663 : i32 to index
    %swap3A_665 = arith.constant 112 : index
    %swap3A_666 = tpu.vector_load %arg6[%swap3A_664, %swap3A_665] {strides = array<i32>} : memref<16x224xf32, #tpu.memory_space<vmem>>, vector<1x16xf32>,
    %swap3A_667 = vector.shape_cast %swap3A_666 : vector<1x16xf32> to vector<16xf32>
    %swap3A_668 = vector.shape_cast %broadcast_in_dim3A_33 : vector<16xf32> to vector<1x16xf32>
    tpu.vector_store %arg6[%swap3A_664, %swap3A_665], %swap3A_668 {strides = array<i32>} : memref<16x224xf32, #tpu.memory_space<vmem>>, vector<1x16xf32>,
    %swap3A_669 = arith.constant 7 : i32
    %swap3A_670 = arith.index_cast %swap3A_669 : i32 to index
    %swap3A_671 = arith.constant 128 : index
    %swap3A_672 = tpu.vector_load %arg6[%swap3A_670, %swap3A_671] {strides = array<i32>} : memref<16x224xf32, #tpu.memory_space<vmem>>, vector<1x16xf32>,
    %swap3A_673 = vector.shape_cast %swap3A_672 : vector<1x16xf32> to vector<16xf32>
    %swap3A_674 = vector.shape_cast %broadcast_in_dim3A_33 : vector<16xf32> to vector<1x16xf32>
    tpu.vector_store %arg6[%swap3A_670, %swap3A_671], %swap3A_674 {strides = array<i32>} : memref<16x224xf32, #tpu.memory_space<vmem>>, vector<1x16xf32>,
    %swap3A_675 = arith.constant 7 : i32
    %swap3A_676 = arith.index_cast %swap3A_675 : i32 to index
    %swap3A_677 = arith.constant 144 : index
    %swap3A_678 = tpu.vector_load %arg6[%swap3A_676, %swap3A_677] {strides = array<i32>} : memref<16x224xf32, #tpu.memory_space<vmem>>, vector<1x16xf32>,
    %swap3A_679 = vector.shape_cast %swap3A_678 : vector<1x16xf32> to vector<16xf32>
    %swap3A_680 = vector.shape_cast %broadcast_in_dim3A_33 : vector<16xf32> to vector<1x16xf32>
    tpu.vector_store %arg6[%swap3A_676, %swap3A_677], %swap3A_680 {strides = array<i32>} : memref<16x224xf32, #tpu.memory_space<vmem>>, vector<1x16xf32>,
    %swap3A_681 = arith.constant 7 : i32
    %swap3A_682 = arith.index_cast %swap3A_681 : i32 to index
    %swap3A_683 = arith.constant 160 : index
    %swap3A_684 = tpu.vector_load %arg6[%swap3A_682, %swap3A_683] {strides = array<i32>} : memref<16x224xf32, #tpu.memory_space<vmem>>, vector<1x16xf32>,
    %swap3A_685 = vector.shape_cast %swap3A_684 : vector<1x16xf32> to vector<16xf32>
    %swap3A_686 = vector.shape_cast %broadcast_in_dim3A_33 : vector<16xf32> to vector<1x16xf32>
    tpu.vector_store %arg6[%swap3A_682, %swap3A_683], %swap3A_686 {strides = array<i32>} : memref<16x224xf32, #tpu.memory_space<vmem>>, vector<1x16xf32>,
    %swap3A_687 = arith.constant 7 : i32
    %swap3A_688 = arith.index_cast %swap3A_687 : i32 to index
    %swap3A_689 = arith.constant 176 : index
    %swap3A_690 = tpu.vector_load %arg6[%swap3A_688, %swap3A_689] {strides = array<i32>} : memref<16x224xf32, #tpu.memory_space<vmem>>, vector<1x16xf32>,
    %swap3A_691 = vector.shape_cast %swap3A_690 : vector<1x16xf32> to vector<16xf32>
    %swap3A_692 = vector.shape_cast %broadcast_in_dim3A_33 : vector<16xf32> to vector<1x16xf32>
    tpu.vector_store %arg6[%swap3A_688, %swap3A_689], %swap3A_692 {strides = array<i32>} : memref<16x224xf32, #tpu.memory_space<vmem>>, vector<1x16xf32>,
    %swap3A_693 = arith.constant 7 : i32
    %swap3A_694 = arith.index_cast %swap3A_693 : i32 to index
    %swap3A_695 = arith.constant 192 : index
    %swap3A_696 = tpu.vector_load %arg6[%swap3A_694, %swap3A_695] {strides = array<i32>} : memref<16x224xf32, #tpu.memory_space<vmem>>, vector<1x16xf32>,
    %swap3A_697 = vector.shape_cast %swap3A_696 : vector<1x16xf32> to vector<16xf32>
    %swap3A_698 = vector.shape_cast %broadcast_in_dim3A_33 : vector<16xf32> to vector<1x16xf32>
    tpu.vector_store %arg6[%swap3A_694, %swap3A_695], %swap3A_698 {strides = array<i32>} : memref<16x224xf32, #tpu.memory_space<vmem>>, vector<1x16xf32>,
    %swap3A_699 = arith.constant 7 : i32
    %swap3A_700 = arith.index_cast %swap3A_699 : i32 to index
    %swap3A_701 = arith.constant 208 : index
    %swap3A_702 = tpu.vector_load %arg6[%swap3A_700, %swap3A_701] {strides = array<i32>} : memref<16x224xf32, #tpu.memory_space<vmem>>, vector<1x16xf32>,
    %swap3A_703 = vector.shape_cast %swap3A_702 : vector<1x16xf32> to vector<16xf32>
    %swap3A_704 = vector.shape_cast %broadcast_in_dim3A_33 : vector<16xf32> to vector<1x16xf32>
    tpu.vector_store %arg6[%swap3A_700, %swap3A_701], %swap3A_704 {strides = array<i32>} : memref<16x224xf32, #tpu.memory_space<vmem>>, vector<1x16xf32>,
    %swap3A_705 = arith.constant 8 : i32
    %swap3A_706 = arith.index_cast %swap3A_705 : i32 to index
    %swap3A_707 = arith.constant 0 : index
    %swap3A_708 = tpu.vector_load %arg6[%swap3A_706, %swap3A_707] {strides = array<i32>} : memref<16x224xf32, #tpu.memory_space<vmem>>, vector<1x16xf32>,
    %swap3A_709 = vector.shape_cast %swap3A_708 : vector<1x16xf32> to vector<16xf32>
    %swap3A_710 = vector.shape_cast %broadcast_in_dim3A_33 : vector<16xf32> to vector<1x16xf32>
    tpu.vector_store %arg6[%swap3A_706, %swap3A_707], %swap3A_710 {strides = array<i32>} : memref<16x224xf32, #tpu.memory_space<vmem>>, vector<1x16xf32>,
    %swap3A_711 = arith.constant 8 : i32
    %swap3A_712 = arith.index_cast %swap3A_711 : i32 to index
    %swap3A_713 = arith.constant 16 : index
    %swap3A_714 = tpu.vector_load %arg6[%swap3A_712, %swap3A_713] {strides = array<i32>} : memref<16x224xf32, #tpu.memory_space<vmem>>, vector<1x16xf32>,
    %swap3A_715 = vector.shape_cast %swap3A_714 : vector<1x16xf32> to vector<16xf32>
    %swap3A_716 = vector.shape_cast %broadcast_in_dim3A_33 : vector<16xf32> to vector<1x16xf32>
    tpu.vector_store %arg6[%swap3A_712, %swap3A_713], %swap3A_716 {strides = array<i32>} : memref<16x224xf32, #tpu.memory_space<vmem>>, vector<1x16xf32>,
    %swap3A_717 = arith.constant 8 : i32
    %swap3A_718 = arith.index_cast %swap3A_717 : i32 to index
    %swap3A_719 = arith.constant 32 : index
    %swap3A_720 = tpu.vector_load %arg6[%swap3A_718, %swap3A_719] {strides = array<i32>} : memref<16x224xf32, #tpu.memory_space<vmem>>, vector<1x16xf32>,
    %swap3A_721 = vector.shape_cast %swap3A_720 : vector<1x16xf32> to vector<16xf32>
    %swap3A_722 = vector.shape_cast %broadcast_in_dim3A_33 : vector<16xf32> to vector<1x16xf32>
    tpu.vector_store %arg6[%swap3A_718, %swap3A_719], %swap3A_722 {strides = array<i32>} : memref<16x224xf32, #tpu.memory_space<vmem>>, vector<1x16xf32>,
    %swap3A_723 = arith.constant 8 : i32
    %swap3A_724 = arith.index_cast %swap3A_723 : i32 to index
    %swap3A_725 = arith.constant 48 : index
    %swap3A_726 = tpu.vector_load %arg6[%swap3A_724, %swap3A_725] {strides = array<i32>} : memref<16x224xf32, #tpu.memory_space<vmem>>, vector<1x16xf32>,
    %swap3A_727 = vector.shape_cast %swap3A_726 : vector<1x16xf32> to vector<16xf32>
    %swap3A_728 = vector.shape_cast %broadcast_in_dim3A_33 : vector<16xf32> to vector<1x16xf32>
    tpu.vector_store %arg6[%swap3A_724, %swap3A_725], %swap3A_728 {strides = array<i32>} : memref<16x224xf32, #tpu.memory_space<vmem>>, vector<1x16xf32>,
    %swap3A_729 = arith.constant 8 : i32
    %swap3A_730 = arith.index_cast %swap3A_729 : i32 to index
    %swap3A_731 = arith.constant 64 : index
    %swap3A_732 = tpu.vector_load %arg6[%swap3A_730, %swap3A_731] {strides = array<i32>} : memref<16x224xf32, #tpu.memory_space<vmem>>, vector<1x16xf32>,
    %swap3A_733 = vector.shape_cast %swap3A_732 : vector<1x16xf32> to vector<16xf32>
    %swap3A_734 = vector.shape_cast %broadcast_in_dim3A_33 : vector<16xf32> to vector<1x16xf32>
    tpu.vector_store %arg6[%swap3A_730, %swap3A_731], %swap3A_734 {strides = array<i32>} : memref<16x224xf32, #tpu.memory_space<vmem>>, vector<1x16xf32>,
    %swap3A_735 = arith.constant 8 : i32
    %swap3A_736 = arith.index_cast %swap3A_735 : i32 to index
    %swap3A_737 = arith.constant 80 : index
    %swap3A_738 = tpu.vector_load %arg6[%swap3A_736, %swap3A_737] {strides = array<i32>} : memref<16x224xf32, #tpu.memory_space<vmem>>, vector<1x16xf32>,
    %swap3A_739 = vector.shape_cast %swap3A_738 : vector<1x16xf32> to vector<16xf32>
    %swap3A_740 = vector.shape_cast %broadcast_in_dim3A_33 : vector<16xf32> to vector<1x16xf32>
    tpu.vector_store %arg6[%swap3A_736, %swap3A_737], %swap3A_740 {strides = array<i32>} : memref<16x224xf32, #tpu.memory_space<vmem>>, vector<1x16xf32>,
    %swap3A_741 = arith.constant 8 : i32
    %swap3A_742 = arith.index_cast %swap3A_741 : i32 to index
    %swap3A_743 = arith.constant 96 : index
    %swap3A_744 = tpu.vector_load %arg6[%swap3A_742, %swap3A_743] {strides = array<i32>} : memref<16x224xf32, #tpu.memory_space<vmem>>, vector<1x16xf32>,
    %swap3A_745 = vector.shape_cast %swap3A_744 : vector<1x16xf32> to vector<16xf32>
    %swap3A_746 = vector.shape_cast %broadcast_in_dim3A_33 : vector<16xf32> to vector<1x16xf32>
    tpu.vector_store %arg6[%swap3A_742, %swap3A_743], %swap3A_746 {strides = array<i32>} : memref<16x224xf32, #tpu.memory_space<vmem>>, vector<1x16xf32>,
    %swap3A_747 = arith.constant 8 : i32
    %swap3A_748 = arith.index_cast %swap3A_747 : i32 to index
    %swap3A_749 = arith.constant 112 : index
    %swap3A_750 = tpu.vector_load %arg6[%swap3A_748, %swap3A_749] {strides = array<i32>} : memref<16x224xf32, #tpu.memory_space<vmem>>, vector<1x16xf32>,
    %swap3A_751 = vector.shape_cast %swap3A_750 : vector<1x16xf32> to vector<16xf32>
    %swap3A_752 = vector.shape_cast %broadcast_in_dim3A_33 : vector<16xf32> to vector<1x16xf32>
    tpu.vector_store %arg6[%swap3A_748, %swap3A_749], %swap3A_752 {strides = array<i32>} : memref<16x224xf32, #tpu.memory_space<vmem>>, vector<1x16xf32>,
    %swap3A_753 = arith.constant 8 : i32
    %swap3A_754 = arith.index_cast %swap3A_753 : i32 to index
    %swap3A_755 = arith.constant 128 : index
    %swap3A_756 = tpu.vector_load %arg6[%swap3A_754, %swap3A_755] {strides = array<i32>} : memref<16x224xf32, #tpu.memory_space<vmem>>, vector<1x16xf32>,
    %swap3A_757 = vector.shape_cast %swap3A_756 : vector<1x16xf32> to vector<16xf32>
    %swap3A_758 = vector.shape_cast %broadcast_in_dim3A_33 : vector<16xf32> to vector<1x16xf32>
    tpu.vector_store %arg6[%swap3A_754, %swap3A_755], %swap3A_758 {strides = array<i32>} : memref<16x224xf32, #tpu.memory_space<vmem>>, vector<1x16xf32>,
    %swap3A_759 = arith.constant 8 : i32
    %swap3A_760 = arith.index_cast %swap3A_759 : i32 to index
    %swap3A_761 = arith.constant 144 : index
    %swap3A_762 = tpu.vector_load %arg6[%swap3A_760, %swap3A_761] {strides = array<i32>} : memref<16x224xf32, #tpu.memory_space<vmem>>, vector<1x16xf32>,
    %swap3A_763 = vector.shape_cast %swap3A_762 : vector<1x16xf32> to vector<16xf32>
    %swap3A_764 = vector.shape_cast %broadcast_in_dim3A_33 : vector<16xf32> to vector<1x16xf32>
    tpu.vector_store %arg6[%swap3A_760, %swap3A_761], %swap3A_764 {strides = array<i32>} : memref<16x224xf32, #tpu.memory_space<vmem>>, vector<1x16xf32>,
    %swap3A_765 = arith.constant 8 : i32
    %swap3A_766 = arith.index_cast %swap3A_765 : i32 to index
    %swap3A_767 = arith.constant 160 : index
    %swap3A_768 = tpu.vector_load %arg6[%swap3A_766, %swap3A_767] {strides = array<i32>} : memref<16x224xf32, #tpu.memory_space<vmem>>, vector<1x16xf32>,
    %swap3A_769 = vector.shape_cast %swap3A_768 : vector<1x16xf32> to vector<16xf32>
    %swap3A_770 = vector.shape_cast %broadcast_in_dim3A_33 : vector<16xf32> to vector<1x16xf32>
    tpu.vector_store %arg6[%swap3A_766, %swap3A_767], %swap3A_770 {strides = array<i32>} : memref<16x224xf32, #tpu.memory_space<vmem>>, vector<1x16xf32>,
    %swap3A_771 = arith.constant 8 : i32
    %swap3A_772 = arith.index_cast %swap3A_771 : i32 to index
    %swap3A_773 = arith.constant 176 : index
    %swap3A_774 = tpu.vector_load %arg6[%swap3A_772, %swap3A_773] {strides = array<i32>} : memref<16x224xf32, #tpu.memory_space<vmem>>, vector<1x16xf32>,
    %swap3A_775 = vector.shape_cast %swap3A_774 : vector<1x16xf32> to vector<16xf32>
    %swap3A_776 = vector.shape_cast %broadcast_in_dim3A_33 : vector<16xf32> to vector<1x16xf32>
    tpu.vector_store %arg6[%swap3A_772, %swap3A_773], %swap3A_776 {strides = array<i32>} : memref<16x224xf32, #tpu.memory_space<vmem>>, vector<1x16xf32>,
    %swap3A_777 = arith.constant 8 : i32
    %swap3A_778 = arith.index_cast %swap3A_777 : i32 to index
    %swap3A_779 = arith.constant 192 : index
    %swap3A_780 = tpu.vector_load %arg6[%swap3A_778, %swap3A_779] {strides = array<i32>} : memref<16x224xf32, #tpu.memory_space<vmem>>, vector<1x16xf32>,
    %swap3A_781 = vector.shape_cast %swap3A_780 : vector<1x16xf32> to vector<16xf32>
    %swap3A_782 = vector.shape_cast %broadcast_in_dim3A_33 : vector<16xf32> to vector<1x16xf32>
    tpu.vector_store %arg6[%swap3A_778, %swap3A_779], %swap3A_782 {strides = array<i32>} : memref<16x224xf32, #tpu.memory_space<vmem>>, vector<1x16xf32>,
    %swap3A_783 = arith.constant 8 : i32
    %swap3A_784 = arith.index_cast %swap3A_783 : i32 to index
    %swap3A_785 = arith.constant 208 : index
    %swap3A_786 = tpu.vector_load %arg6[%swap3A_784, %swap3A_785] {strides = array<i32>} : memref<16x224xf32, #tpu.memory_space<vmem>>, vector<1x16xf32>,
    %swap3A_787 = vector.shape_cast %swap3A_786 : vector<1x16xf32> to vector<16xf32>
    %swap3A_788 = vector.shape_cast %broadcast_in_dim3A_33 : vector<16xf32> to vector<1x16xf32>
    tpu.vector_store %arg6[%swap3A_784, %swap3A_785], %swap3A_788 {strides = array<i32>} : memref<16x224xf32, #tpu.memory_space<vmem>>, vector<1x16xf32>,
    %swap3A_789 = arith.constant 9 : i32
    %swap3A_790 = arith.index_cast %swap3A_789 : i32 to index
    %swap3A_791 = arith.constant 0 : index
    %swap3A_792 = tpu.vector_load %arg6[%swap3A_790, %swap3A_791] {strides = array<i32>} : memref<16x224xf32, #tpu.memory_space<vmem>>, vector<1x16xf32>,
    %swap3A_793 = vector.shape_cast %swap3A_792 : vector<1x16xf32> to vector<16xf32>
    %swap3A_794 = vector.shape_cast %broadcast_in_dim3A_33 : vector<16xf32> to vector<1x16xf32>
    tpu.vector_store %arg6[%swap3A_790, %swap3A_791], %swap3A_794 {strides = array<i32>} : memref<16x224xf32, #tpu.memory_space<vmem>>, vector<1x16xf32>,
    %swap3A_795 = arith.constant 9 : i32
    %swap3A_796 = arith.index_cast %swap3A_795 : i32 to index
    %swap3A_797 = arith.constant 16 : index
    %swap3A_798 = tpu.vector_load %arg6[%swap3A_796, %swap3A_797] {strides = array<i32>} : memref<16x224xf32, #tpu.memory_space<vmem>>, vector<1x16xf32>,
    %swap3A_799 = vector.shape_cast %swap3A_798 : vector<1x16xf32> to vector<16xf32>
    %swap3A_800 = vector.shape_cast %broadcast_in_dim3A_33 : vector<16xf32> to vector<1x16xf32>
    tpu.vector_store %arg6[%swap3A_796, %swap3A_797], %swap3A_800 {strides = array<i32>} : memref<16x224xf32, #tpu.memory_space<vmem>>, vector<1x16xf32>,
    %swap3A_801 = arith.constant 9 : i32
    %swap3A_802 = arith.index_cast %swap3A_801 : i32 to index
    %swap3A_803 = arith.constant 32 : index
    %swap3A_804 = tpu.vector_load %arg6[%swap3A_802, %swap3A_803] {strides = array<i32>} : memref<16x224xf32, #tpu.memory_space<vmem>>, vector<1x16xf32>,
    %swap3A_805 = vector.shape_cast %swap3A_804 : vector<1x16xf32> to vector<16xf32>
    %swap3A_806 = vector.shape_cast %broadcast_in_dim3A_33 : vector<16xf32> to vector<1x16xf32>
    tpu.vector_store %arg6[%swap3A_802, %swap3A_803], %swap3A_806 {strides = array<i32>} : memref<16x224xf32, #tpu.memory_space<vmem>>, vector<1x16xf32>,
    %swap3A_807 = arith.constant 9 : i32
    %swap3A_808 = arith.index_cast %swap3A_807 : i32 to index
    %swap3A_809 = arith.constant 48 : index
    %swap3A_810 = tpu.vector_load %arg6[%swap3A_808, %swap3A_809] {strides = array<i32>} : memref<16x224xf32, #tpu.memory_space<vmem>>, vector<1x16xf32>,
    %swap3A_811 = vector.shape_cast %swap3A_810 : vector<1x16xf32> to vector<16xf32>
    %swap3A_812 = vector.shape_cast %broadcast_in_dim3A_33 : vector<16xf32> to vector<1x16xf32>
    tpu.vector_store %arg6[%swap3A_808, %swap3A_809], %swap3A_812 {strides = array<i32>} : memref<16x224xf32, #tpu.memory_space<vmem>>, vector<1x16xf32>,
    %swap3A_813 = arith.constant 9 : i32
    %swap3A_814 = arith.index_cast %swap3A_813 : i32 to index
    %swap3A_815 = arith.constant 64 : index
    %swap3A_816 = tpu.vector_load %arg6[%swap3A_814, %swap3A_815] {strides = array<i32>} : memref<16x224xf32, #tpu.memory_space<vmem>>, vector<1x16xf32>,
    %swap3A_817 = vector.shape_cast %swap3A_816 : vector<1x16xf32> to vector<16xf32>
    %swap3A_818 = vector.shape_cast %broadcast_in_dim3A_33 : vector<16xf32> to vector<1x16xf32>
    tpu.vector_store %arg6[%swap3A_814, %swap3A_815], %swap3A_818 {strides = array<i32>} : memref<16x224xf32, #tpu.memory_space<vmem>>, vector<1x16xf32>,
    %swap3A_819 = arith.constant 9 : i32
    %swap3A_820 = arith.index_cast %swap3A_819 : i32 to index
    %swap3A_821 = arith.constant 80 : index
    %swap3A_822 = tpu.vector_load %arg6[%swap3A_820, %swap3A_821] {strides = array<i32>} : memref<16x224xf32, #tpu.memory_space<vmem>>, vector<1x16xf32>,
    %swap3A_823 = vector.shape_cast %swap3A_822 : vector<1x16xf32> to vector<16xf32>
    %swap3A_824 = vector.shape_cast %broadcast_in_dim3A_33 : vector<16xf32> to vector<1x16xf32>
    tpu.vector_store %arg6[%swap3A_820, %swap3A_821], %swap3A_824 {strides = array<i32>} : memref<16x224xf32, #tpu.memory_space<vmem>>, vector<1x16xf32>,
    %swap3A_825 = arith.constant 9 : i32
    %swap3A_826 = arith.index_cast %swap3A_825 : i32 to index
    %swap3A_827 = arith.constant 96 : index
    %swap3A_828 = tpu.vector_load %arg6[%swap3A_826, %swap3A_827] {strides = array<i32>} : memref<16x224xf32, #tpu.memory_space<vmem>>, vector<1x16xf32>,
    %swap3A_829 = vector.shape_cast %swap3A_828 : vector<1x16xf32> to vector<16xf32>
    %swap3A_830 = vector.shape_cast %broadcast_in_dim3A_33 : vector<16xf32> to vector<1x16xf32>
    tpu.vector_store %arg6[%swap3A_826, %swap3A_827], %swap3A_830 {strides = array<i32>} : memref<16x224xf32, #tpu.memory_space<vmem>>, vector<1x16xf32>,
    %swap3A_831 = arith.constant 9 : i32
    %swap3A_832 = arith.index_cast %swap3A_831 : i32 to index
    %swap3A_833 = arith.constant 112 : index
    %swap3A_834 = tpu.vector_load %arg6[%swap3A_832, %swap3A_833] {strides = array<i32>} : memref<16x224xf32, #tpu.memory_space<vmem>>, vector<1x16xf32>,
    %swap3A_835 = vector.shape_cast %swap3A_834 : vector<1x16xf32> to vector<16xf32>
    %swap3A_836 = vector.shape_cast %broadcast_in_dim3A_33 : vector<16xf32> to vector<1x16xf32>
    tpu.vector_store %arg6[%swap3A_832, %swap3A_833], %swap3A_836 {strides = array<i32>} : memref<16x224xf32, #tpu.memory_space<vmem>>, vector<1x16xf32>,
    %swap3A_837 = arith.constant 9 : i32
    %swap3A_838 = arith.index_cast %swap3A_837 : i32 to index
    %swap3A_839 = arith.constant 128 : index
    %swap3A_840 = tpu.vector_load %arg6[%swap3A_838, %swap3A_839] {strides = array<i32>} : memref<16x224xf32, #tpu.memory_space<vmem>>, vector<1x16xf32>,
    %swap3A_841 = vector.shape_cast %swap3A_840 : vector<1x16xf32> to vector<16xf32>
    %swap3A_842 = vector.shape_cast %broadcast_in_dim3A_33 : vector<16xf32> to vector<1x16xf32>
    tpu.vector_store %arg6[%swap3A_838, %swap3A_839], %swap3A_842 {strides = array<i32>} : memref<16x224xf32, #tpu.memory_space<vmem>>, vector<1x16xf32>,
    %swap3A_843 = arith.constant 9 : i32
    %swap3A_844 = arith.index_cast %swap3A_843 : i32 to index
    %swap3A_845 = arith.constant 144 : index
    %swap3A_846 = tpu.vector_load %arg6[%swap3A_844, %swap3A_845] {strides = array<i32>} : memref<16x224xf32, #tpu.memory_space<vmem>>, vector<1x16xf32>,
    %swap3A_847 = vector.shape_cast %swap3A_846 : vector<1x16xf32> to vector<16xf32>
    %swap3A_848 = vector.shape_cast %broadcast_in_dim3A_33 : vector<16xf32> to vector<1x16xf32>
    tpu.vector_store %arg6[%swap3A_844, %swap3A_845], %swap3A_848 {strides = array<i32>} : memref<16x224xf32, #tpu.memory_space<vmem>>, vector<1x16xf32>,
    %swap3A_849 = arith.constant 9 : i32
    %swap3A_850 = arith.index_cast %swap3A_849 : i32 to index
    %swap3A_851 = arith.constant 160 : index
    %swap3A_852 = tpu.vector_load %arg6[%swap3A_850, %swap3A_851] {strides = array<i32>} : memref<16x224xf32, #tpu.memory_space<vmem>>, vector<1x16xf32>,
    %swap3A_853 = vector.shape_cast %swap3A_852 : vector<1x16xf32> to vector<16xf32>
    %swap3A_854 = vector.shape_cast %broadcast_in_dim3A_33 : vector<16xf32> to vector<1x16xf32>
    tpu.vector_store %arg6[%swap3A_850, %swap3A_851], %swap3A_854 {strides = array<i32>} : memref<16x224xf32, #tpu.memory_space<vmem>>, vector<1x16xf32>,
    %swap3A_855 = arith.constant 9 : i32
    %swap3A_856 = arith.index_cast %swap3A_855 : i32 to index
    %swap3A_857 = arith.constant 176 : index
    %swap3A_858 = tpu.vector_load %arg6[%swap3A_856, %swap3A_857] {strides = array<i32>} : memref<16x224xf32, #tpu.memory_space<vmem>>, vector<1x16xf32>,
    %swap3A_859 = vector.shape_cast %swap3A_858 : vector<1x16xf32> to vector<16xf32>
    %swap3A_860 = vector.shape_cast %broadcast_in_dim3A_33 : vector<16xf32> to vector<1x16xf32>
    tpu.vector_store %arg6[%swap3A_856, %swap3A_857], %swap3A_860 {strides = array<i32>} : memref<16x224xf32, #tpu.memory_space<vmem>>, vector<1x16xf32>,
    %swap3A_861 = arith.constant 9 : i32
    %swap3A_862 = arith.index_cast %swap3A_861 : i32 to index
    %swap3A_863 = arith.constant 192 : index
    %swap3A_864 = tpu.vector_load %arg6[%swap3A_862, %swap3A_863] {strides = array<i32>} : memref<16x224xf32, #tpu.memory_space<vmem>>, vector<1x16xf32>,
    %swap3A_865 = vector.shape_cast %swap3A_864 : vector<1x16xf32> to vector<16xf32>
    %swap3A_866 = vector.shape_cast %broadcast_in_dim3A_33 : vector<16xf32> to vector<1x16xf32>
    tpu.vector_store %arg6[%swap3A_862, %swap3A_863], %swap3A_866 {strides = array<i32>} : memref<16x224xf32, #tpu.memory_space<vmem>>, vector<1x16xf32>,
    %swap3A_867 = arith.constant 9 : i32
    %swap3A_868 = arith.index_cast %swap3A_867 : i32 to index
    %swap3A_869 = arith.constant 208 : index
    %swap3A_870 = tpu.vector_load %arg6[%swap3A_868, %swap3A_869] {strides = array<i32>} : memref<16x224xf32, #tpu.memory_space<vmem>>, vector<1x16xf32>,
    %swap3A_871 = vector.shape_cast %swap3A_870 : vector<1x16xf32> to vector<16xf32>
    %swap3A_872 = vector.shape_cast %broadcast_in_dim3A_33 : vector<16xf32> to vector<1x16xf32>
    tpu.vector_store %arg6[%swap3A_868, %swap3A_869], %swap3A_872 {strides = array<i32>} : memref<16x224xf32, #tpu.memory_space<vmem>>, vector<1x16xf32>,
    %swap3A_873 = arith.constant 10 : i32
    %swap3A_874 = arith.index_cast %swap3A_873 : i32 to index
    %swap3A_875 = arith.constant 0 : index
    %swap3A_876 = tpu.vector_load %arg6[%swap3A_874, %swap3A_875] {strides = array<i32>} : memref<16x224xf32, #tpu.memory_space<vmem>>, vector<1x16xf32>,
    %swap3A_877 = vector.shape_cast %swap3A_876 : vector<1x16xf32> to vector<16xf32>
    %swap3A_878 = vector.shape_cast %broadcast_in_dim3A_33 : vector<16xf32> to vector<1x16xf32>
    tpu.vector_store %arg6[%swap3A_874, %swap3A_875], %swap3A_878 {strides = array<i32>} : memref<16x224xf32, #tpu.memory_space<vmem>>, vector<1x16xf32>,
    %swap3A_879 = arith.constant 10 : i32
    %swap3A_880 = arith.index_cast %swap3A_879 : i32 to index
    %swap3A_881 = arith.constant 16 : index
    %swap3A_882 = tpu.vector_load %arg6[%swap3A_880, %swap3A_881] {strides = array<i32>} : memref<16x224xf32, #tpu.memory_space<vmem>>, vector<1x16xf32>,
    %swap3A_883 = vector.shape_cast %swap3A_882 : vector<1x16xf32> to vector<16xf32>
    %swap3A_884 = vector.shape_cast %broadcast_in_dim3A_33 : vector<16xf32> to vector<1x16xf32>
    tpu.vector_store %arg6[%swap3A_880, %swap3A_881], %swap3A_884 {strides = array<i32>} : memref<16x224xf32, #tpu.memory_space<vmem>>, vector<1x16xf32>,
    %swap3A_885 = arith.constant 10 : i32
    %swap3A_886 = arith.index_cast %swap3A_885 : i32 to index
    %swap3A_887 = arith.constant 32 : index
    %swap3A_888 = tpu.vector_load %arg6[%swap3A_886, %swap3A_887] {strides = array<i32>} : memref<16x224xf32, #tpu.memory_space<vmem>>, vector<1x16xf32>,
    %swap3A_889 = vector.shape_cast %swap3A_888 : vector<1x16xf32> to vector<16xf32>
    %swap3A_890 = vector.shape_cast %broadcast_in_dim3A_33 : vector<16xf32> to vector<1x16xf32>
    tpu.vector_store %arg6[%swap3A_886, %swap3A_887], %swap3A_890 {strides = array<i32>} : memref<16x224xf32, #tpu.memory_space<vmem>>, vector<1x16xf32>,
    %swap3A_891 = arith.constant 10 : i32
    %swap3A_892 = arith.index_cast %swap3A_891 : i32 to index
    %swap3A_893 = arith.constant 48 : index
    %swap3A_894 = tpu.vector_load %arg6[%swap3A_892, %swap3A_893] {strides = array<i32>} : memref<16x224xf32, #tpu.memory_space<vmem>>, vector<1x16xf32>,
    %swap3A_895 = vector.shape_cast %swap3A_894 : vector<1x16xf32> to vector<16xf32>
    %swap3A_896 = vector.shape_cast %broadcast_in_dim3A_33 : vector<16xf32> to vector<1x16xf32>
    tpu.vector_store %arg6[%swap3A_892, %swap3A_893], %swap3A_896 {strides = array<i32>} : memref<16x224xf32, #tpu.memory_space<vmem>>, vector<1x16xf32>,
    %swap3A_897 = arith.constant 10 : i32
    %swap3A_898 = arith.index_cast %swap3A_897 : i32 to index
    %swap3A_899 = arith.constant 64 : index
    %swap3A_900 = tpu.vector_load %arg6[%swap3A_898, %swap3A_899] {strides = array<i32>} : memref<16x224xf32, #tpu.memory_space<vmem>>, vector<1x16xf32>,
    %swap3A_901 = vector.shape_cast %swap3A_900 : vector<1x16xf32> to vector<16xf32>
    %swap3A_902 = vector.shape_cast %broadcast_in_dim3A_33 : vector<16xf32> to vector<1x16xf32>
    tpu.vector_store %arg6[%swap3A_898, %swap3A_899], %swap3A_902 {strides = array<i32>} : memref<16x224xf32, #tpu.memory_space<vmem>>, vector<1x16xf32>,
    %swap3A_903 = arith.constant 10 : i32
    %swap3A_904 = arith.index_cast %swap3A_903 : i32 to index
    %swap3A_905 = arith.constant 80 : index
    %swap3A_906 = tpu.vector_load %arg6[%swap3A_904, %swap3A_905] {strides = array<i32>} : memref<16x224xf32, #tpu.memory_space<vmem>>, vector<1x16xf32>,
    %swap3A_907 = vector.shape_cast %swap3A_906 : vector<1x16xf32> to vector<16xf32>
    %swap3A_908 = vector.shape_cast %broadcast_in_dim3A_33 : vector<16xf32> to vector<1x16xf32>
    tpu.vector_store %arg6[%swap3A_904, %swap3A_905], %swap3A_908 {strides = array<i32>} : memref<16x224xf32, #tpu.memory_space<vmem>>, vector<1x16xf32>,
    %swap3A_909 = arith.constant 10 : i32
    %swap3A_910 = arith.index_cast %swap3A_909 : i32 to index
    %swap3A_911 = arith.constant 96 : index
    %swap3A_912 = tpu.vector_load %arg6[%swap3A_910, %swap3A_911] {strides = array<i32>} : memref<16x224xf32, #tpu.memory_space<vmem>>, vector<1x16xf32>,
    %swap3A_913 = vector.shape_cast %swap3A_912 : vector<1x16xf32> to vector<16xf32>
    %swap3A_914 = vector.shape_cast %broadcast_in_dim3A_33 : vector<16xf32> to vector<1x16xf32>
    tpu.vector_store %arg6[%swap3A_910, %swap3A_911], %swap3A_914 {strides = array<i32>} : memref<16x224xf32, #tpu.memory_space<vmem>>, vector<1x16xf32>,
    %swap3A_915 = arith.constant 10 : i32
    %swap3A_916 = arith.index_cast %swap3A_915 : i32 to index
    %swap3A_917 = arith.constant 112 : index
    %swap3A_918 = tpu.vector_load %arg6[%swap3A_916, %swap3A_917] {strides = array<i32>} : memref<16x224xf32, #tpu.memory_space<vmem>>, vector<1x16xf32>,
    %swap3A_919 = vector.shape_cast %swap3A_918 : vector<1x16xf32> to vector<16xf32>
    %swap3A_920 = vector.shape_cast %broadcast_in_dim3A_33 : vector<16xf32> to vector<1x16xf32>
    tpu.vector_store %arg6[%swap3A_916, %swap3A_917], %swap3A_920 {strides = array<i32>} : memref<16x224xf32, #tpu.memory_space<vmem>>, vector<1x16xf32>,
    %swap3A_921 = arith.constant 10 : i32
    %swap3A_922 = arith.index_cast %swap3A_921 : i32 to index
    %swap3A_923 = arith.constant 128 : index
    %swap3A_924 = tpu.vector_load %arg6[%swap3A_922, %swap3A_923] {strides = array<i32>} : memref<16x224xf32, #tpu.memory_space<vmem>>, vector<1x16xf32>,
    %swap3A_925 = vector.shape_cast %swap3A_924 : vector<1x16xf32> to vector<16xf32>
    %swap3A_926 = vector.shape_cast %broadcast_in_dim3A_33 : vector<16xf32> to vector<1x16xf32>
    tpu.vector_store %arg6[%swap3A_922, %swap3A_923], %swap3A_926 {strides = array<i32>} : memref<16x224xf32, #tpu.memory_space<vmem>>, vector<1x16xf32>,
    %swap3A_927 = arith.constant 10 : i32
    %swap3A_928 = arith.index_cast %swap3A_927 : i32 to index
    %swap3A_929 = arith.constant 144 : index
    %swap3A_930 = tpu.vector_load %arg6[%swap3A_928, %swap3A_929] {strides = array<i32>} : memref<16x224xf32, #tpu.memory_space<vmem>>, vector<1x16xf32>,
    %swap3A_931 = vector.shape_cast %swap3A_930 : vector<1x16xf32> to vector<16xf32>
    %swap3A_932 = vector.shape_cast %broadcast_in_dim3A_33 : vector<16xf32> to vector<1x16xf32>
    tpu.vector_store %arg6[%swap3A_928, %swap3A_929], %swap3A_932 {strides = array<i32>} : memref<16x224xf32, #tpu.memory_space<vmem>>, vector<1x16xf32>,
    %swap3A_933 = arith.constant 10 : i32
    %swap3A_934 = arith.index_cast %swap3A_933 : i32 to index
    %swap3A_935 = arith.constant 160 : index
    %swap3A_936 = tpu.vector_load %arg6[%swap3A_934, %swap3A_935] {strides = array<i32>} : memref<16x224xf32, #tpu.memory_space<vmem>>, vector<1x16xf32>,
    %swap3A_937 = vector.shape_cast %swap3A_936 : vector<1x16xf32> to vector<16xf32>
    %swap3A_938 = vector.shape_cast %broadcast_in_dim3A_33 : vector<16xf32> to vector<1x16xf32>
    tpu.vector_store %arg6[%swap3A_934, %swap3A_935], %swap3A_938 {strides = array<i32>} : memref<16x224xf32, #tpu.memory_space<vmem>>, vector<1x16xf32>,
    %swap3A_939 = arith.constant 10 : i32
    %swap3A_940 = arith.index_cast %swap3A_939 : i32 to index
    %swap3A_941 = arith.constant 176 : index
    %swap3A_942 = tpu.vector_load %arg6[%swap3A_940, %swap3A_941] {strides = array<i32>} : memref<16x224xf32, #tpu.memory_space<vmem>>, vector<1x16xf32>,
    %swap3A_943 = vector.shape_cast %swap3A_942 : vector<1x16xf32> to vector<16xf32>
    %swap3A_944 = vector.shape_cast %broadcast_in_dim3A_33 : vector<16xf32> to vector<1x16xf32>
    tpu.vector_store %arg6[%swap3A_940, %swap3A_941], %swap3A_944 {strides = array<i32>} : memref<16x224xf32, #tpu.memory_space<vmem>>, vector<1x16xf32>,
    %swap3A_945 = arith.constant 10 : i32
    %swap3A_946 = arith.index_cast %swap3A_945 : i32 to index
    %swap3A_947 = arith.constant 192 : index
    %swap3A_948 = tpu.vector_load %arg6[%swap3A_946, %swap3A_947] {strides = array<i32>} : memref<16x224xf32, #tpu.memory_space<vmem>>, vector<1x16xf32>,
    %swap3A_949 = vector.shape_cast %swap3A_948 : vector<1x16xf32> to vector<16xf32>
    %swap3A_950 = vector.shape_cast %broadcast_in_dim3A_33 : vector<16xf32> to vector<1x16xf32>
    tpu.vector_store %arg6[%swap3A_946, %swap3A_947], %swap3A_950 {strides = array<i32>} : memref<16x224xf32, #tpu.memory_space<vmem>>, vector<1x16xf32>,
    %swap3A_951 = arith.constant 10 : i32
    %swap3A_952 = arith.index_cast %swap3A_951 : i32 to index
    %swap3A_953 = arith.constant 208 : index
    %swap3A_954 = tpu.vector_load %arg6[%swap3A_952, %swap3A_953] {strides = array<i32>} : memref<16x224xf32, #tpu.memory_space<vmem>>, vector<1x16xf32>,
    %swap3A_955 = vector.shape_cast %swap3A_954 : vector<1x16xf32> to vector<16xf32>
    %swap3A_956 = vector.shape_cast %broadcast_in_dim3A_33 : vector<16xf32> to vector<1x16xf32>
    tpu.vector_store %arg6[%swap3A_952, %swap3A_953], %swap3A_956 {strides = array<i32>} : memref<16x224xf32, #tpu.memory_space<vmem>>, vector<1x16xf32>,
    %swap3A_957 = arith.constant 11 : i32
    %swap3A_958 = arith.index_cast %swap3A_957 : i32 to index
    %swap3A_959 = arith.constant 0 : index
    %swap3A_960 = tpu.vector_load %arg6[%swap3A_958, %swap3A_959] {strides = array<i32>} : memref<16x224xf32, #tpu.memory_space<vmem>>, vector<1x16xf32>,
    %swap3A_961 = vector.shape_cast %swap3A_960 : vector<1x16xf32> to vector<16xf32>
    %swap3A_962 = vector.shape_cast %broadcast_in_dim3A_33 : vector<16xf32> to vector<1x16xf32>
    tpu.vector_store %arg6[%swap3A_958, %swap3A_959], %swap3A_962 {strides = array<i32>} : memref<16x224xf32, #tpu.memory_space<vmem>>, vector<1x16xf32>,
    %swap3A_963 = arith.constant 11 : i32
    %swap3A_964 = arith.index_cast %swap3A_963 : i32 to index
    %swap3A_965 = arith.constant 16 : index
    %swap3A_966 = tpu.vector_load %arg6[%swap3A_964, %swap3A_965] {strides = array<i32>} : memref<16x224xf32, #tpu.memory_space<vmem>>, vector<1x16xf32>,
    %swap3A_967 = vector.shape_cast %swap3A_966 : vector<1x16xf32> to vector<16xf32>
    %swap3A_968 = vector.shape_cast %broadcast_in_dim3A_33 : vector<16xf32> to vector<1x16xf32>
    tpu.vector_store %arg6[%swap3A_964, %swap3A_965], %swap3A_968 {strides = array<i32>} : memref<16x224xf32, #tpu.memory_space<vmem>>, vector<1x16xf32>,
    %swap3A_969 = arith.constant 11 : i32
    %swap3A_970 = arith.index_cast %swap3A_969 : i32 to index
    %swap3A_971 = arith.constant 32 : index
    %swap3A_972 = tpu.vector_load %arg6[%swap3A_970, %swap3A_971] {strides = array<i32>} : memref<16x224xf32, #tpu.memory_space<vmem>>, vector<1x16xf32>,
    %swap3A_973 = vector.shape_cast %swap3A_972 : vector<1x16xf32> to vector<16xf32>
    %swap3A_974 = vector.shape_cast %broadcast_in_dim3A_33 : vector<16xf32> to vector<1x16xf32>
    tpu.vector_store %arg6[%swap3A_970, %swap3A_971], %swap3A_974 {strides = array<i32>} : memref<16x224xf32, #tpu.memory_space<vmem>>, vector<1x16xf32>,
    %swap3A_975 = arith.constant 11 : i32
    %swap3A_976 = arith.index_cast %swap3A_975 : i32 to index
    %swap3A_977 = arith.constant 48 : index
    %swap3A_978 = tpu.vector_load %arg6[%swap3A_976, %swap3A_977] {strides = array<i32>} : memref<16x224xf32, #tpu.memory_space<vmem>>, vector<1x16xf32>,
    %swap3A_979 = vector.shape_cast %swap3A_978 : vector<1x16xf32> to vector<16xf32>
    %swap3A_980 = vector.shape_cast %broadcast_in_dim3A_33 : vector<16xf32> to vector<1x16xf32>
    tpu.vector_store %arg6[%swap3A_976, %swap3A_977], %swap3A_980 {strides = array<i32>} : memref<16x224xf32, #tpu.memory_space<vmem>>, vector<1x16xf32>,
    %swap3A_981 = arith.constant 11 : i32
    %swap3A_982 = arith.index_cast %swap3A_981 : i32 to index
    %swap3A_983 = arith.constant 64 : index
    %swap3A_984 = tpu.vector_load %arg6[%swap3A_982, %swap3A_983] {strides = array<i32>} : memref<16x224xf32, #tpu.memory_space<vmem>>, vector<1x16xf32>,
    %swap3A_985 = vector.shape_cast %swap3A_984 : vector<1x16xf32> to vector<16xf32>
    %swap3A_986 = vector.shape_cast %broadcast_in_dim3A_33 : vector<16xf32> to vector<1x16xf32>
    tpu.vector_store %arg6[%swap3A_982, %swap3A_983], %swap3A_986 {strides = array<i32>} : memref<16x224xf32, #tpu.memory_space<vmem>>, vector<1x16xf32>,
    %swap3A_987 = arith.constant 11 : i32
    %swap3A_988 = arith.index_cast %swap3A_987 : i32 to index
    %swap3A_989 = arith.constant 80 : index
    %swap3A_990 = tpu.vector_load %arg6[%swap3A_988, %swap3A_989] {strides = array<i32>} : memref<16x224xf32, #tpu.memory_space<vmem>>, vector<1x16xf32>,
    %swap3A_991 = vector.shape_cast %swap3A_990 : vector<1x16xf32> to vector<16xf32>
    %swap3A_992 = vector.shape_cast %broadcast_in_dim3A_33 : vector<16xf32> to vector<1x16xf32>
    tpu.vector_store %arg6[%swap3A_988, %swap3A_989], %swap3A_992 {strides = array<i32>} : memref<16x224xf32, #tpu.memory_space<vmem>>, vector<1x16xf32>,
    %swap3A_993 = arith.constant 11 : i32
    %swap3A_994 = arith.index_cast %swap3A_993 : i32 to index
    %swap3A_995 = arith.constant 96 : index
    %swap3A_996 = tpu.vector_load %arg6[%swap3A_994, %swap3A_995] {strides = array<i32>} : memref<16x224xf32, #tpu.memory_space<vmem>>, vector<1x16xf32>,
    %swap3A_997 = vector.shape_cast %swap3A_996 : vector<1x16xf32> to vector<16xf32>
    %swap3A_998 = vector.shape_cast %broadcast_in_dim3A_33 : vector<16xf32> to vector<1x16xf32>
    tpu.vector_store %arg6[%swap3A_994, %swap3A_995], %swap3A_998 {strides = array<i32>} : memref<16x224xf32, #tpu.memory_space<vmem>>, vector<1x16xf32>,
    %swap3A_999 = arith.constant 11 : i32
    %swap3A_1000 = arith.index_cast %swap3A_999 : i32 to index
    %swap3A_1001 = arith.constant 112 : index
    %swap3A_1002 = tpu.vector_load %arg6[%swap3A_1000, %swap3A_1001] {strides = array<i32>} : memref<16x224xf32, #tpu.memory_space<vmem>>, vector<1x16xf32>,
    %swap3A_1003 = vector.shape_cast %swap3A_1002 : vector<1x16xf32> to vector<16xf32>
    %swap3A_1004 = vector.shape_cast %broadcast_in_dim3A_33 : vector<16xf32> to vector<1x16xf32>
    tpu.vector_store %arg6[%swap3A_1000, %swap3A_1001], %swap3A_1004 {strides = array<i32>} : memref<16x224xf32, #tpu.memory_space<vmem>>, vector<1x16xf32>,
    %swap3A_1005 = arith.constant 11 : i32
    %swap3A_1006 = arith.index_cast %swap3A_1005 : i32 to index
    %swap3A_1007 = arith.constant 128 : index
    %swap3A_1008 = tpu.vector_load %arg6[%swap3A_1006, %swap3A_1007] {strides = array<i32>} : memref<16x224xf32, #tpu.memory_space<vmem>>, vector<1x16xf32>,
    %swap3A_1009 = vector.shape_cast %swap3A_1008 : vector<1x16xf32> to vector<16xf32>
    %swap3A_1010 = vector.shape_cast %broadcast_in_dim3A_33 : vector<16xf32> to vector<1x16xf32>
    tpu.vector_store %arg6[%swap3A_1006, %swap3A_1007], %swap3A_1010 {strides = array<i32>} : memref<16x224xf32, #tpu.memory_space<vmem>>, vector<1x16xf32>,
    %swap3A_1011 = arith.constant 11 : i32
    %swap3A_1012 = arith.index_cast %swap3A_1011 : i32 to index
    %swap3A_1013 = arith.constant 144 : index
    %swap3A_1014 = tpu.vector_load %arg6[%swap3A_1012, %swap3A_1013] {strides = array<i32>} : memref<16x224xf32, #tpu.memory_space<vmem>>, vector<1x16xf32>,
    %swap3A_1015 = vector.shape_cast %swap3A_1014 : vector<1x16xf32> to vector<16xf32>
    %swap3A_1016 = vector.shape_cast %broadcast_in_dim3A_33 : vector<16xf32> to vector<1x16xf32>
    tpu.vector_store %arg6[%swap3A_1012, %swap3A_1013], %swap3A_1016 {strides = array<i32>} : memref<16x224xf32, #tpu.memory_space<vmem>>, vector<1x16xf32>,
    %swap3A_1017 = arith.constant 11 : i32
    %swap3A_1018 = arith.index_cast %swap3A_1017 : i32 to index
    %swap3A_1019 = arith.constant 160 : index
    %swap3A_1020 = tpu.vector_load %arg6[%swap3A_1018, %swap3A_1019] {strides = array<i32>} : memref<16x224xf32, #tpu.memory_space<vmem>>, vector<1x16xf32>,
    %swap3A_1021 = vector.shape_cast %swap3A_1020 : vector<1x16xf32> to vector<16xf32>
    %swap3A_1022 = vector.shape_cast %broadcast_in_dim3A_33 : vector<16xf32> to vector<1x16xf32>
    tpu.vector_store %arg6[%swap3A_1018, %swap3A_1019], %swap3A_1022 {strides = array<i32>} : memref<16x224xf32, #tpu.memory_space<vmem>>, vector<1x16xf32>,
    %swap3A_1023 = arith.constant 11 : i32
    %swap3A_1024 = arith.index_cast %swap3A_1023 : i32 to index
    %swap3A_1025 = arith.constant 176 : index
    %swap3A_1026 = tpu.vector_load %arg6[%swap3A_1024, %swap3A_1025] {strides = array<i32>} : memref<16x224xf32, #tpu.memory_space<vmem>>, vector<1x16xf32>,
    %swap3A_1027 = vector.shape_cast %swap3A_1026 : vector<1x16xf32> to vector<16xf32>
    %swap3A_1028 = vector.shape_cast %broadcast_in_dim3A_33 : vector<16xf32> to vector<1x16xf32>
    tpu.vector_store %arg6[%swap3A_1024, %swap3A_1025], %swap3A_1028 {strides = array<i32>} : memref<16x224xf32, #tpu.memory_space<vmem>>, vector<1x16xf32>,
    %swap3A_1029 = arith.constant 11 : i32
    %swap3A_1030 = arith.index_cast %swap3A_1029 : i32 to index
    %swap3A_1031 = arith.constant 192 : index
    %swap3A_1032 = tpu.vector_load %arg6[%swap3A_1030, %swap3A_1031] {strides = array<i32>} : memref<16x224xf32, #tpu.memory_space<vmem>>, vector<1x16xf32>,
    %swap3A_1033 = vector.shape_cast %swap3A_1032 : vector<1x16xf32> to vector<16xf32>
    %swap3A_1034 = vector.shape_cast %broadcast_in_dim3A_33 : vector<16xf32> to vector<1x16xf32>
    tpu.vector_store %arg6[%swap3A_1030, %swap3A_1031], %swap3A_1034 {strides = array<i32>} : memref<16x224xf32, #tpu.memory_space<vmem>>, vector<1x16xf32>,
    %swap3A_1035 = arith.constant 11 : i32
    %swap3A_1036 = arith.index_cast %swap3A_1035 : i32 to index
    %swap3A_1037 = arith.constant 208 : index
    %swap3A_1038 = tpu.vector_load %arg6[%swap3A_1036, %swap3A_1037] {strides = array<i32>} : memref<16x224xf32, #tpu.memory_space<vmem>>, vector<1x16xf32>,
    %swap3A_1039 = vector.shape_cast %swap3A_1038 : vector<1x16xf32> to vector<16xf32>
    %swap3A_1040 = vector.shape_cast %broadcast_in_dim3A_33 : vector<16xf32> to vector<1x16xf32>
    tpu.vector_store %arg6[%swap3A_1036, %swap3A_1037], %swap3A_1040 {strides = array<i32>} : memref<16x224xf32, #tpu.memory_space<vmem>>, vector<1x16xf32>,
    %swap3A_1041 = arith.constant 12 : i32
    %swap3A_1042 = arith.index_cast %swap3A_1041 : i32 to index
    %swap3A_1043 = arith.constant 0 : index
    %swap3A_1044 = tpu.vector_load %arg6[%swap3A_1042, %swap3A_1043] {strides = array<i32>} : memref<16x224xf32, #tpu.memory_space<vmem>>, vector<1x16xf32>,
    %swap3A_1045 = vector.shape_cast %swap3A_1044 : vector<1x16xf32> to vector<16xf32>
    %swap3A_1046 = vector.shape_cast %broadcast_in_dim3A_33 : vector<16xf32> to vector<1x16xf32>
    tpu.vector_store %arg6[%swap3A_1042, %swap3A_1043], %swap3A_1046 {strides = array<i32>} : memref<16x224xf32, #tpu.memory_space<vmem>>, vector<1x16xf32>,
    %swap3A_1047 = arith.constant 12 : i32
    %swap3A_1048 = arith.index_cast %swap3A_1047 : i32 to index
    %swap3A_1049 = arith.constant 16 : index
    %swap3A_1050 = tpu.vector_load %arg6[%swap3A_1048, %swap3A_1049] {strides = array<i32>} : memref<16x224xf32, #tpu.memory_space<vmem>>, vector<1x16xf32>,
    %swap3A_1051 = vector.shape_cast %swap3A_1050 : vector<1x16xf32> to vector<16xf32>
    %swap3A_1052 = vector.shape_cast %broadcast_in_dim3A_33 : vector<16xf32> to vector<1x16xf32>
    tpu.vector_store %arg6[%swap3A_1048, %swap3A_1049], %swap3A_1052 {strides = array<i32>} : memref<16x224xf32, #tpu.memory_space<vmem>>, vector<1x16xf32>,
    %swap3A_1053 = arith.constant 12 : i32
    %swap3A_1054 = arith.index_cast %swap3A_1053 : i32 to index
    %swap3A_1055 = arith.constant 32 : index
    %swap3A_1056 = tpu.vector_load %arg6[%swap3A_1054, %swap3A_1055] {strides = array<i32>} : memref<16x224xf32, #tpu.memory_space<vmem>>, vector<1x16xf32>,
    %swap3A_1057 = vector.shape_cast %swap3A_1056 : vector<1x16xf32> to vector<16xf32>
    %swap3A_1058 = vector.shape_cast %broadcast_in_dim3A_33 : vector<16xf32> to vector<1x16xf32>
    tpu.vector_store %arg6[%swap3A_1054, %swap3A_1055], %swap3A_1058 {strides = array<i32>} : memref<16x224xf32, #tpu.memory_space<vmem>>, vector<1x16xf32>,
    %swap3A_1059 = arith.constant 12 : i32
    %swap3A_1060 = arith.index_cast %swap3A_1059 : i32 to index
    %swap3A_1061 = arith.constant 48 : index
    %swap3A_1062 = tpu.vector_load %arg6[%swap3A_1060, %swap3A_1061] {strides = array<i32>} : memref<16x224xf32, #tpu.memory_space<vmem>>, vector<1x16xf32>,
    %swap3A_1063 = vector.shape_cast %swap3A_1062 : vector<1x16xf32> to vector<16xf32>
    %swap3A_1064 = vector.shape_cast %broadcast_in_dim3A_33 : vector<16xf32> to vector<1x16xf32>
    tpu.vector_store %arg6[%swap3A_1060, %swap3A_1061], %swap3A_1064 {strides = array<i32>} : memref<16x224xf32, #tpu.memory_space<vmem>>, vector<1x16xf32>,
    %swap3A_1065 = arith.constant 12 : i32
    %swap3A_1066 = arith.index_cast %swap3A_1065 : i32 to index
    %swap3A_1067 = arith.constant 64 : index
    %swap3A_1068 = tpu.vector_load %arg6[%swap3A_1066, %swap3A_1067] {strides = array<i32>} : memref<16x224xf32, #tpu.memory_space<vmem>>, vector<1x16xf32>,
    %swap3A_1069 = vector.shape_cast %swap3A_1068 : vector<1x16xf32> to vector<16xf32>
    %swap3A_1070 = vector.shape_cast %broadcast_in_dim3A_33 : vector<16xf32> to vector<1x16xf32>
    tpu.vector_store %arg6[%swap3A_1066, %swap3A_1067], %swap3A_1070 {strides = array<i32>} : memref<16x224xf32, #tpu.memory_space<vmem>>, vector<1x16xf32>,
    %swap3A_1071 = arith.constant 12 : i32
    %swap3A_1072 = arith.index_cast %swap3A_1071 : i32 to index
    %swap3A_1073 = arith.constant 80 : index
    %swap3A_1074 = tpu.vector_load %arg6[%swap3A_1072, %swap3A_1073] {strides = array<i32>} : memref<16x224xf32, #tpu.memory_space<vmem>>, vector<1x16xf32>,
    %swap3A_1075 = vector.shape_cast %swap3A_1074 : vector<1x16xf32> to vector<16xf32>
    %swap3A_1076 = vector.shape_cast %broadcast_in_dim3A_33 : vector<16xf32> to vector<1x16xf32>
    tpu.vector_store %arg6[%swap3A_1072, %swap3A_1073], %swap3A_1076 {strides = array<i32>} : memref<16x224xf32, #tpu.memory_space<vmem>>, vector<1x16xf32>,
    %swap3A_1077 = arith.constant 12 : i32
    %swap3A_1078 = arith.index_cast %swap3A_1077 : i32 to index
    %swap3A_1079 = arith.constant 96 : index
    %swap3A_1080 = tpu.vector_load %arg6[%swap3A_1078, %swap3A_1079] {strides = array<i32>} : memref<16x224xf32, #tpu.memory_space<vmem>>, vector<1x16xf32>,
    %swap3A_1081 = vector.shape_cast %swap3A_1080 : vector<1x16xf32> to vector<16xf32>
    %swap3A_1082 = vector.shape_cast %broadcast_in_dim3A_33 : vector<16xf32> to vector<1x16xf32>
    tpu.vector_store %arg6[%swap3A_1078, %swap3A_1079], %swap3A_1082 {strides = array<i32>} : memref<16x224xf32, #tpu.memory_space<vmem>>, vector<1x16xf32>,
    %swap3A_1083 = arith.constant 12 : i32
    %swap3A_1084 = arith.index_cast %swap3A_1083 : i32 to index
    %swap3A_1085 = arith.constant 112 : index
    %swap3A_1086 = tpu.vector_load %arg6[%swap3A_1084, %swap3A_1085] {strides = array<i32>} : memref<16x224xf32, #tpu.memory_space<vmem>>, vector<1x16xf32>,
    %swap3A_1087 = vector.shape_cast %swap3A_1086 : vector<1x16xf32> to vector<16xf32>
    %swap3A_1088 = vector.shape_cast %broadcast_in_dim3A_33 : vector<16xf32> to vector<1x16xf32>
    tpu.vector_store %arg6[%swap3A_1084, %swap3A_1085], %swap3A_1088 {strides = array<i32>} : memref<16x224xf32, #tpu.memory_space<vmem>>, vector<1x16xf32>,
    %swap3A_1089 = arith.constant 12 : i32
    %swap3A_1090 = arith.index_cast %swap3A_1089 : i32 to index
    %swap3A_1091 = arith.constant 128 : index
    %swap3A_1092 = tpu.vector_load %arg6[%swap3A_1090, %swap3A_1091] {strides = array<i32>} : memref<16x224xf32, #tpu.memory_space<vmem>>, vector<1x16xf32>,
    %swap3A_1093 = vector.shape_cast %swap3A_1092 : vector<1x16xf32> to vector<16xf32>
    %swap3A_1094 = vector.shape_cast %broadcast_in_dim3A_33 : vector<16xf32> to vector<1x16xf32>
    tpu.vector_store %arg6[%swap3A_1090, %swap3A_1091], %swap3A_1094 {strides = array<i32>} : memref<16x224xf32, #tpu.memory_space<vmem>>, vector<1x16xf32>,
    %swap3A_1095 = arith.constant 12 : i32
    %swap3A_1096 = arith.index_cast %swap3A_1095 : i32 to index
    %swap3A_1097 = arith.constant 144 : index
    %swap3A_1098 = tpu.vector_load %arg6[%swap3A_1096, %swap3A_1097] {strides = array<i32>} : memref<16x224xf32, #tpu.memory_space<vmem>>, vector<1x16xf32>,
    %swap3A_1099 = vector.shape_cast %swap3A_1098 : vector<1x16xf32> to vector<16xf32>
    %swap3A_1100 = vector.shape_cast %broadcast_in_dim3A_33 : vector<16xf32> to vector<1x16xf32>
    tpu.vector_store %arg6[%swap3A_1096, %swap3A_1097], %swap3A_1100 {strides = array<i32>} : memref<16x224xf32, #tpu.memory_space<vmem>>, vector<1x16xf32>,
    %swap3A_1101 = arith.constant 12 : i32
    %swap3A_1102 = arith.index_cast %swap3A_1101 : i32 to index
    %swap3A_1103 = arith.constant 160 : index
    %swap3A_1104 = tpu.vector_load %arg6[%swap3A_1102, %swap3A_1103] {strides = array<i32>} : memref<16x224xf32, #tpu.memory_space<vmem>>, vector<1x16xf32>,
    %swap3A_1105 = vector.shape_cast %swap3A_1104 : vector<1x16xf32> to vector<16xf32>
    %swap3A_1106 = vector.shape_cast %broadcast_in_dim3A_33 : vector<16xf32> to vector<1x16xf32>
    tpu.vector_store %arg6[%swap3A_1102, %swap3A_1103], %swap3A_1106 {strides = array<i32>} : memref<16x224xf32, #tpu.memory_space<vmem>>, vector<1x16xf32>,
    %swap3A_1107 = arith.constant 12 : i32
    %swap3A_1108 = arith.index_cast %swap3A_1107 : i32 to index
    %swap3A_1109 = arith.constant 176 : index
    %swap3A_1110 = tpu.vector_load %arg6[%swap3A_1108, %swap3A_1109] {strides = array<i32>} : memref<16x224xf32, #tpu.memory_space<vmem>>, vector<1x16xf32>,
    %swap3A_1111 = vector.shape_cast %swap3A_1110 : vector<1x16xf32> to vector<16xf32>
    %swap3A_1112 = vector.shape_cast %broadcast_in_dim3A_33 : vector<16xf32> to vector<1x16xf32>
    tpu.vector_store %arg6[%swap3A_1108, %swap3A_1109], %swap3A_1112 {strides = array<i32>} : memref<16x224xf32, #tpu.memory_space<vmem>>, vector<1x16xf32>,
    %swap3A_1113 = arith.constant 12 : i32
    %swap3A_1114 = arith.index_cast %swap3A_1113 : i32 to index
    %swap3A_1115 = arith.constant 192 : index
    %swap3A_1116 = tpu.vector_load %arg6[%swap3A_1114, %swap3A_1115] {strides = array<i32>} : memref<16x224xf32, #tpu.memory_space<vmem>>, vector<1x16xf32>,
    %swap3A_1117 = vector.shape_cast %swap3A_1116 : vector<1x16xf32> to vector<16xf32>
    %swap3A_1118 = vector.shape_cast %broadcast_in_dim3A_33 : vector<16xf32> to vector<1x16xf32>
    tpu.vector_store %arg6[%swap3A_1114, %swap3A_1115], %swap3A_1118 {strides = array<i32>} : memref<16x224xf32, #tpu.memory_space<vmem>>, vector<1x16xf32>,
    %swap3A_1119 = arith.constant 12 : i32
    %swap3A_1120 = arith.index_cast %swap3A_1119 : i32 to index
    %swap3A_1121 = arith.constant 208 : index
    %swap3A_1122 = tpu.vector_load %arg6[%swap3A_1120, %swap3A_1121] {strides = array<i32>} : memref<16x224xf32, #tpu.memory_space<vmem>>, vector<1x16xf32>,
    %swap3A_1123 = vector.shape_cast %swap3A_1122 : vector<1x16xf32> to vector<16xf32>
    %swap3A_1124 = vector.shape_cast %broadcast_in_dim3A_33 : vector<16xf32> to vector<1x16xf32>
    tpu.vector_store %arg6[%swap3A_1120, %swap3A_1121], %swap3A_1124 {strides = array<i32>} : memref<16x224xf32, #tpu.memory_space<vmem>>, vector<1x16xf32>,
    %swap3A_1125 = arith.constant 13 : i32
    %swap3A_1126 = arith.index_cast %swap3A_1125 : i32 to index
    %swap3A_1127 = arith.constant 0 : index
    %swap3A_1128 = tpu.vector_load %arg6[%swap3A_1126, %swap3A_1127] {strides = array<i32>} : memref<16x224xf32, #tpu.memory_space<vmem>>, vector<1x16xf32>,
    %swap3A_1129 = vector.shape_cast %swap3A_1128 : vector<1x16xf32> to vector<16xf32>
    %swap3A_1130 = vector.shape_cast %broadcast_in_dim3A_33 : vector<16xf32> to vector<1x16xf32>
    tpu.vector_store %arg6[%swap3A_1126, %swap3A_1127], %swap3A_1130 {strides = array<i32>} : memref<16x224xf32, #tpu.memory_space<vmem>>, vector<1x16xf32>,
    %swap3A_1131 = arith.constant 13 : i32
    %swap3A_1132 = arith.index_cast %swap3A_1131 : i32 to index
    %swap3A_1133 = arith.constant 16 : index
    %swap3A_1134 = tpu.vector_load %arg6[%swap3A_1132, %swap3A_1133] {strides = array<i32>} : memref<16x224xf32, #tpu.memory_space<vmem>>, vector<1x16xf32>,
    %swap3A_1135 = vector.shape_cast %swap3A_1134 : vector<1x16xf32> to vector<16xf32>
    %swap3A_1136 = vector.shape_cast %broadcast_in_dim3A_33 : vector<16xf32> to vector<1x16xf32>
    tpu.vector_store %arg6[%swap3A_1132, %swap3A_1133], %swap3A_1136 {strides = array<i32>} : memref<16x224xf32, #tpu.memory_space<vmem>>, vector<1x16xf32>,
    %swap3A_1137 = arith.constant 13 : i32
    %swap3A_1138 = arith.index_cast %swap3A_1137 : i32 to index
    %swap3A_1139 = arith.constant 32 : index
    %swap3A_1140 = tpu.vector_load %arg6[%swap3A_1138, %swap3A_1139] {strides = array<i32>} : memref<16x224xf32, #tpu.memory_space<vmem>>, vector<1x16xf32>,
    %swap3A_1141 = vector.shape_cast %swap3A_1140 : vector<1x16xf32> to vector<16xf32>
    %swap3A_1142 = vector.shape_cast %broadcast_in_dim3A_33 : vector<16xf32> to vector<1x16xf32>
    tpu.vector_store %arg6[%swap3A_1138, %swap3A_1139], %swap3A_1142 {strides = array<i32>} : memref<16x224xf32, #tpu.memory_space<vmem>>, vector<1x16xf32>,
    %swap3A_1143 = arith.constant 13 : i32
    %swap3A_1144 = arith.index_cast %swap3A_1143 : i32 to index
    %swap3A_1145 = arith.constant 48 : index
    %swap3A_1146 = tpu.vector_load %arg6[%swap3A_1144, %swap3A_1145] {strides = array<i32>} : memref<16x224xf32, #tpu.memory_space<vmem>>, vector<1x16xf32>,
    %swap3A_1147 = vector.shape_cast %swap3A_1146 : vector<1x16xf32> to vector<16xf32>
    %swap3A_1148 = vector.shape_cast %broadcast_in_dim3A_33 : vector<16xf32> to vector<1x16xf32>
    tpu.vector_store %arg6[%swap3A_1144, %swap3A_1145], %swap3A_1148 {strides = array<i32>} : memref<16x224xf32, #tpu.memory_space<vmem>>, vector<1x16xf32>,
    %swap3A_1149 = arith.constant 13 : i32
    %swap3A_1150 = arith.index_cast %swap3A_1149 : i32 to index
    %swap3A_1151 = arith.constant 64 : index
    %swap3A_1152 = tpu.vector_load %arg6[%swap3A_1150, %swap3A_1151] {strides = array<i32>} : memref<16x224xf32, #tpu.memory_space<vmem>>, vector<1x16xf32>,
    %swap3A_1153 = vector.shape_cast %swap3A_1152 : vector<1x16xf32> to vector<16xf32>
    %swap3A_1154 = vector.shape_cast %broadcast_in_dim3A_33 : vector<16xf32> to vector<1x16xf32>
    tpu.vector_store %arg6[%swap3A_1150, %swap3A_1151], %swap3A_1154 {strides = array<i32>} : memref<16x224xf32, #tpu.memory_space<vmem>>, vector<1x16xf32>,
    %swap3A_1155 = arith.constant 13 : i32
    %swap3A_1156 = arith.index_cast %swap3A_1155 : i32 to index
    %swap3A_1157 = arith.constant 80 : index
    %swap3A_1158 = tpu.vector_load %arg6[%swap3A_1156, %swap3A_1157] {strides = array<i32>} : memref<16x224xf32, #tpu.memory_space<vmem>>, vector<1x16xf32>,
    %swap3A_1159 = vector.shape_cast %swap3A_1158 : vector<1x16xf32> to vector<16xf32>
    %swap3A_1160 = vector.shape_cast %broadcast_in_dim3A_33 : vector<16xf32> to vector<1x16xf32>
    tpu.vector_store %arg6[%swap3A_1156, %swap3A_1157], %swap3A_1160 {strides = array<i32>} : memref<16x224xf32, #tpu.memory_space<vmem>>, vector<1x16xf32>,
    %swap3A_1161 = arith.constant 13 : i32
    %swap3A_1162 = arith.index_cast %swap3A_1161 : i32 to index
    %swap3A_1163 = arith.constant 96 : index
    %swap3A_1164 = tpu.vector_load %arg6[%swap3A_1162, %swap3A_1163] {strides = array<i32>} : memref<16x224xf32, #tpu.memory_space<vmem>>, vector<1x16xf32>,
    %swap3A_1165 = vector.shape_cast %swap3A_1164 : vector<1x16xf32> to vector<16xf32>
    %swap3A_1166 = vector.shape_cast %broadcast_in_dim3A_33 : vector<16xf32> to vector<1x16xf32>
    tpu.vector_store %arg6[%swap3A_1162, %swap3A_1163], %swap3A_1166 {strides = array<i32>} : memref<16x224xf32, #tpu.memory_space<vmem>>, vector<1x16xf32>,
    %swap3A_1167 = arith.constant 13 : i32
    %swap3A_1168 = arith.index_cast %swap3A_1167 : i32 to index
    %swap3A_1169 = arith.constant 112 : index
    %swap3A_1170 = tpu.vector_load %arg6[%swap3A_1168, %swap3A_1169] {strides = array<i32>} : memref<16x224xf32, #tpu.memory_space<vmem>>, vector<1x16xf32>,
    %swap3A_1171 = vector.shape_cast %swap3A_1170 : vector<1x16xf32> to vector<16xf32>
    %swap3A_1172 = vector.shape_cast %broadcast_in_dim3A_33 : vector<16xf32> to vector<1x16xf32>
    tpu.vector_store %arg6[%swap3A_1168, %swap3A_1169], %swap3A_1172 {strides = array<i32>} : memref<16x224xf32, #tpu.memory_space<vmem>>, vector<1x16xf32>,
    %swap3A_1173 = arith.constant 13 : i32
    %swap3A_1174 = arith.index_cast %swap3A_1173 : i32 to index
    %swap3A_1175 = arith.constant 128 : index
    %swap3A_1176 = tpu.vector_load %arg6[%swap3A_1174, %swap3A_1175] {strides = array<i32>} : memref<16x224xf32, #tpu.memory_space<vmem>>, vector<1x16xf32>,
    %swap3A_1177 = vector.shape_cast %swap3A_1176 : vector<1x16xf32> to vector<16xf32>
    %swap3A_1178 = vector.shape_cast %broadcast_in_dim3A_33 : vector<16xf32> to vector<1x16xf32>
    tpu.vector_store %arg6[%swap3A_1174, %swap3A_1175], %swap3A_1178 {strides = array<i32>} : memref<16x224xf32, #tpu.memory_space<vmem>>, vector<1x16xf32>,
    %swap3A_1179 = arith.constant 13 : i32
    %swap3A_1180 = arith.index_cast %swap3A_1179 : i32 to index
    %swap3A_1181 = arith.constant 144 : index
    %swap3A_1182 = tpu.vector_load %arg6[%swap3A_1180, %swap3A_1181] {strides = array<i32>} : memref<16x224xf32, #tpu.memory_space<vmem>>, vector<1x16xf32>,
    %swap3A_1183 = vector.shape_cast %swap3A_1182 : vector<1x16xf32> to vector<16xf32>
    %swap3A_1184 = vector.shape_cast %broadcast_in_dim3A_33 : vector<16xf32> to vector<1x16xf32>
    tpu.vector_store %arg6[%swap3A_1180, %swap3A_1181], %swap3A_1184 {strides = array<i32>} : memref<16x224xf32, #tpu.memory_space<vmem>>, vector<1x16xf32>,
    %swap3A_1185 = arith.constant 13 : i32
    %swap3A_1186 = arith.index_cast %swap3A_1185 : i32 to index
    %swap3A_1187 = arith.constant 160 : index
    %swap3A_1188 = tpu.vector_load %arg6[%swap3A_1186, %swap3A_1187] {strides = array<i32>} : memref<16x224xf32, #tpu.memory_space<vmem>>, vector<1x16xf32>,
    %swap3A_1189 = vector.shape_cast %swap3A_1188 : vector<1x16xf32> to vector<16xf32>
    %swap3A_1190 = vector.shape_cast %broadcast_in_dim3A_33 : vector<16xf32> to vector<1x16xf32>
    tpu.vector_store %arg6[%swap3A_1186, %swap3A_1187], %swap3A_1190 {strides = array<i32>} : memref<16x224xf32, #tpu.memory_space<vmem>>, vector<1x16xf32>,
    %swap3A_1191 = arith.constant 13 : i32
    %swap3A_1192 = arith.index_cast %swap3A_1191 : i32 to index
    %swap3A_1193 = arith.constant 176 : index
    %swap3A_1194 = tpu.vector_load %arg6[%swap3A_1192, %swap3A_1193] {strides = array<i32>} : memref<16x224xf32, #tpu.memory_space<vmem>>, vector<1x16xf32>,
    %swap3A_1195 = vector.shape_cast %swap3A_1194 : vector<1x16xf32> to vector<16xf32>
    %swap3A_1196 = vector.shape_cast %broadcast_in_dim3A_33 : vector<16xf32> to vector<1x16xf32>
    tpu.vector_store %arg6[%swap3A_1192, %swap3A_1193], %swap3A_1196 {strides = array<i32>} : memref<16x224xf32, #tpu.memory_space<vmem>>, vector<1x16xf32>,
    %swap3A_1197 = arith.constant 13 : i32
    %swap3A_1198 = arith.index_cast %swap3A_1197 : i32 to index
    %swap3A_1199 = arith.constant 192 : index
    %swap3A_1200 = tpu.vector_load %arg6[%swap3A_1198, %swap3A_1199] {strides = array<i32>} : memref<16x224xf32, #tpu.memory_space<vmem>>, vector<1x16xf32>,
    %swap3A_1201 = vector.shape_cast %swap3A_1200 : vector<1x16xf32> to vector<16xf32>
    %swap3A_1202 = vector.shape_cast %broadcast_in_dim3A_33 : vector<16xf32> to vector<1x16xf32>
    tpu.vector_store %arg6[%swap3A_1198, %swap3A_1199], %swap3A_1202 {strides = array<i32>} : memref<16x224xf32, #tpu.memory_space<vmem>>, vector<1x16xf32>,
    %swap3A_1203 = arith.constant 13 : i32
    %swap3A_1204 = arith.index_cast %swap3A_1203 : i32 to index
    %swap3A_1205 = arith.constant 208 : index
    %swap3A_1206 = tpu.vector_load %arg6[%swap3A_1204, %swap3A_1205] {strides = array<i32>} : memref<16x224xf32, #tpu.memory_space<vmem>>, vector<1x16xf32>,
    %swap3A_1207 = vector.shape_cast %swap3A_1206 : vector<1x16xf32> to vector<16xf32>
    %swap3A_1208 = vector.shape_cast %broadcast_in_dim3A_33 : vector<16xf32> to vector<1x16xf32>
    tpu.vector_store %arg6[%swap3A_1204, %swap3A_1205], %swap3A_1208 {strides = array<i32>} : memref<16x224xf32, #tpu.memory_space<vmem>>, vector<1x16xf32>,
    %swap3A_1209 = arith.constant 14 : i32
    %swap3A_1210 = arith.index_cast %swap3A_1209 : i32 to index
    %swap3A_1211 = arith.constant 0 : index
    %swap3A_1212 = tpu.vector_load %arg6[%swap3A_1210, %swap3A_1211] {strides = array<i32>} : memref<16x224xf32, #tpu.memory_space<vmem>>, vector<1x16xf32>,
    %swap3A_1213 = vector.shape_cast %swap3A_1212 : vector<1x16xf32> to vector<16xf32>
    %swap3A_1214 = vector.shape_cast %broadcast_in_dim3A_33 : vector<16xf32> to vector<1x16xf32>
    tpu.vector_store %arg6[%swap3A_1210, %swap3A_1211], %swap3A_1214 {strides = array<i32>} : memref<16x224xf32, #tpu.memory_space<vmem>>, vector<1x16xf32>,
    %swap3A_1215 = arith.constant 14 : i32
    %swap3A_1216 = arith.index_cast %swap3A_1215 : i32 to index
    %swap3A_1217 = arith.constant 16 : index
    %swap3A_1218 = tpu.vector_load %arg6[%swap3A_1216, %swap3A_1217] {strides = array<i32>} : memref<16x224xf32, #tpu.memory_space<vmem>>, vector<1x16xf32>,
    %swap3A_1219 = vector.shape_cast %swap3A_1218 : vector<1x16xf32> to vector<16xf32>
    %swap3A_1220 = vector.shape_cast %broadcast_in_dim3A_33 : vector<16xf32> to vector<1x16xf32>
    tpu.vector_store %arg6[%swap3A_1216, %swap3A_1217], %swap3A_1220 {strides = array<i32>} : memref<16x224xf32, #tpu.memory_space<vmem>>, vector<1x16xf32>,
    %swap3A_1221 = arith.constant 14 : i32
    %swap3A_1222 = arith.index_cast %swap3A_1221 : i32 to index
    %swap3A_1223 = arith.constant 32 : index
    %swap3A_1224 = tpu.vector_load %arg6[%swap3A_1222, %swap3A_1223] {strides = array<i32>} : memref<16x224xf32, #tpu.memory_space<vmem>>, vector<1x16xf32>,
    %swap3A_1225 = vector.shape_cast %swap3A_1224 : vector<1x16xf32> to vector<16xf32>
    %swap3A_1226 = vector.shape_cast %broadcast_in_dim3A_33 : vector<16xf32> to vector<1x16xf32>
    tpu.vector_store %arg6[%swap3A_1222, %swap3A_1223], %swap3A_1226 {strides = array<i32>} : memref<16x224xf32, #tpu.memory_space<vmem>>, vector<1x16xf32>,
    %swap3A_1227 = arith.constant 14 : i32
    %swap3A_1228 = arith.index_cast %swap3A_1227 : i32 to index
    %swap3A_1229 = arith.constant 48 : index
    %swap3A_1230 = tpu.vector_load %arg6[%swap3A_1228, %swap3A_1229] {strides = array<i32>} : memref<16x224xf32, #tpu.memory_space<vmem>>, vector<1x16xf32>,
    %swap3A_1231 = vector.shape_cast %swap3A_1230 : vector<1x16xf32> to vector<16xf32>
    %swap3A_1232 = vector.shape_cast %broadcast_in_dim3A_33 : vector<16xf32> to vector<1x16xf32>
    tpu.vector_store %arg6[%swap3A_1228, %swap3A_1229], %swap3A_1232 {strides = array<i32>} : memref<16x224xf32, #tpu.memory_space<vmem>>, vector<1x16xf32>,
    %swap3A_1233 = arith.constant 14 : i32
    %swap3A_1234 = arith.index_cast %swap3A_1233 : i32 to index
    %swap3A_1235 = arith.constant 64 : index
    %swap3A_1236 = tpu.vector_load %arg6[%swap3A_1234, %swap3A_1235] {strides = array<i32>} : memref<16x224xf32, #tpu.memory_space<vmem>>, vector<1x16xf32>,
    %swap3A_1237 = vector.shape_cast %swap3A_1236 : vector<1x16xf32> to vector<16xf32>
    %swap3A_1238 = vector.shape_cast %broadcast_in_dim3A_33 : vector<16xf32> to vector<1x16xf32>
    tpu.vector_store %arg6[%swap3A_1234, %swap3A_1235], %swap3A_1238 {strides = array<i32>} : memref<16x224xf32, #tpu.memory_space<vmem>>, vector<1x16xf32>,
    %swap3A_1239 = arith.constant 14 : i32
    %swap3A_1240 = arith.index_cast %swap3A_1239 : i32 to index
    %swap3A_1241 = arith.constant 80 : index
    %swap3A_1242 = tpu.vector_load %arg6[%swap3A_1240, %swap3A_1241] {strides = array<i32>} : memref<16x224xf32, #tpu.memory_space<vmem>>, vector<1x16xf32>,
    %swap3A_1243 = vector.shape_cast %swap3A_1242 : vector<1x16xf32> to vector<16xf32>
    %swap3A_1244 = vector.shape_cast %broadcast_in_dim3A_33 : vector<16xf32> to vector<1x16xf32>
    tpu.vector_store %arg6[%swap3A_1240, %swap3A_1241], %swap3A_1244 {strides = array<i32>} : memref<16x224xf32, #tpu.memory_space<vmem>>, vector<1x16xf32>,
    %swap3A_1245 = arith.constant 14 : i32
    %swap3A_1246 = arith.index_cast %swap3A_1245 : i32 to index
    %swap3A_1247 = arith.constant 96 : index
    %swap3A_1248 = tpu.vector_load %arg6[%swap3A_1246, %swap3A_1247] {strides = array<i32>} : memref<16x224xf32, #tpu.memory_space<vmem>>, vector<1x16xf32>,
    %swap3A_1249 = vector.shape_cast %swap3A_1248 : vector<1x16xf32> to vector<16xf32>
    %swap3A_1250 = vector.shape_cast %broadcast_in_dim3A_33 : vector<16xf32> to vector<1x16xf32>
    tpu.vector_store %arg6[%swap3A_1246, %swap3A_1247], %swap3A_1250 {strides = array<i32>} : memref<16x224xf32, #tpu.memory_space<vmem>>, vector<1x16xf32>,
    %swap3A_1251 = arith.constant 14 : i32
    %swap3A_1252 = arith.index_cast %swap3A_1251 : i32 to index
    %swap3A_1253 = arith.constant 112 : index
    %swap3A_1254 = tpu.vector_load %arg6[%swap3A_1252, %swap3A_1253] {strides = array<i32>} : memref<16x224xf32, #tpu.memory_space<vmem>>, vector<1x16xf32>,
    %swap3A_1255 = vector.shape_cast %swap3A_1254 : vector<1x16xf32> to vector<16xf32>
    %swap3A_1256 = vector.shape_cast %broadcast_in_dim3A_33 : vector<16xf32> to vector<1x16xf32>
    tpu.vector_store %arg6[%swap3A_1252, %swap3A_1253], %swap3A_1256 {strides = array<i32>} : memref<16x224xf32, #tpu.memory_space<vmem>>, vector<1x16xf32>,
    %swap3A_1257 = arith.constant 14 : i32
    %swap3A_1258 = arith.index_cast %swap3A_1257 : i32 to index
    %swap3A_1259 = arith.constant 128 : index
    %swap3A_1260 = tpu.vector_load %arg6[%swap3A_1258, %swap3A_1259] {strides = array<i32>} : memref<16x224xf32, #tpu.memory_space<vmem>>, vector<1x16xf32>,
    %swap3A_1261 = vector.shape_cast %swap3A_1260 : vector<1x16xf32> to vector<16xf32>
    %swap3A_1262 = vector.shape_cast %broadcast_in_dim3A_33 : vector<16xf32> to vector<1x16xf32>
    tpu.vector_store %arg6[%swap3A_1258, %swap3A_1259], %swap3A_1262 {strides = array<i32>} : memref<16x224xf32, #tpu.memory_space<vmem>>, vector<1x16xf32>,
    %swap3A_1263 = arith.constant 14 : i32
    %swap3A_1264 = arith.index_cast %swap3A_1263 : i32 to index
    %swap3A_1265 = arith.constant 144 : index
    %swap3A_1266 = tpu.vector_load %arg6[%swap3A_1264, %swap3A_1265] {strides = array<i32>} : memref<16x224xf32, #tpu.memory_space<vmem>>, vector<1x16xf32>,
    %swap3A_1267 = vector.shape_cast %swap3A_1266 : vector<1x16xf32> to vector<16xf32>
    %swap3A_1268 = vector.shape_cast %broadcast_in_dim3A_33 : vector<16xf32> to vector<1x16xf32>
    tpu.vector_store %arg6[%swap3A_1264, %swap3A_1265], %swap3A_1268 {strides = array<i32>} : memref<16x224xf32, #tpu.memory_space<vmem>>, vector<1x16xf32>,
    %swap3A_1269 = arith.constant 14 : i32
    %swap3A_1270 = arith.index_cast %swap3A_1269 : i32 to index
    %swap3A_1271 = arith.constant 160 : index
    %swap3A_1272 = tpu.vector_load %arg6[%swap3A_1270, %swap3A_1271] {strides = array<i32>} : memref<16x224xf32, #tpu.memory_space<vmem>>, vector<1x16xf32>,
    %swap3A_1273 = vector.shape_cast %swap3A_1272 : vector<1x16xf32> to vector<16xf32>
    %swap3A_1274 = vector.shape_cast %broadcast_in_dim3A_33 : vector<16xf32> to vector<1x16xf32>
    tpu.vector_store %arg6[%swap3A_1270, %swap3A_1271], %swap3A_1274 {strides = array<i32>} : memref<16x224xf32, #tpu.memory_space<vmem>>, vector<1x16xf32>,
    %swap3A_1275 = arith.constant 14 : i32
    %swap3A_1276 = arith.index_cast %swap3A_1275 : i32 to index
    %swap3A_1277 = arith.constant 176 : index
    %swap3A_1278 = tpu.vector_load %arg6[%swap3A_1276, %swap3A_1277] {strides = array<i32>} : memref<16x224xf32, #tpu.memory_space<vmem>>, vector<1x16xf32>,
    %swap3A_1279 = vector.shape_cast %swap3A_1278 : vector<1x16xf32> to vector<16xf32>
    %swap3A_1280 = vector.shape_cast %broadcast_in_dim3A_33 : vector<16xf32> to vector<1x16xf32>
    tpu.vector_store %arg6[%swap3A_1276, %swap3A_1277], %swap3A_1280 {strides = array<i32>} : memref<16x224xf32, #tpu.memory_space<vmem>>, vector<1x16xf32>,
    %swap3A_1281 = arith.constant 14 : i32
    %swap3A_1282 = arith.index_cast %swap3A_1281 : i32 to index
    %swap3A_1283 = arith.constant 192 : index
    %swap3A_1284 = tpu.vector_load %arg6[%swap3A_1282, %swap3A_1283] {strides = array<i32>} : memref<16x224xf32, #tpu.memory_space<vmem>>, vector<1x16xf32>,
    %swap3A_1285 = vector.shape_cast %swap3A_1284 : vector<1x16xf32> to vector<16xf32>
    %swap3A_1286 = vector.shape_cast %broadcast_in_dim3A_33 : vector<16xf32> to vector<1x16xf32>
    tpu.vector_store %arg6[%swap3A_1282, %swap3A_1283], %swap3A_1286 {strides = array<i32>} : memref<16x224xf32, #tpu.memory_space<vmem>>, vector<1x16xf32>,
    %swap3A_1287 = arith.constant 14 : i32
    %swap3A_1288 = arith.index_cast %swap3A_1287 : i32 to index
    %swap3A_1289 = arith.constant 208 : index
    %swap3A_1290 = tpu.vector_load %arg6[%swap3A_1288, %swap3A_1289] {strides = array<i32>} : memref<16x224xf32, #tpu.memory_space<vmem>>, vector<1x16xf32>,
    %swap3A_1291 = vector.shape_cast %swap3A_1290 : vector<1x16xf32> to vector<16xf32>
    %swap3A_1292 = vector.shape_cast %broadcast_in_dim3A_33 : vector<16xf32> to vector<1x16xf32>
    tpu.vector_store %arg6[%swap3A_1288, %swap3A_1289], %swap3A_1292 {strides = array<i32>} : memref<16x224xf32, #tpu.memory_space<vmem>>, vector<1x16xf32>,
    %swap3A_1293 = arith.constant 15 : i32
    %swap3A_1294 = arith.index_cast %swap3A_1293 : i32 to index
    %swap3A_1295 = arith.constant 0 : index
    %swap3A_1296 = tpu.vector_load %arg6[%swap3A_1294, %swap3A_1295] {strides = array<i32>} : memref<16x224xf32, #tpu.memory_space<vmem>>, vector<1x16xf32>,
    %swap3A_1297 = vector.shape_cast %swap3A_1296 : vector<1x16xf32> to vector<16xf32>
    %swap3A_1298 = vector.shape_cast %broadcast_in_dim3A_33 : vector<16xf32> to vector<1x16xf32>
    tpu.vector_store %arg6[%swap3A_1294, %swap3A_1295], %swap3A_1298 {strides = array<i32>} : memref<16x224xf32, #tpu.memory_space<vmem>>, vector<1x16xf32>,
    %swap3A_1299 = arith.constant 15 : i32
    %swap3A_1300 = arith.index_cast %swap3A_1299 : i32 to index
    %swap3A_1301 = arith.constant 16 : index
    %swap3A_1302 = tpu.vector_load %arg6[%swap3A_1300, %swap3A_1301] {strides = array<i32>} : memref<16x224xf32, #tpu.memory_space<vmem>>, vector<1x16xf32>,
    %swap3A_1303 = vector.shape_cast %swap3A_1302 : vector<1x16xf32> to vector<16xf32>
    %swap3A_1304 = vector.shape_cast %broadcast_in_dim3A_33 : vector<16xf32> to vector<1x16xf32>
    tpu.vector_store %arg6[%swap3A_1300, %swap3A_1301], %swap3A_1304 {strides = array<i32>} : memref<16x224xf32, #tpu.memory_space<vmem>>, vector<1x16xf32>,
    %swap3A_1305 = arith.constant 15 : i32
    %swap3A_1306 = arith.index_cast %swap3A_1305 : i32 to index
    %swap3A_1307 = arith.constant 32 : index
    %swap3A_1308 = tpu.vector_load %arg6[%swap3A_1306, %swap3A_1307] {strides = array<i32>} : memref<16x224xf32, #tpu.memory_space<vmem>>, vector<1x16xf32>,
    %swap3A_1309 = vector.shape_cast %swap3A_1308 : vector<1x16xf32> to vector<16xf32>
    %swap3A_1310 = vector.shape_cast %broadcast_in_dim3A_33 : vector<16xf32> to vector<1x16xf32>
    tpu.vector_store %arg6[%swap3A_1306, %swap3A_1307], %swap3A_1310 {strides = array<i32>} : memref<16x224xf32, #tpu.memory_space<vmem>>, vector<1x16xf32>,
    %swap3A_1311 = arith.constant 15 : i32
    %swap3A_1312 = arith.index_cast %swap3A_1311 : i32 to index
    %swap3A_1313 = arith.constant 48 : index
    %swap3A_1314 = tpu.vector_load %arg6[%swap3A_1312, %swap3A_1313] {strides = array<i32>} : memref<16x224xf32, #tpu.memory_space<vmem>>, vector<1x16xf32>,
    %swap3A_1315 = vector.shape_cast %swap3A_1314 : vector<1x16xf32> to vector<16xf32>
    %swap3A_1316 = vector.shape_cast %broadcast_in_dim3A_33 : vector<16xf32> to vector<1x16xf32>
    tpu.vector_store %arg6[%swap3A_1312, %swap3A_1313], %swap3A_1316 {strides = array<i32>} : memref<16x224xf32, #tpu.memory_space<vmem>>, vector<1x16xf32>,
    %swap3A_1317 = arith.constant 15 : i32
    %swap3A_1318 = arith.index_cast %swap3A_1317 : i32 to index
    %swap3A_1319 = arith.constant 64 : index
    %swap3A_1320 = tpu.vector_load %arg6[%swap3A_1318, %swap3A_1319] {strides = array<i32>} : memref<16x224xf32, #tpu.memory_space<vmem>>, vector<1x16xf32>,
    %swap3A_1321 = vector.shape_cast %swap3A_1320 : vector<1x16xf32> to vector<16xf32>
    %swap3A_1322 = vector.shape_cast %broadcast_in_dim3A_33 : vector<16xf32> to vector<1x16xf32>
    tpu.vector_store %arg6[%swap3A_1318, %swap3A_1319], %swap3A_1322 {strides = array<i32>} : memref<16x224xf32, #tpu.memory_space<vmem>>, vector<1x16xf32>,
    %swap3A_1323 = arith.constant 15 : i32
    %swap3A_1324 = arith.index_cast %swap3A_1323 : i32 to index
    %swap3A_1325 = arith.constant 80 : index
    %swap3A_1326 = tpu.vector_load %arg6[%swap3A_1324, %swap3A_1325] {strides = array<i32>} : memref<16x224xf32, #tpu.memory_space<vmem>>, vector<1x16xf32>,
    %swap3A_1327 = vector.shape_cast %swap3A_1326 : vector<1x16xf32> to vector<16xf32>
    %swap3A_1328 = vector.shape_cast %broadcast_in_dim3A_33 : vector<16xf32> to vector<1x16xf32>
    tpu.vector_store %arg6[%swap3A_1324, %swap3A_1325], %swap3A_1328 {strides = array<i32>} : memref<16x224xf32, #tpu.memory_space<vmem>>, vector<1x16xf32>,
    %swap3A_1329 = arith.constant 15 : i32
    %swap3A_1330 = arith.index_cast %swap3A_1329 : i32 to index
    %swap3A_1331 = arith.constant 96 : index
    %swap3A_1332 = tpu.vector_load %arg6[%swap3A_1330, %swap3A_1331] {strides = array<i32>} : memref<16x224xf32, #tpu.memory_space<vmem>>, vector<1x16xf32>,
    %swap3A_1333 = vector.shape_cast %swap3A_1332 : vector<1x16xf32> to vector<16xf32>
    %swap3A_1334 = vector.shape_cast %broadcast_in_dim3A_33 : vector<16xf32> to vector<1x16xf32>
    tpu.vector_store %arg6[%swap3A_1330, %swap3A_1331], %swap3A_1334 {strides = array<i32>} : memref<16x224xf32, #tpu.memory_space<vmem>>, vector<1x16xf32>,
    %swap3A_1335 = arith.constant 15 : i32
    %swap3A_1336 = arith.index_cast %swap3A_1335 : i32 to index
    %swap3A_1337 = arith.constant 112 : index
    %swap3A_1338 = tpu.vector_load %arg6[%swap3A_1336, %swap3A_1337] {strides = array<i32>} : memref<16x224xf32, #tpu.memory_space<vmem>>, vector<1x16xf32>,
    %swap3A_1339 = vector.shape_cast %swap3A_1338 : vector<1x16xf32> to vector<16xf32>
    %swap3A_1340 = vector.shape_cast %broadcast_in_dim3A_33 : vector<16xf32> to vector<1x16xf32>
    tpu.vector_store %arg6[%swap3A_1336, %swap3A_1337], %swap3A_1340 {strides = array<i32>} : memref<16x224xf32, #tpu.memory_space<vmem>>, vector<1x16xf32>,
    %swap3A_1341 = arith.constant 15 : i32
    %swap3A_1342 = arith.index_cast %swap3A_1341 : i32 to index
    %swap3A_1343 = arith.constant 128 : index
    %swap3A_1344 = tpu.vector_load %arg6[%swap3A_1342, %swap3A_1343] {strides = array<i32>} : memref<16x224xf32, #tpu.memory_space<vmem>>, vector<1x16xf32>,
    %swap3A_1345 = vector.shape_cast %swap3A_1344 : vector<1x16xf32> to vector<16xf32>
    %swap3A_1346 = vector.shape_cast %broadcast_in_dim3A_33 : vector<16xf32> to vector<1x16xf32>
    tpu.vector_store %arg6[%swap3A_1342, %swap3A_1343], %swap3A_1346 {strides = array<i32>} : memref<16x224xf32, #tpu.memory_space<vmem>>, vector<1x16xf32>,
    %swap3A_1347 = arith.constant 15 : i32
    %swap3A_1348 = arith.index_cast %swap3A_1347 : i32 to index
    %swap3A_1349 = arith.constant 144 : index
    %swap3A_1350 = tpu.vector_load %arg6[%swap3A_1348, %swap3A_1349] {strides = array<i32>} : memref<16x224xf32, #tpu.memory_space<vmem>>, vector<1x16xf32>,
    %swap3A_1351 = vector.shape_cast %swap3A_1350 : vector<1x16xf32> to vector<16xf32>
    %swap3A_1352 = vector.shape_cast %broadcast_in_dim3A_33 : vector<16xf32> to vector<1x16xf32>
    tpu.vector_store %arg6[%swap3A_1348, %swap3A_1349], %swap3A_1352 {strides = array<i32>} : memref<16x224xf32, #tpu.memory_space<vmem>>, vector<1x16xf32>,
    %swap3A_1353 = arith.constant 15 : i32
    %swap3A_1354 = arith.index_cast %swap3A_1353 : i32 to index
    %swap3A_1355 = arith.constant 160 : index
    %swap3A_1356 = tpu.vector_load %arg6[%swap3A_1354, %swap3A_1355] {strides = array<i32>} : memref<16x224xf32, #tpu.memory_space<vmem>>, vector<1x16xf32>,
    %swap3A_1357 = vector.shape_cast %swap3A_1356 : vector<1x16xf32> to vector<16xf32>
    %swap3A_1358 = vector.shape_cast %broadcast_in_dim3A_33 : vector<16xf32> to vector<1x16xf32>
    tpu.vector_store %arg6[%swap3A_1354, %swap3A_1355], %swap3A_1358 {strides = array<i32>} : memref<16x224xf32, #tpu.memory_space<vmem>>, vector<1x16xf32>,
    %swap3A_1359 = arith.constant 15 : i32
    %swap3A_1360 = arith.index_cast %swap3A_1359 : i32 to index
    %swap3A_1361 = arith.constant 176 : index
    %swap3A_1362 = tpu.vector_load %arg6[%swap3A_1360, %swap3A_1361] {strides = array<i32>} : memref<16x224xf32, #tpu.memory_space<vmem>>, vector<1x16xf32>,
    %swap3A_1363 = vector.shape_cast %swap3A_1362 : vector<1x16xf32> to vector<16xf32>
    %swap3A_1364 = vector.shape_cast %broadcast_in_dim3A_33 : vector<16xf32> to vector<1x16xf32>
    tpu.vector_store %arg6[%swap3A_1360, %swap3A_1361], %swap3A_1364 {strides = array<i32>} : memref<16x224xf32, #tpu.memory_space<vmem>>, vector<1x16xf32>,
    %swap3A_1365 = arith.constant 15 : i32
    %swap3A_1366 = arith.index_cast %swap3A_1365 : i32 to index
    %swap3A_1367 = arith.constant 192 : index
    %swap3A_1368 = tpu.vector_load %arg6[%swap3A_1366, %swap3A_1367] {strides = array<i32>} : memref<16x224xf32, #tpu.memory_space<vmem>>, vector<1x16xf32>,
    %swap3A_1369 = vector.shape_cast %swap3A_1368 : vector<1x16xf32> to vector<16xf32>
    %swap3A_1370 = vector.shape_cast %broadcast_in_dim3A_33 : vector<16xf32> to vector<1x16xf32>
    tpu.vector_store %arg6[%swap3A_1366, %swap3A_1367], %swap3A_1370 {strides = array<i32>} : memref<16x224xf32, #tpu.memory_space<vmem>>, vector<1x16xf32>,
    %swap3A_1371 = arith.constant 15 : i32
    %swap3A_1372 = arith.index_cast %swap3A_1371 : i32 to index
    %swap3A_1373 = arith.constant 208 : index
    %swap3A_1374 = tpu.vector_load %arg6[%swap3A_1372, %swap3A_1373] {strides = array<i32>} : memref<16x224xf32, #tpu.memory_space<vmem>>, vector<1x16xf32>,
    %swap3A_1375 = vector.shape_cast %swap3A_1374 : vector<1x16xf32> to vector<16xf32>
    %swap3A_1376 = vector.shape_cast %broadcast_in_dim3A_33 : vector<16xf32> to vector<1x16xf32>
    tpu.vector_store %arg6[%swap3A_1372, %swap3A_1373], %swap3A_1376 {strides = array<i32>} : memref<16x224xf32, #tpu.memory_space<vmem>>, vector<1x16xf32>,
    %iota3A = tpu.iota {dimensions = array<i32: 0>} : vector<16xi32>
    %get3A = arith.constant 0 : i32
    %get3A_1377 = arith.index_cast %get3A : i32 to index
    %get3A_1378 = arith.constant 0 : index
    %get3A_1379 = tpu.vector_load %arg5[%get3A_1377, %get3A_1378] {strides = array<i32>} : memref<16x128xf32, #tpu.memory_space<vmem>>, vector<1x16xf32>,
    %get3A_1380 = vector.shape_cast %get3A_1379 : vector<1x16xf32> to vector<16xf32>
    %get3A_1381 = arith.constant 1 : i32
    %get3A_1382 = arith.index_cast %get3A_1381 : i32 to index
    %get3A_1383 = arith.constant 0 : index
    %get3A_1384 = tpu.vector_load %arg5[%get3A_1382, %get3A_1383] {strides = array<i32>} : memref<16x128xf32, #tpu.memory_space<vmem>>, vector<1x16xf32>,
    %get3A_1385 = vector.shape_cast %get3A_1384 : vector<1x16xf32> to vector<16xf32>
    %get3A_1386 = arith.constant 2 : i32
    %get3A_1387 = arith.index_cast %get3A_1386 : i32 to index
    %get3A_1388 = arith.constant 0 : index
    %get3A_1389 = tpu.vector_load %arg5[%get3A_1387, %get3A_1388] {strides = array<i32>} : memref<16x128xf32, #tpu.memory_space<vmem>>, vector<1x16xf32>,
    %get3A_1390 = vector.shape_cast %get3A_1389 : vector<1x16xf32> to vector<16xf32>
    %get3A_1391 = arith.constant 3 : i32
    %get3A_1392 = arith.index_cast %get3A_1391 : i32 to index
    %get3A_1393 = arith.constant 0 : index
    %get3A_1394 = tpu.vector_load %arg5[%get3A_1392, %get3A_1393] {strides = array<i32>} : memref<16x128xf32, #tpu.memory_space<vmem>>, vector<1x16xf32>,
    %get3A_1395 = vector.shape_cast %get3A_1394 : vector<1x16xf32> to vector<16xf32>
    %get3A_1396 = arith.constant 4 : i32
    %get3A_1397 = arith.index_cast %get3A_1396 : i32 to index
    %get3A_1398 = arith.constant 0 : index
    %get3A_1399 = tpu.vector_load %arg5[%get3A_1397, %get3A_1398] {strides = array<i32>} : memref<16x128xf32, #tpu.memory_space<vmem>>, vector<1x16xf32>,
    %get3A_1400 = vector.shape_cast %get3A_1399 : vector<1x16xf32> to vector<16xf32>
    %get3A_1401 = arith.constant 5 : i32
    %get3A_1402 = arith.index_cast %get3A_1401 : i32 to index
    %get3A_1403 = arith.constant 0 : index
    %get3A_1404 = tpu.vector_load %arg5[%get3A_1402, %get3A_1403] {strides = array<i32>} : memref<16x128xf32, #tpu.memory_space<vmem>>, vector<1x16xf32>,
    %get3A_1405 = vector.shape_cast %get3A_1404 : vector<1x16xf32> to vector<16xf32>
    %get3A_1406 = arith.constant 6 : i32
    %get3A_1407 = arith.index_cast %get3A_1406 : i32 to index
    %get3A_1408 = arith.constant 0 : index
    %get3A_1409 = tpu.vector_load %arg5[%get3A_1407, %get3A_1408] {strides = array<i32>} : memref<16x128xf32, #tpu.memory_space<vmem>>, vector<1x16xf32>,
    %get3A_1410 = vector.shape_cast %get3A_1409 : vector<1x16xf32> to vector<16xf32>
    %get3A_1411 = arith.constant 7 : i32
    %get3A_1412 = arith.index_cast %get3A_1411 : i32 to index
    %get3A_1413 = arith.constant 0 : index
    %get3A_1414 = tpu.vector_load %arg5[%get3A_1412, %get3A_1413] {strides = array<i32>} : memref<16x128xf32, #tpu.memory_space<vmem>>, vector<1x16xf32>,
    %get3A_1415 = vector.shape_cast %get3A_1414 : vector<1x16xf32> to vector<16xf32>
    %get3A_1416 = arith.constant 8 : i32
    %get3A_1417 = arith.index_cast %get3A_1416 : i32 to index
    %get3A_1418 = arith.constant 0 : index
    %get3A_1419 = tpu.vector_load %arg5[%get3A_1417, %get3A_1418] {strides = array<i32>} : memref<16x128xf32, #tpu.memory_space<vmem>>, vector<1x16xf32>,
    %get3A_1420 = vector.shape_cast %get3A_1419 : vector<1x16xf32> to vector<16xf32>
    %get3A_1421 = arith.constant 9 : i32
    %get3A_1422 = arith.index_cast %get3A_1421 : i32 to index
    %get3A_1423 = arith.constant 0 : index
    %get3A_1424 = tpu.vector_load %arg5[%get3A_1422, %get3A_1423] {strides = array<i32>} : memref<16x128xf32, #tpu.memory_space<vmem>>, vector<1x16xf32>,
    %get3A_1425 = vector.shape_cast %get3A_1424 : vector<1x16xf32> to vector<16xf32>
    %get3A_1426 = arith.constant 10 : i32
    %get3A_1427 = arith.index_cast %get3A_1426 : i32 to index
    %get3A_1428 = arith.constant 0 : index
    %get3A_1429 = tpu.vector_load %arg5[%get3A_1427, %get3A_1428] {strides = array<i32>} : memref<16x128xf32, #tpu.memory_space<vmem>>, vector<1x16xf32>,
    %get3A_1430 = vector.shape_cast %get3A_1429 : vector<1x16xf32> to vector<16xf32>
    %get3A_1431 = arith.constant 11 : i32
    %get3A_1432 = arith.index_cast %get3A_1431 : i32 to index
    %get3A_1433 = arith.constant 0 : index
    %get3A_1434 = tpu.vector_load %arg5[%get3A_1432, %get3A_1433] {strides = array<i32>} : memref<16x128xf32, #tpu.memory_space<vmem>>, vector<1x16xf32>,
    %get3A_1435 = vector.shape_cast %get3A_1434 : vector<1x16xf32> to vector<16xf32>
    %get3A_1436 = arith.constant 12 : i32
    %get3A_1437 = arith.index_cast %get3A_1436 : i32 to index
    %get3A_1438 = arith.constant 0 : index
    %get3A_1439 = tpu.vector_load %arg5[%get3A_1437, %get3A_1438] {strides = array<i32>} : memref<16x128xf32, #tpu.memory_space<vmem>>, vector<1x16xf32>,
    %get3A_1440 = vector.shape_cast %get3A_1439 : vector<1x16xf32> to vector<16xf32>
    %get3A_1441 = arith.constant 13 : i32
    %get3A_1442 = arith.index_cast %get3A_1441 : i32 to index
    %get3A_1443 = arith.constant 0 : index
    %get3A_1444 = tpu.vector_load %arg5[%get3A_1442, %get3A_1443] {strides = array<i32>} : memref<16x128xf32, #tpu.memory_space<vmem>>, vector<1x16xf32>,
    %get3A_1445 = vector.shape_cast %get3A_1444 : vector<1x16xf32> to vector<16xf32>
    %get3A_1446 = arith.constant 14 : i32
    %get3A_1447 = arith.index_cast %get3A_1446 : i32 to index
    %get3A_1448 = arith.constant 0 : index
    %get3A_1449 = tpu.vector_load %arg5[%get3A_1447, %get3A_1448] {strides = array<i32>} : memref<16x128xf32, #tpu.memory_space<vmem>>, vector<1x16xf32>,
    %get3A_1450 = vector.shape_cast %get3A_1449 : vector<1x16xf32> to vector<16xf32>
    %get3A_1451 = arith.constant 15 : i32
    %get3A_1452 = arith.index_cast %get3A_1451 : i32 to index
    %get3A_1453 = arith.constant 0 : index
    %get3A_1454 = tpu.vector_load %arg5[%get3A_1452, %get3A_1453] {strides = array<i32>} : memref<16x128xf32, #tpu.memory_space<vmem>>, vector<1x16xf32>,
    %get3A_1455 = vector.shape_cast %get3A_1454 : vector<1x16xf32> to vector<16xf32>
    %broadcast_in_dim3A_1456 = arith.constant 0.000000e+00 : f32
    %broadcast_in_dim3A_1457 = vector.broadcast %broadcast_in_dim3A_1456 : f32 to vector<16xf32>
    %broadcast_in_dim3A_1458 = arith.constant 0.000000e+00 : f32
    %broadcast_in_dim3A_1459 = vector.broadcast %broadcast_in_dim3A_1458 : f32 to vector<16xf32>
    %broadcast_in_dim3A_1460 = arith.constant 0.000000e+00 : f32
    %broadcast_in_dim3A_1461 = vector.broadcast %broadcast_in_dim3A_1460 : f32 to vector<16xf32>
    %broadcast_in_dim3A_1462 = arith.constant 0.000000e+00 : f32
    %broadcast_in_dim3A_1463 = vector.broadcast %broadcast_in_dim3A_1462 : f32 to vector<16xf32>
    %broadcast_in_dim3A_1464 = arith.constant 0.000000e+00 : f32
    %broadcast_in_dim3A_1465 = vector.broadcast %broadcast_in_dim3A_1464 : f32 to vector<16xf32>
    %broadcast_in_dim3A_1466 = arith.constant 0.000000e+00 : f32
    %broadcast_in_dim3A_1467 = vector.broadcast %broadcast_in_dim3A_1466 : f32 to vector<16xf32>
    %broadcast_in_dim3A_1468 = arith.constant 0.000000e+00 : f32
    %broadcast_in_dim3A_1469 = vector.broadcast %broadcast_in_dim3A_1468 : f32 to vector<16xf32>
    %broadcast_in_dim3A_1470 = arith.constant 0.000000e+00 : f32
    %broadcast_in_dim3A_1471 = vector.broadcast %broadcast_in_dim3A_1470 : f32 to vector<16xf32>
    %broadcast_in_dim3A_1472 = arith.constant 0.000000e+00 : f32
    %broadcast_in_dim3A_1473 = vector.broadcast %broadcast_in_dim3A_1472 : f32 to vector<16xf32>
    %broadcast_in_dim3A_1474 = arith.constant 0.000000e+00 : f32
    %broadcast_in_dim3A_1475 = vector.broadcast %broadcast_in_dim3A_1474 : f32 to vector<16xf32>
    %broadcast_in_dim3A_1476 = arith.constant 0.000000e+00 : f32
    %broadcast_in_dim3A_1477 = vector.broadcast %broadcast_in_dim3A_1476 : f32 to vector<16xf32>
    %broadcast_in_dim3A_1478 = arith.constant 0.000000e+00 : f32
    %broadcast_in_dim3A_1479 = vector.broadcast %broadcast_in_dim3A_1478 : f32 to vector<16xf32>
    %broadcast_in_dim3A_1480 = arith.constant 0.000000e+00 : f32
    %broadcast_in_dim3A_1481 = vector.broadcast %broadcast_in_dim3A_1480 : f32 to vector<16xf32>
    %broadcast_in_dim3A_1482 = arith.constant 0.000000e+00 : f32
    %broadcast_in_dim3A_1483 = vector.broadcast %broadcast_in_dim3A_1482 : f32 to vector<16xf32>
    %broadcast_in_dim3A_1484 = arith.constant 0.000000e+00 : f32
    %broadcast_in_dim3A_1485 = vector.broadcast %broadcast_in_dim3A_1484 : f32 to vector<16xf32>
    %broadcast_in_dim3A_1486 = arith.constant 0.000000e+00 : f32
    %broadcast_in_dim3A_1487 = vector.broadcast %broadcast_in_dim3A_1486 : f32 to vector<16xf32>
    %scan3A = arith.constant 0 : i32
    %scan3A_1488 = arith.constant 48 : i32
    %scan3A_1489 = arith.addi %scan3A, %scan3A_1488 : i32
    %scan3A_1490 = arith.constant 1 : i32
    %scan3A_1491:16 = scf.for %scan3A_1594 = %scan3A to %scan3A_1489 step %scan3A_1490 iter_args(%scan3A_1595 = %broadcast_in_dim3A_1457, %scan3A_1596 = %broadcast_in_dim3A_1459, %scan3A_1597 = %broadcast_in_dim3A_1461, %scan3A_1598 = %broadcast_in_dim3A_1463, %scan3A_1599 = %broadcast_in_dim3A_1465, %scan3A_1600 = %broadcast_in_dim3A_1467, %scan3A_1601 = %broadcast_in_dim3A_1469, %scan3A_1602 = %broadcast_in_dim3A_1471, %scan3A_1603 = %broadcast_in_dim3A_1473, %scan3A_1604 = %broadcast_in_dim3A_1475, %scan3A_1605 = %broadcast_in_dim3A_1477, %scan3A_1606 = %broadcast_in_dim3A_1479, %scan3A_1607 = %broadcast_in_dim3A_1481, %scan3A_1608 = %broadcast_in_dim3A_1483, %scan3A_1609 = %broadcast_in_dim3A_1485, %scan3A_1610 = %broadcast_in_dim3A_1487) -> (vector<16xf32>, vector<16xf32>, vector<16xf32>, vector<16xf32>, vector<16xf32>, vector<16xf32>, vector<16xf32>, vector<16xf32>, vector<16xf32>, vector<16xf32>, vector<16xf32>, vector<16xf32>, vector<16xf32>, vector<16xf32>, vector<16xf32>, vector<16xf32>)  : i32 {
      %get3A_1611 = arith.constant 0 : i32
      %get3A_1612 = arith.index_cast %scan3A_1594 : i32 to index
      %get3A_1613 = arith.index_cast %get3A_1611 : i32 to index
      %get3A_1614 = arith.constant 0 : index
      %get3A_1615 = tpu.vector_load %arg4[%get3A_1612, %get3A_1613, %get3A_1614] {strides = array<i32>} : memref<48x16x128xf32, #tpu.memory_space<vmem>>, vector<1x1x16xf32>,
      %get3A_1616 = vector.shape_cast %get3A_1615 : vector<1x1x16xf32> to vector<16xf32>
      %abs3A = math.absf %get3A_1616 : vector<16xf32>
      %broadcast_in_dim3A_1617 = arith.constant 0 : i32
      %broadcast_in_dim3A_1618 = vector.broadcast %broadcast_in_dim3A_1617 : i32 to vector<16xi32>
      %get3A_1619 = arith.constant 1 : i32
      %get3A_1620 = arith.index_cast %scan3A_1594 : i32 to index
      %get3A_1621 = arith.index_cast %get3A_1619 : i32 to index
      %get3A_1622 = arith.constant 0 : index
      %get3A_1623 = tpu.vector_load %arg4[%get3A_1620, %get3A_1621, %get3A_1622] {strides = array<i32>} : memref<48x16x128xf32, #tpu.memory_space<vmem>>, vector<1x1x16xf32>,
      %get3A_1624 = vector.shape_cast %get3A_1623 : vector<1x1x16xf32> to vector<16xf32>
      %abs3A_1625 = math.absf %get3A_1624 : vector<16xf32>
      %gt3A = arith.cmpf ogt, %abs3A_1625, %abs3A : vector<16xf32>
      %select_n3A_1626 = arith.select %gt3A, %abs3A_1625, %abs3A : vector<16xi1>, vector<16xf32>
      %broadcast_in_dim3A_1627 = arith.constant 1 : i32
      %broadcast_in_dim3A_1628 = vector.broadcast %broadcast_in_dim3A_1627 : i32 to vector<16xi32>
      %select_n3A_1629 = arith.select %gt3A, %broadcast_in_dim3A_1628, %broadcast_in_dim3A_1618 : vector<16xi1>, vector<16xi32>
      %get3A_1630 = arith.constant 2 : i32
      %get3A_1631 = arith.index_cast %scan3A_1594 : i32 to index
      %get3A_1632 = arith.index_cast %get3A_1630 : i32 to index
      %get3A_1633 = arith.constant 0 : index
      %get3A_1634 = tpu.vector_load %arg4[%get3A_1631, %get3A_1632, %get3A_1633] {strides = array<i32>} : memref<48x16x128xf32, #tpu.memory_space<vmem>>, vector<1x1x16xf32>,
      %get3A_1635 = vector.shape_cast %get3A_1634 : vector<1x1x16xf32> to vector<16xf32>
      %abs3A_1636 = math.absf %get3A_1635 : vector<16xf32>
      %gt3A_1637 = arith.cmpf ogt, %abs3A_1636, %select_n3A_1626 : vector<16xf32>
      %select_n3A_1638 = arith.select %gt3A_1637, %abs3A_1636, %select_n3A_1626 : vector<16xi1>, vector<16xf32>
      %broadcast_in_dim3A_1639 = arith.constant 2 : i32
      %broadcast_in_dim3A_1640 = vector.broadcast %broadcast_in_dim3A_1639 : i32 to vector<16xi32>
      %select_n3A_1641 = arith.select %gt3A_1637, %broadcast_in_dim3A_1640, %select_n3A_1629 : vector<16xi1>, vector<16xi32>
      %get3A_1642 = arith.constant 3 : i32
      %get3A_1643 = arith.index_cast %scan3A_1594 : i32 to index
      %get3A_1644 = arith.index_cast %get3A_1642 : i32 to index
      %get3A_1645 = arith.constant 0 : index
      %get3A_1646 = tpu.vector_load %arg4[%get3A_1643, %get3A_1644, %get3A_1645] {strides = array<i32>} : memref<48x16x128xf32, #tpu.memory_space<vmem>>, vector<1x1x16xf32>,
      %get3A_1647 = vector.shape_cast %get3A_1646 : vector<1x1x16xf32> to vector<16xf32>
      %abs3A_1648 = math.absf %get3A_1647 : vector<16xf32>
      %gt3A_1649 = arith.cmpf ogt, %abs3A_1648, %select_n3A_1638 : vector<16xf32>
      %select_n3A_1650 = arith.select %gt3A_1649, %abs3A_1648, %select_n3A_1638 : vector<16xi1>, vector<16xf32>
      %broadcast_in_dim3A_1651 = arith.constant 3 : i32
      %broadcast_in_dim3A_1652 = vector.broadcast %broadcast_in_dim3A_1651 : i32 to vector<16xi32>
      %select_n3A_1653 = arith.select %gt3A_1649, %broadcast_in_dim3A_1652, %select_n3A_1641 : vector<16xi1>, vector<16xi32>
      %get3A_1654 = arith.constant 4 : i32
      %get3A_1655 = arith.index_cast %scan3A_1594 : i32 to index
      %get3A_1656 = arith.index_cast %get3A_1654 : i32 to index
      %get3A_1657 = arith.constant 0 : index
      %get3A_1658 = tpu.vector_load %arg4[%get3A_1655, %get3A_1656, %get3A_1657] {strides = array<i32>} : memref<48x16x128xf32, #tpu.memory_space<vmem>>, vector<1x1x16xf32>,
      %get3A_1659 = vector.shape_cast %get3A_1658 : vector<1x1x16xf32> to vector<16xf32>
      %abs3A_1660 = math.absf %get3A_1659 : vector<16xf32>
      %gt3A_1661 = arith.cmpf ogt, %abs3A_1660, %select_n3A_1650 : vector<16xf32>
      %select_n3A_1662 = arith.select %gt3A_1661, %abs3A_1660, %select_n3A_1650 : vector<16xi1>, vector<16xf32>
      %broadcast_in_dim3A_1663 = arith.constant 4 : i32
      %broadcast_in_dim3A_1664 = vector.broadcast %broadcast_in_dim3A_1663 : i32 to vector<16xi32>
      %select_n3A_1665 = arith.select %gt3A_1661, %broadcast_in_dim3A_1664, %select_n3A_1653 : vector<16xi1>, vector<16xi32>
      %get3A_1666 = arith.constant 5 : i32
      %get3A_1667 = arith.index_cast %scan3A_1594 : i32 to index
      %get3A_1668 = arith.index_cast %get3A_1666 : i32 to index
      %get3A_1669 = arith.constant 0 : index
      %get3A_1670 = tpu.vector_load %arg4[%get3A_1667, %get3A_1668, %get3A_1669] {strides = array<i32>} : memref<48x16x128xf32, #tpu.memory_space<vmem>>, vector<1x1x16xf32>,
      %get3A_1671 = vector.shape_cast %get3A_1670 : vector<1x1x16xf32> to vector<16xf32>
      %abs3A_1672 = math.absf %get3A_1671 : vector<16xf32>
      %gt3A_1673 = arith.cmpf ogt, %abs3A_1672, %select_n3A_1662 : vector<16xf32>
      %select_n3A_1674 = arith.select %gt3A_1673, %abs3A_1672, %select_n3A_1662 : vector<16xi1>, vector<16xf32>
      %broadcast_in_dim3A_1675 = arith.constant 5 : i32
      %broadcast_in_dim3A_1676 = vector.broadcast %broadcast_in_dim3A_1675 : i32 to vector<16xi32>
      %select_n3A_1677 = arith.select %gt3A_1673, %broadcast_in_dim3A_1676, %select_n3A_1665 : vector<16xi1>, vector<16xi32>
      %get3A_1678 = arith.constant 6 : i32
      %get3A_1679 = arith.index_cast %scan3A_1594 : i32 to index
      %get3A_1680 = arith.index_cast %get3A_1678 : i32 to index
      %get3A_1681 = arith.constant 0 : index
      %get3A_1682 = tpu.vector_load %arg4[%get3A_1679, %get3A_1680, %get3A_1681] {strides = array<i32>} : memref<48x16x128xf32, #tpu.memory_space<vmem>>, vector<1x1x16xf32>,
      %get3A_1683 = vector.shape_cast %get3A_1682 : vector<1x1x16xf32> to vector<16xf32>
      %abs3A_1684 = math.absf %get3A_1683 : vector<16xf32>
      %gt3A_1685 = arith.cmpf ogt, %abs3A_1684, %select_n3A_1674 : vector<16xf32>
      %select_n3A_1686 = arith.select %gt3A_1685, %abs3A_1684, %select_n3A_1674 : vector<16xi1>, vector<16xf32>
      %broadcast_in_dim3A_1687 = arith.constant 6 : i32
      %broadcast_in_dim3A_1688 = vector.broadcast %broadcast_in_dim3A_1687 : i32 to vector<16xi32>
      %select_n3A_1689 = arith.select %gt3A_1685, %broadcast_in_dim3A_1688, %select_n3A_1677 : vector<16xi1>, vector<16xi32>
      %get3A_1690 = arith.constant 7 : i32
      %get3A_1691 = arith.index_cast %scan3A_1594 : i32 to index
      %get3A_1692 = arith.index_cast %get3A_1690 : i32 to index
      %get3A_1693 = arith.constant 0 : index
      %get3A_1694 = tpu.vector_load %arg4[%get3A_1691, %get3A_1692, %get3A_1693] {strides = array<i32>} : memref<48x16x128xf32, #tpu.memory_space<vmem>>, vector<1x1x16xf32>,
      %get3A_1695 = vector.shape_cast %get3A_1694 : vector<1x1x16xf32> to vector<16xf32>
      %abs3A_1696 = math.absf %get3A_1695 : vector<16xf32>
      %gt3A_1697 = arith.cmpf ogt, %abs3A_1696, %select_n3A_1686 : vector<16xf32>
      %select_n3A_1698 = arith.select %gt3A_1697, %abs3A_1696, %select_n3A_1686 : vector<16xi1>, vector<16xf32>
      %broadcast_in_dim3A_1699 = arith.constant 7 : i32
      %broadcast_in_dim3A_1700 = vector.broadcast %broadcast_in_dim3A_1699 : i32 to vector<16xi32>
      %select_n3A_1701 = arith.select %gt3A_1697, %broadcast_in_dim3A_1700, %select_n3A_1689 : vector<16xi1>, vector<16xi32>
      %get3A_1702 = arith.constant 8 : i32
      %get3A_1703 = arith.index_cast %scan3A_1594 : i32 to index
      %get3A_1704 = arith.index_cast %get3A_1702 : i32 to index
      %get3A_1705 = arith.constant 0 : index
      %get3A_1706 = tpu.vector_load %arg4[%get3A_1703, %get3A_1704, %get3A_1705] {strides = array<i32>} : memref<48x16x128xf32, #tpu.memory_space<vmem>>, vector<1x1x16xf32>,
      %get3A_1707 = vector.shape_cast %get3A_1706 : vector<1x1x16xf32> to vector<16xf32>
      %abs3A_1708 = math.absf %get3A_1707 : vector<16xf32>
      %gt3A_1709 = arith.cmpf ogt, %abs3A_1708, %select_n3A_1698 : vector<16xf32>
      %select_n3A_1710 = arith.select %gt3A_1709, %abs3A_1708, %select_n3A_1698 : vector<16xi1>, vector<16xf32>
      %broadcast_in_dim3A_1711 = arith.constant 8 : i32
      %broadcast_in_dim3A_1712 = vector.broadcast %broadcast_in_dim3A_1711 : i32 to vector<16xi32>
      %select_n3A_1713 = arith.select %gt3A_1709, %broadcast_in_dim3A_1712, %select_n3A_1701 : vector<16xi1>, vector<16xi32>
      %get3A_1714 = arith.constant 9 : i32
      %get3A_1715 = arith.index_cast %scan3A_1594 : i32 to index
      %get3A_1716 = arith.index_cast %get3A_1714 : i32 to index
      %get3A_1717 = arith.constant 0 : index
      %get3A_1718 = tpu.vector_load %arg4[%get3A_1715, %get3A_1716, %get3A_1717] {strides = array<i32>} : memref<48x16x128xf32, #tpu.memory_space<vmem>>, vector<1x1x16xf32>,
      %get3A_1719 = vector.shape_cast %get3A_1718 : vector<1x1x16xf32> to vector<16xf32>
      %abs3A_1720 = math.absf %get3A_1719 : vector<16xf32>
      %gt3A_1721 = arith.cmpf ogt, %abs3A_1720, %select_n3A_1710 : vector<16xf32>
      %select_n3A_1722 = arith.select %gt3A_1721, %abs3A_1720, %select_n3A_1710 : vector<16xi1>, vector<16xf32>
      %broadcast_in_dim3A_1723 = arith.constant 9 : i32
      %broadcast_in_dim3A_1724 = vector.broadcast %broadcast_in_dim3A_1723 : i32 to vector<16xi32>
      %select_n3A_1725 = arith.select %gt3A_1721, %broadcast_in_dim3A_1724, %select_n3A_1713 : vector<16xi1>, vector<16xi32>
      %get3A_1726 = arith.constant 10 : i32
      %get3A_1727 = arith.index_cast %scan3A_1594 : i32 to index
      %get3A_1728 = arith.index_cast %get3A_1726 : i32 to index
      %get3A_1729 = arith.constant 0 : index
      %get3A_1730 = tpu.vector_load %arg4[%get3A_1727, %get3A_1728, %get3A_1729] {strides = array<i32>} : memref<48x16x128xf32, #tpu.memory_space<vmem>>, vector<1x1x16xf32>,
      %get3A_1731 = vector.shape_cast %get3A_1730 : vector<1x1x16xf32> to vector<16xf32>
      %abs3A_1732 = math.absf %get3A_1731 : vector<16xf32>
      %gt3A_1733 = arith.cmpf ogt, %abs3A_1732, %select_n3A_1722 : vector<16xf32>
      %select_n3A_1734 = arith.select %gt3A_1733, %abs3A_1732, %select_n3A_1722 : vector<16xi1>, vector<16xf32>
      %broadcast_in_dim3A_1735 = arith.constant 10 : i32
      %broadcast_in_dim3A_1736 = vector.broadcast %broadcast_in_dim3A_1735 : i32 to vector<16xi32>
      %select_n3A_1737 = arith.select %gt3A_1733, %broadcast_in_dim3A_1736, %select_n3A_1725 : vector<16xi1>, vector<16xi32>
      %get3A_1738 = arith.constant 11 : i32
      %get3A_1739 = arith.index_cast %scan3A_1594 : i32 to index
      %get3A_1740 = arith.index_cast %get3A_1738 : i32 to index
      %get3A_1741 = arith.constant 0 : index
      %get3A_1742 = tpu.vector_load %arg4[%get3A_1739, %get3A_1740, %get3A_1741] {strides = array<i32>} : memref<48x16x128xf32, #tpu.memory_space<vmem>>, vector<1x1x16xf32>,
      %get3A_1743 = vector.shape_cast %get3A_1742 : vector<1x1x16xf32> to vector<16xf32>
      %abs3A_1744 = math.absf %get3A_1743 : vector<16xf32>
      %gt3A_1745 = arith.cmpf ogt, %abs3A_1744, %select_n3A_1734 : vector<16xf32>
      %select_n3A_1746 = arith.select %gt3A_1745, %abs3A_1744, %select_n3A_1734 : vector<16xi1>, vector<16xf32>
      %broadcast_in_dim3A_1747 = arith.constant 11 : i32
      %broadcast_in_dim3A_1748 = vector.broadcast %broadcast_in_dim3A_1747 : i32 to vector<16xi32>
      %select_n3A_1749 = arith.select %gt3A_1745, %broadcast_in_dim3A_1748, %select_n3A_1737 : vector<16xi1>, vector<16xi32>
      %get3A_1750 = arith.constant 12 : i32
      %get3A_1751 = arith.index_cast %scan3A_1594 : i32 to index
      %get3A_1752 = arith.index_cast %get3A_1750 : i32 to index
      %get3A_1753 = arith.constant 0 : index
      %get3A_1754 = tpu.vector_load %arg4[%get3A_1751, %get3A_1752, %get3A_1753] {strides = array<i32>} : memref<48x16x128xf32, #tpu.memory_space<vmem>>, vector<1x1x16xf32>,
      %get3A_1755 = vector.shape_cast %get3A_1754 : vector<1x1x16xf32> to vector<16xf32>
      %abs3A_1756 = math.absf %get3A_1755 : vector<16xf32>
      %gt3A_1757 = arith.cmpf ogt, %abs3A_1756, %select_n3A_1746 : vector<16xf32>
      %select_n3A_1758 = arith.select %gt3A_1757, %abs3A_1756, %select_n3A_1746 : vector<16xi1>, vector<16xf32>
      %broadcast_in_dim3A_1759 = arith.constant 12 : i32
      %broadcast_in_dim3A_1760 = vector.broadcast %broadcast_in_dim3A_1759 : i32 to vector<16xi32>
      %select_n3A_1761 = arith.select %gt3A_1757, %broadcast_in_dim3A_1760, %select_n3A_1749 : vector<16xi1>, vector<16xi32>
      %get3A_1762 = arith.constant 13 : i32
      %get3A_1763 = arith.index_cast %scan3A_1594 : i32 to index
      %get3A_1764 = arith.index_cast %get3A_1762 : i32 to index
      %get3A_1765 = arith.constant 0 : index
      %get3A_1766 = tpu.vector_load %arg4[%get3A_1763, %get3A_1764, %get3A_1765] {strides = array<i32>} : memref<48x16x128xf32, #tpu.memory_space<vmem>>, vector<1x1x16xf32>,
      %get3A_1767 = vector.shape_cast %get3A_1766 : vector<1x1x16xf32> to vector<16xf32>
      %abs3A_1768 = math.absf %get3A_1767 : vector<16xf32>
      %gt3A_1769 = arith.cmpf ogt, %abs3A_1768, %select_n3A_1758 : vector<16xf32>
      %select_n3A_1770 = arith.select %gt3A_1769, %abs3A_1768, %select_n3A_1758 : vector<16xi1>, vector<16xf32>
      %broadcast_in_dim3A_1771 = arith.constant 13 : i32
      %broadcast_in_dim3A_1772 = vector.broadcast %broadcast_in_dim3A_1771 : i32 to vector<16xi32>
      %select_n3A_1773 = arith.select %gt3A_1769, %broadcast_in_dim3A_1772, %select_n3A_1761 : vector<16xi1>, vector<16xi32>
      %get3A_1774 = arith.constant 14 : i32
      %get3A_1775 = arith.index_cast %scan3A_1594 : i32 to index
      %get3A_1776 = arith.index_cast %get3A_1774 : i32 to index
      %get3A_1777 = arith.constant 0 : index
      %get3A_1778 = tpu.vector_load %arg4[%get3A_1775, %get3A_1776, %get3A_1777] {strides = array<i32>} : memref<48x16x128xf32, #tpu.memory_space<vmem>>, vector<1x1x16xf32>,
      %get3A_1779 = vector.shape_cast %get3A_1778 : vector<1x1x16xf32> to vector<16xf32>
      %abs3A_1780 = math.absf %get3A_1779 : vector<16xf32>
      %gt3A_1781 = arith.cmpf ogt, %abs3A_1780, %select_n3A_1770 : vector<16xf32>
      %select_n3A_1782 = arith.select %gt3A_1781, %abs3A_1780, %select_n3A_1770 : vector<16xi1>, vector<16xf32>
      %broadcast_in_dim3A_1783 = arith.constant 14 : i32
      %broadcast_in_dim3A_1784 = vector.broadcast %broadcast_in_dim3A_1783 : i32 to vector<16xi32>
      %select_n3A_1785 = arith.select %gt3A_1781, %broadcast_in_dim3A_1784, %select_n3A_1773 : vector<16xi1>, vector<16xi32>
      %get3A_1786 = arith.constant 15 : i32
      %get3A_1787 = arith.index_cast %scan3A_1594 : i32 to index
      %get3A_1788 = arith.index_cast %get3A_1786 : i32 to index
      %get3A_1789 = arith.constant 0 : index
      %get3A_1790 = tpu.vector_load %arg4[%get3A_1787, %get3A_1788, %get3A_1789] {strides = array<i32>} : memref<48x16x128xf32, #tpu.memory_space<vmem>>, vector<1x1x16xf32>,
      %get3A_1791 = vector.shape_cast %get3A_1790 : vector<1x1x16xf32> to vector<16xf32>
      %abs3A_1792 = math.absf %get3A_1791 : vector<16xf32>
      %gt3A_1793 = arith.cmpf ogt, %abs3A_1792, %select_n3A_1782 : vector<16xf32>
      %select_n3A_1794 = arith.select %gt3A_1793, %abs3A_1792, %select_n3A_1782 : vector<16xi1>, vector<16xf32>
      %broadcast_in_dim3A_1795 = arith.constant 15 : i32
      %broadcast_in_dim3A_1796 = vector.broadcast %broadcast_in_dim3A_1795 : i32 to vector<16xi32>
      %select_n3A_1797 = arith.select %gt3A_1793, %broadcast_in_dim3A_1796, %select_n3A_1785 : vector<16xi1>, vector<16xi32>
      %xor3A = arith.constant 1 : i32
      %xor3A_1798 = vector.broadcast %xor3A : i32 to vector<16xi32>
      %xor3A_1799 = arith.xori %iota3A, %xor3A_1798 : vector<16xi32>
      %broadcast_in_dim3A_1800 = vector.shape_cast %xor3A_1799 : vector<16xi32> to vector<16x1xi32>
      %gather3A = vector.shape_cast %broadcast_in_dim3A_1800 : vector<16x1xi32> to vector<16xi32>
      %gather3A_1801 = tpu.dynamic_gather %select_n3A_1794[%gather3A] in [0] : vector<16xf32>, vector<16xi32> -> vector<16xf32>
      %max3A = arith.maximumf %select_n3A_1794, %gather3A_1801 : vector<16xf32>
      %xor3A_1802 = arith.constant 2 : i32
      %xor3A_1803 = vector.broadcast %xor3A_1802 : i32 to vector<16xi32>
      %xor3A_1804 = arith.xori %iota3A, %xor3A_1803 : vector<16xi32>
      %broadcast_in_dim3A_1805 = vector.shape_cast %xor3A_1804 : vector<16xi32> to vector<16x1xi32>
      %gather3A_1806 = vector.shape_cast %broadcast_in_dim3A_1805 : vector<16x1xi32> to vector<16xi32>
      %gather3A_1807 = tpu.dynamic_gather %max3A[%gather3A_1806] in [0] : vector<16xf32>, vector<16xi32> -> vector<16xf32>
      %max3A_1808 = arith.maximumf %max3A, %gather3A_1807 : vector<16xf32>
      %xor3A_1809 = arith.constant 4 : i32
      %xor3A_1810 = vector.broadcast %xor3A_1809 : i32 to vector<16xi32>
      %xor3A_1811 = arith.xori %iota3A, %xor3A_1810 : vector<16xi32>
      %broadcast_in_dim3A_1812 = vector.shape_cast %xor3A_1811 : vector<16xi32> to vector<16x1xi32>
      %gather3A_1813 = vector.shape_cast %broadcast_in_dim3A_1812 : vector<16x1xi32> to vector<16xi32>
      %gather3A_1814 = tpu.dynamic_gather %max3A_1808[%gather3A_1813] in [0] : vector<16xf32>, vector<16xi32> -> vector<16xf32>
      %max3A_1815 = arith.maximumf %max3A_1808, %gather3A_1814 : vector<16xf32>
      %xor3A_1816 = arith.constant 8 : i32
      %xor3A_1817 = vector.broadcast %xor3A_1816 : i32 to vector<16xi32>
      %xor3A_1818 = arith.xori %iota3A, %xor3A_1817 : vector<16xi32>
      %broadcast_in_dim3A_1819 = vector.shape_cast %xor3A_1818 : vector<16xi32> to vector<16x1xi32>
      %gather3A_1820 = vector.shape_cast %broadcast_in_dim3A_1819 : vector<16x1xi32> to vector<16xi32>
      %gather3A_1821 = tpu.dynamic_gather %max3A_1815[%gather3A_1820] in [0] : vector<16xf32>, vector<16xi32> -> vector<16xf32>
      %max3A_1822 = arith.maximumf %max3A_1815, %gather3A_1821 : vector<16xf32>
      %eq3A_1823 = arith.cmpf oeq, %select_n3A_1794, %max3A_1822 : vector<16xf32>
      %mul3A_1824 = arith.constant 16 : i32
      %mul3A_1825 = vector.broadcast %mul3A_1824 : i32 to vector<16xi32>
      %mul3A_1826 = arith.muli %select_n3A_1797, %mul3A_1825 : vector<16xi32>
      %add3A_1827 = arith.addi %mul3A_1826, %iota3A : vector<16xi32>
      %jit3A_1828 = arith.constant 1073741824 : i32
      %broadcast_in_dim3A_1829 = vector.broadcast %jit3A_1828 : i32 to vector<16xi32>
      %select_n3A_1830 = arith.select %eq3A_1823, %add3A_1827, %broadcast_in_dim3A_1829 : vector<16xi1>, vector<16xi32>
      %xor3A_1831 = arith.constant 1 : i32
      %xor3A_1832 = vector.broadcast %xor3A_1831 : i32 to vector<16xi32>
      %xor3A_1833 = arith.xori %iota3A, %xor3A_1832 : vector<16xi32>
      %broadcast_in_dim3A_1834 = vector.shape_cast %xor3A_1833 : vector<16xi32> to vector<16x1xi32>
      %gather3A_1835 = vector.shape_cast %broadcast_in_dim3A_1834 : vector<16x1xi32> to vector<16xi32>
      %gather3A_1836 = tpu.dynamic_gather %select_n3A_1830[%gather3A_1835] in [0] : vector<16xi32>, vector<16xi32> -> vector<16xi32>
      %min3A = arith.minsi %select_n3A_1830, %gather3A_1836 : vector<16xi32>
      %xor3A_1837 = arith.constant 2 : i32
      %xor3A_1838 = vector.broadcast %xor3A_1837 : i32 to vector<16xi32>
      %xor3A_1839 = arith.xori %iota3A, %xor3A_1838 : vector<16xi32>
      %broadcast_in_dim3A_1840 = vector.shape_cast %xor3A_1839 : vector<16xi32> to vector<16x1xi32>
      %gather3A_1841 = vector.shape_cast %broadcast_in_dim3A_1840 : vector<16x1xi32> to vector<16xi32>
      %gather3A_1842 = tpu.dynamic_gather %min3A[%gather3A_1841] in [0] : vector<16xi32>, vector<16xi32> -> vector<16xi32>
      %min3A_1843 = arith.minsi %min3A, %gather3A_1842 : vector<16xi32>
      %xor3A_1844 = arith.constant 4 : i32
      %xor3A_1845 = vector.broadcast %xor3A_1844 : i32 to vector<16xi32>
      %xor3A_1846 = arith.xori %iota3A, %xor3A_1845 : vector<16xi32>
      %broadcast_in_dim3A_1847 = vector.shape_cast %xor3A_1846 : vector<16xi32> to vector<16x1xi32>
      %gather3A_1848 = vector.shape_cast %broadcast_in_dim3A_1847 : vector<16x1xi32> to vector<16xi32>
      %gather3A_1849 = tpu.dynamic_gather %min3A_1843[%gather3A_1848] in [0] : vector<16xi32>, vector<16xi32> -> vector<16xi32>
      %min3A_1850 = arith.minsi %min3A_1843, %gather3A_1849 : vector<16xi32>
      %xor3A_1851 = arith.constant 8 : i32
      %xor3A_1852 = vector.broadcast %xor3A_1851 : i32 to vector<16xi32>
      %xor3A_1853 = arith.xori %iota3A, %xor3A_1852 : vector<16xi32>
      %broadcast_in_dim3A_1854 = vector.shape_cast %xor3A_1853 : vector<16xi32> to vector<16x1xi32>
      %gather3A_1855 = vector.shape_cast %broadcast_in_dim3A_1854 : vector<16x1xi32> to vector<16xi32>
      %gather3A_1856 = tpu.dynamic_gather %min3A_1850[%gather3A_1855] in [0] : vector<16xi32>, vector<16xi32> -> vector<16xi32>
      %min3A_1857 = arith.minsi %min3A_1850, %gather3A_1856 : vector<16xi32>
      %shift_right_arithmetic3A = arith.constant 4 : i32
      %shift_right_arithmetic3A_1858 = vector.broadcast %shift_right_arithmetic3A : i32 to vector<16xi32>
      %shift_right_arithmetic3A_1859 = arith.shrsi %min3A_1857, %shift_right_arithmetic3A_1858 : vector<16xi32>
      %and3A_1860 = arith.constant 15 : i32
      %and3A_1861 = vector.broadcast %and3A_1860 : i32 to vector<16xi32>
      %and3A_1862 = arith.andi %min3A_1857, %and3A_1861 : vector<16xi32>
      %eq3A_1863 = arith.constant 0 : i32
      %eq3A_1864 = vector.broadcast %eq3A_1863 : i32 to vector<16xi32>
      %eq3A_1865 = arith.cmpi eq, %shift_right_arithmetic3A_1859, %eq3A_1864 : vector<16xi32>
      %select_n3A_1866 = arith.select %eq3A_1865, %get3A_1380, %broadcast_in_dim3A_33 : vector<16xi1>, vector<16xf32>
      %eq3A_1867 = arith.constant 1 : i32
      %eq3A_1868 = vector.broadcast %eq3A_1867 : i32 to vector<16xi32>
      %eq3A_1869 = arith.cmpi eq, %shift_right_arithmetic3A_1859, %eq3A_1868 : vector<16xi32>
      %select_n3A_1870 = arith.select %eq3A_1869, %get3A_1385, %select_n3A_1866 : vector<16xi1>, vector<16xf32>
      %eq3A_1871 = arith.constant 2 : i32
      %eq3A_1872 = vector.broadcast %eq3A_1871 : i32 to vector<16xi32>
      %eq3A_1873 = arith.cmpi eq, %shift_right_arithmetic3A_1859, %eq3A_1872 : vector<16xi32>
      %select_n3A_1874 = arith.select %eq3A_1873, %get3A_1390, %select_n3A_1870 : vector<16xi1>, vector<16xf32>
      %eq3A_1875 = arith.constant 3 : i32
      %eq3A_1876 = vector.broadcast %eq3A_1875 : i32 to vector<16xi32>
      %eq3A_1877 = arith.cmpi eq, %shift_right_arithmetic3A_1859, %eq3A_1876 : vector<16xi32>
      %select_n3A_1878 = arith.select %eq3A_1877, %get3A_1395, %select_n3A_1874 : vector<16xi1>, vector<16xf32>
      %eq3A_1879 = arith.constant 4 : i32
      %eq3A_1880 = vector.broadcast %eq3A_1879 : i32 to vector<16xi32>
      %eq3A_1881 = arith.cmpi eq, %shift_right_arithmetic3A_1859, %eq3A_1880 : vector<16xi32>
      %select_n3A_1882 = arith.select %eq3A_1881, %get3A_1400, %select_n3A_1878 : vector<16xi1>, vector<16xf32>
      %eq3A_1883 = arith.constant 5 : i32
      %eq3A_1884 = vector.broadcast %eq3A_1883 : i32 to vector<16xi32>
      %eq3A_1885 = arith.cmpi eq, %shift_right_arithmetic3A_1859, %eq3A_1884 : vector<16xi32>
      %select_n3A_1886 = arith.select %eq3A_1885, %get3A_1405, %select_n3A_1882 : vector<16xi1>, vector<16xf32>
      %eq3A_1887 = arith.constant 6 : i32
      %eq3A_1888 = vector.broadcast %eq3A_1887 : i32 to vector<16xi32>
      %eq3A_1889 = arith.cmpi eq, %shift_right_arithmetic3A_1859, %eq3A_1888 : vector<16xi32>
      %select_n3A_1890 = arith.select %eq3A_1889, %get3A_1410, %select_n3A_1886 : vector<16xi1>, vector<16xf32>
      %eq3A_1891 = arith.constant 7 : i32
      %eq3A_1892 = vector.broadcast %eq3A_1891 : i32 to vector<16xi32>
      %eq3A_1893 = arith.cmpi eq, %shift_right_arithmetic3A_1859, %eq3A_1892 : vector<16xi32>
      %select_n3A_1894 = arith.select %eq3A_1893, %get3A_1415, %select_n3A_1890 : vector<16xi1>, vector<16xf32>
      %eq3A_1895 = arith.constant 8 : i32
      %eq3A_1896 = vector.broadcast %eq3A_1895 : i32 to vector<16xi32>
      %eq3A_1897 = arith.cmpi eq, %shift_right_arithmetic3A_1859, %eq3A_1896 : vector<16xi32>
      %select_n3A_1898 = arith.select %eq3A_1897, %get3A_1420, %select_n3A_1894 : vector<16xi1>, vector<16xf32>
      %eq3A_1899 = arith.constant 9 : i32
      %eq3A_1900 = vector.broadcast %eq3A_1899 : i32 to vector<16xi32>
      %eq3A_1901 = arith.cmpi eq, %shift_right_arithmetic3A_1859, %eq3A_1900 : vector<16xi32>
      %select_n3A_1902 = arith.select %eq3A_1901, %get3A_1425, %select_n3A_1898 : vector<16xi1>, vector<16xf32>
      %eq3A_1903 = arith.constant 10 : i32
      %eq3A_1904 = vector.broadcast %eq3A_1903 : i32 to vector<16xi32>
      %eq3A_1905 = arith.cmpi eq, %shift_right_arithmetic3A_1859, %eq3A_1904 : vector<16xi32>
      %select_n3A_1906 = arith.select %eq3A_1905, %get3A_1430, %select_n3A_1902 : vector<16xi1>, vector<16xf32>
      %eq3A_1907 = arith.constant 11 : i32
      %eq3A_1908 = vector.broadcast %eq3A_1907 : i32 to vector<16xi32>
      %eq3A_1909 = arith.cmpi eq, %shift_right_arithmetic3A_1859, %eq3A_1908 : vector<16xi32>
      %select_n3A_1910 = arith.select %eq3A_1909, %get3A_1435, %select_n3A_1906 : vector<16xi1>, vector<16xf32>
      %eq3A_1911 = arith.constant 12 : i32
      %eq3A_1912 = vector.broadcast %eq3A_1911 : i32 to vector<16xi32>
      %eq3A_1913 = arith.cmpi eq, %shift_right_arithmetic3A_1859, %eq3A_1912 : vector<16xi32>
      %select_n3A_1914 = arith.select %eq3A_1913, %get3A_1440, %select_n3A_1910 : vector<16xi1>, vector<16xf32>
      %eq3A_1915 = arith.constant 13 : i32
      %eq3A_1916 = vector.broadcast %eq3A_1915 : i32 to vector<16xi32>
      %eq3A_1917 = arith.cmpi eq, %shift_right_arithmetic3A_1859, %eq3A_1916 : vector<16xi32>
      %select_n3A_1918 = arith.select %eq3A_1917, %get3A_1445, %select_n3A_1914 : vector<16xi1>, vector<16xf32>
      %eq3A_1919 = arith.constant 14 : i32
      %eq3A_1920 = vector.broadcast %eq3A_1919 : i32 to vector<16xi32>
      %eq3A_1921 = arith.cmpi eq, %shift_right_arithmetic3A_1859, %eq3A_1920 : vector<16xi32>
      %select_n3A_1922 = arith.select %eq3A_1921, %get3A_1450, %select_n3A_1918 : vector<16xi1>, vector<16xf32>
      %eq3A_1923 = arith.constant 15 : i32
      %eq3A_1924 = vector.broadcast %eq3A_1923 : i32 to vector<16xi32>
      %eq3A_1925 = arith.cmpi eq, %shift_right_arithmetic3A_1859, %eq3A_1924 : vector<16xi32>
      %select_n3A_1926 = arith.select %eq3A_1925, %get3A_1455, %select_n3A_1922 : vector<16xi1>, vector<16xf32>
      %eq3A_1927 = arith.cmpi eq, %iota3A, %and3A_1862 : vector<16xi32>
      %select_n3A_1928 = arith.select %eq3A_1927, %select_n3A_1926, %broadcast_in_dim3A_33 : vector<16xi1>, vector<16xf32>
      %xor3A_1929 = arith.constant 1 : i32
      %xor3A_1930 = vector.broadcast %xor3A_1929 : i32 to vector<16xi32>
      %xor3A_1931 = arith.xori %iota3A, %xor3A_1930 : vector<16xi32>
      %broadcast_in_dim3A_1932 = vector.shape_cast %xor3A_1931 : vector<16xi32> to vector<16x1xi32>
      %gather3A_1933 = vector.shape_cast %broadcast_in_dim3A_1932 : vector<16x1xi32> to vector<16xi32>
      %gather3A_1934 = tpu.dynamic_gather %select_n3A_1928[%gather3A_1933] in [0] : vector<16xf32>, vector<16xi32> -> vector<16xf32>
      %add3A_1935 = arith.addf %select_n3A_1928, %gather3A_1934 : vector<16xf32>
      %xor3A_1936 = arith.constant 2 : i32
      %xor3A_1937 = vector.broadcast %xor3A_1936 : i32 to vector<16xi32>
      %xor3A_1938 = arith.xori %iota3A, %xor3A_1937 : vector<16xi32>
      %broadcast_in_dim3A_1939 = vector.shape_cast %xor3A_1938 : vector<16xi32> to vector<16x1xi32>
      %gather3A_1940 = vector.shape_cast %broadcast_in_dim3A_1939 : vector<16x1xi32> to vector<16xi32>
      %gather3A_1941 = tpu.dynamic_gather %add3A_1935[%gather3A_1940] in [0] : vector<16xf32>, vector<16xi32> -> vector<16xf32>
      %add3A_1942 = arith.addf %add3A_1935, %gather3A_1941 : vector<16xf32>
      %xor3A_1943 = arith.constant 4 : i32
      %xor3A_1944 = vector.broadcast %xor3A_1943 : i32 to vector<16xi32>
      %xor3A_1945 = arith.xori %iota3A, %xor3A_1944 : vector<16xi32>
      %broadcast_in_dim3A_1946 = vector.shape_cast %xor3A_1945 : vector<16xi32> to vector<16x1xi32>
      %gather3A_1947 = vector.shape_cast %broadcast_in_dim3A_1946 : vector<16x1xi32> to vector<16xi32>
      %gather3A_1948 = tpu.dynamic_gather %add3A_1942[%gather3A_1947] in [0] : vector<16xf32>, vector<16xi32> -> vector<16xf32>
      %add3A_1949 = arith.addf %add3A_1942, %gather3A_1948 : vector<16xf32>
      %xor3A_1950 = arith.constant 8 : i32
      %xor3A_1951 = vector.broadcast %xor3A_1950 : i32 to vector<16xi32>
      %xor3A_1952 = arith.xori %iota3A, %xor3A_1951 : vector<16xi32>
      %broadcast_in_dim3A_1953 = vector.shape_cast %xor3A_1952 : vector<16xi32> to vector<16x1xi32>
      %gather3A_1954 = vector.shape_cast %broadcast_in_dim3A_1953 : vector<16x1xi32> to vector<16xi32>
      %gather3A_1955 = tpu.dynamic_gather %add3A_1949[%gather3A_1954] in [0] : vector<16xf32>, vector<16xi32> -> vector<16xf32>
      %add3A_1956 = arith.addf %add3A_1949, %gather3A_1955 : vector<16xf32>
      %eq3A_1957 = arith.constant 0 : i32
      %eq3A_1958 = vector.broadcast %eq3A_1957 : i32 to vector<16xi32>
      %eq3A_1959 = arith.cmpi eq, %shift_right_arithmetic3A_1859, %eq3A_1958 : vector<16xi32>
      %eq3A_1960 = arith.cmpi eq, %iota3A, %and3A_1862 : vector<16xi32>
      %and3A_1961 = arith.andi %eq3A_1959, %eq3A_1960 : vector<16xi1>
      %select_n3A_1962 = arith.select %and3A_1961, %add3A_1956, %scan3A_1595 : vector<16xi1>, vector<16xf32>
      %eq3A_1963 = arith.constant 1 : i32
      %eq3A_1964 = vector.broadcast %eq3A_1963 : i32 to vector<16xi32>
      %eq3A_1965 = arith.cmpi eq, %shift_right_arithmetic3A_1859, %eq3A_1964 : vector<16xi32>
      %eq3A_1966 = arith.cmpi eq, %iota3A, %and3A_1862 : vector<16xi32>
      %and3A_1967 = arith.andi %eq3A_1965, %eq3A_1966 : vector<16xi1>
      %select_n3A_1968 = arith.select %and3A_1967, %add3A_1956, %scan3A_1596 : vector<16xi1>, vector<16xf32>
      %eq3A_1969 = arith.constant 2 : i32
      %eq3A_1970 = vector.broadcast %eq3A_1969 : i32 to vector<16xi32>
      %eq3A_1971 = arith.cmpi eq, %shift_right_arithmetic3A_1859, %eq3A_1970 : vector<16xi32>
      %eq3A_1972 = arith.cmpi eq, %iota3A, %and3A_1862 : vector<16xi32>
      %and3A_1973 = arith.andi %eq3A_1971, %eq3A_1972 : vector<16xi1>
      %select_n3A_1974 = arith.select %and3A_1973, %add3A_1956, %scan3A_1597 : vector<16xi1>, vector<16xf32>
      %eq3A_1975 = arith.constant 3 : i32
      %eq3A_1976 = vector.broadcast %eq3A_1975 : i32 to vector<16xi32>
      %eq3A_1977 = arith.cmpi eq, %shift_right_arithmetic3A_1859, %eq3A_1976 : vector<16xi32>
      %eq3A_1978 = arith.cmpi eq, %iota3A, %and3A_1862 : vector<16xi32>
      %and3A_1979 = arith.andi %eq3A_1977, %eq3A_1978 : vector<16xi1>
      %select_n3A_1980 = arith.select %and3A_1979, %add3A_1956, %scan3A_1598 : vector<16xi1>, vector<16xf32>
      %eq3A_1981 = arith.constant 4 : i32
      %eq3A_1982 = vector.broadcast %eq3A_1981 : i32 to vector<16xi32>
      %eq3A_1983 = arith.cmpi eq, %shift_right_arithmetic3A_1859, %eq3A_1982 : vector<16xi32>
      %eq3A_1984 = arith.cmpi eq, %iota3A, %and3A_1862 : vector<16xi32>
      %and3A_1985 = arith.andi %eq3A_1983, %eq3A_1984 : vector<16xi1>
      %select_n3A_1986 = arith.select %and3A_1985, %add3A_1956, %scan3A_1599 : vector<16xi1>, vector<16xf32>
      %eq3A_1987 = arith.constant 5 : i32
      %eq3A_1988 = vector.broadcast %eq3A_1987 : i32 to vector<16xi32>
      %eq3A_1989 = arith.cmpi eq, %shift_right_arithmetic3A_1859, %eq3A_1988 : vector<16xi32>
      %eq3A_1990 = arith.cmpi eq, %iota3A, %and3A_1862 : vector<16xi32>
      %and3A_1991 = arith.andi %eq3A_1989, %eq3A_1990 : vector<16xi1>
      %select_n3A_1992 = arith.select %and3A_1991, %add3A_1956, %scan3A_1600 : vector<16xi1>, vector<16xf32>
      %eq3A_1993 = arith.constant 6 : i32
      %eq3A_1994 = vector.broadcast %eq3A_1993 : i32 to vector<16xi32>
      %eq3A_1995 = arith.cmpi eq, %shift_right_arithmetic3A_1859, %eq3A_1994 : vector<16xi32>
      %eq3A_1996 = arith.cmpi eq, %iota3A, %and3A_1862 : vector<16xi32>
      %and3A_1997 = arith.andi %eq3A_1995, %eq3A_1996 : vector<16xi1>
      %select_n3A_1998 = arith.select %and3A_1997, %add3A_1956, %scan3A_1601 : vector<16xi1>, vector<16xf32>
      %eq3A_1999 = arith.constant 7 : i32
      %eq3A_2000 = vector.broadcast %eq3A_1999 : i32 to vector<16xi32>
      %eq3A_2001 = arith.cmpi eq, %shift_right_arithmetic3A_1859, %eq3A_2000 : vector<16xi32>
      %eq3A_2002 = arith.cmpi eq, %iota3A, %and3A_1862 : vector<16xi32>
      %and3A_2003 = arith.andi %eq3A_2001, %eq3A_2002 : vector<16xi1>
      %select_n3A_2004 = arith.select %and3A_2003, %add3A_1956, %scan3A_1602 : vector<16xi1>, vector<16xf32>
      %eq3A_2005 = arith.constant 8 : i32
      %eq3A_2006 = vector.broadcast %eq3A_2005 : i32 to vector<16xi32>
      %eq3A_2007 = arith.cmpi eq, %shift_right_arithmetic3A_1859, %eq3A_2006 : vector<16xi32>
      %eq3A_2008 = arith.cmpi eq, %iota3A, %and3A_1862 : vector<16xi32>
      %and3A_2009 = arith.andi %eq3A_2007, %eq3A_2008 : vector<16xi1>
      %select_n3A_2010 = arith.select %and3A_2009, %add3A_1956, %scan3A_1603 : vector<16xi1>, vector<16xf32>
      %eq3A_2011 = arith.constant 9 : i32
      %eq3A_2012 = vector.broadcast %eq3A_2011 : i32 to vector<16xi32>
      %eq3A_2013 = arith.cmpi eq, %shift_right_arithmetic3A_1859, %eq3A_2012 : vector<16xi32>
      %eq3A_2014 = arith.cmpi eq, %iota3A, %and3A_1862 : vector<16xi32>
      %and3A_2015 = arith.andi %eq3A_2013, %eq3A_2014 : vector<16xi1>
      %select_n3A_2016 = arith.select %and3A_2015, %add3A_1956, %scan3A_1604 : vector<16xi1>, vector<16xf32>
      %eq3A_2017 = arith.constant 10 : i32
      %eq3A_2018 = vector.broadcast %eq3A_2017 : i32 to vector<16xi32>
      %eq3A_2019 = arith.cmpi eq, %shift_right_arithmetic3A_1859, %eq3A_2018 : vector<16xi32>
      %eq3A_2020 = arith.cmpi eq, %iota3A, %and3A_1862 : vector<16xi32>
      %and3A_2021 = arith.andi %eq3A_2019, %eq3A_2020 : vector<16xi1>
      %select_n3A_2022 = arith.select %and3A_2021, %add3A_1956, %scan3A_1605 : vector<16xi1>, vector<16xf32>
      %eq3A_2023 = arith.constant 11 : i32
      %eq3A_2024 = vector.broadcast %eq3A_2023 : i32 to vector<16xi32>
      %eq3A_2025 = arith.cmpi eq, %shift_right_arithmetic3A_1859, %eq3A_2024 : vector<16xi32>
      %eq3A_2026 = arith.cmpi eq, %iota3A, %and3A_1862 : vector<16xi32>
      %and3A_2027 = arith.andi %eq3A_2025, %eq3A_2026 : vector<16xi1>
      %select_n3A_2028 = arith.select %and3A_2027, %add3A_1956, %scan3A_1606 : vector<16xi1>, vector<16xf32>
      %eq3A_2029 = arith.constant 12 : i32
      %eq3A_2030 = vector.broadcast %eq3A_2029 : i32 to vector<16xi32>
      %eq3A_2031 = arith.cmpi eq, %shift_right_arithmetic3A_1859, %eq3A_2030 : vector<16xi32>
      %eq3A_2032 = arith.cmpi eq, %iota3A, %and3A_1862 : vector<16xi32>
      %and3A_2033 = arith.andi %eq3A_2031, %eq3A_2032 : vector<16xi1>
      %select_n3A_2034 = arith.select %and3A_2033, %add3A_1956, %scan3A_1607 : vector<16xi1>, vector<16xf32>
      %eq3A_2035 = arith.constant 13 : i32
      %eq3A_2036 = vector.broadcast %eq3A_2035 : i32 to vector<16xi32>
      %eq3A_2037 = arith.cmpi eq, %shift_right_arithmetic3A_1859, %eq3A_2036 : vector<16xi32>
      %eq3A_2038 = arith.cmpi eq, %iota3A, %and3A_1862 : vector<16xi32>
      %and3A_2039 = arith.andi %eq3A_2037, %eq3A_2038 : vector<16xi1>
      %select_n3A_2040 = arith.select %and3A_2039, %add3A_1956, %scan3A_1608 : vector<16xi1>, vector<16xf32>
      %eq3A_2041 = arith.constant 14 : i32
      %eq3A_2042 = vector.broadcast %eq3A_2041 : i32 to vector<16xi32>
      %eq3A_2043 = arith.cmpi eq, %shift_right_arithmetic3A_1859, %eq3A_2042 : vector<16xi32>
      %eq3A_2044 = arith.cmpi eq, %iota3A, %and3A_1862 : vector<16xi32>
      %and3A_2045 = arith.andi %eq3A_2043, %eq3A_2044 : vector<16xi1>
      %select_n3A_2046 = arith.select %and3A_2045, %add3A_1956, %scan3A_1609 : vector<16xi1>, vector<16xf32>
      %eq3A_2047 = arith.constant 15 : i32
      %eq3A_2048 = vector.broadcast %eq3A_2047 : i32 to vector<16xi32>
      %eq3A_2049 = arith.cmpi eq, %shift_right_arithmetic3A_1859, %eq3A_2048 : vector<16xi32>
      %eq3A_2050 = arith.cmpi eq, %iota3A, %and3A_1862 : vector<16xi32>
      %and3A_2051 = arith.andi %eq3A_2049, %eq3A_2050 : vector<16xi1>
      %select_n3A_2052 = arith.select %and3A_2051, %add3A_1956, %scan3A_1610 : vector<16xi1>, vector<16xf32>
      scf.yield %select_n3A_1962, %select_n3A_1968, %select_n3A_1974, %select_n3A_1980, %select_n3A_1986, %select_n3A_1992, %select_n3A_1998, %select_n3A_2004, %select_n3A_2010, %select_n3A_2016, %select_n3A_2022, %select_n3A_2028, %select_n3A_2034, %select_n3A_2040, %select_n3A_2046, %select_n3A_2052 : vector<16xf32>, vector<16xf32>, vector<16xf32>, vector<16xf32>, vector<16xf32>, vector<16xf32>, vector<16xf32>, vector<16xf32>, vector<16xf32>, vector<16xf32>, vector<16xf32>, vector<16xf32>, vector<16xf32>, vector<16xf32>, vector<16xf32>, vector<16xf32>
    }
    %scan3A_1492 = arith.constant 48 : i32
    %swap3A_1493 = arith.constant 0 : i32
    %swap3A_1494 = arith.index_cast %swap3A_1493 : i32 to index
    %swap3A_1495 = arith.constant 0 : index
    %swap3A_1496 = tpu.vector_load %arg6[%swap3A_1494, %swap3A_1495] {strides = array<i32>} : memref<16x224xf32, #tpu.memory_space<vmem>>, vector<1x16xf32>,
    %swap3A_1497 = vector.shape_cast %swap3A_1496 : vector<1x16xf32> to vector<16xf32>
    %swap3A_1498 = vector.shape_cast %scan3A_1491#0 : vector<16xf32> to vector<1x16xf32>
    tpu.vector_store %arg6[%swap3A_1494, %swap3A_1495], %swap3A_1498 {strides = array<i32>} : memref<16x224xf32, #tpu.memory_space<vmem>>, vector<1x16xf32>,
    %swap3A_1499 = arith.constant 1 : i32
    %swap3A_1500 = arith.index_cast %swap3A_1499 : i32 to index
    %swap3A_1501 = arith.constant 0 : index
    %swap3A_1502 = tpu.vector_load %arg6[%swap3A_1500, %swap3A_1501] {strides = array<i32>} : memref<16x224xf32, #tpu.memory_space<vmem>>, vector<1x16xf32>,
    %swap3A_1503 = vector.shape_cast %swap3A_1502 : vector<1x16xf32> to vector<16xf32>
    %swap3A_1504 = vector.shape_cast %scan3A_1491#1 : vector<16xf32> to vector<1x16xf32>
    tpu.vector_store %arg6[%swap3A_1500, %swap3A_1501], %swap3A_1504 {strides = array<i32>} : memref<16x224xf32, #tpu.memory_space<vmem>>, vector<1x16xf32>,
    %swap3A_1505 = arith.constant 2 : i32
    %swap3A_1506 = arith.index_cast %swap3A_1505 : i32 to index
    %swap3A_1507 = arith.constant 0 : index
    %swap3A_1508 = tpu.vector_load %arg6[%swap3A_1506, %swap3A_1507] {strides = array<i32>} : memref<16x224xf32, #tpu.memory_space<vmem>>, vector<1x16xf32>,
    %swap3A_1509 = vector.shape_cast %swap3A_1508 : vector<1x16xf32> to vector<16xf32>
    %swap3A_1510 = vector.shape_cast %scan3A_1491#2 : vector<16xf32> to vector<1x16xf32>
    tpu.vector_store %arg6[%swap3A_1506, %swap3A_1507], %swap3A_1510 {strides = array<i32>} : memref<16x224xf32, #tpu.memory_space<vmem>>, vector<1x16xf32>,
    %swap3A_1511 = arith.constant 3 : i32
    %swap3A_1512 = arith.index_cast %swap3A_1511 : i32 to index
    %swap3A_1513 = arith.constant 0 : index
    %swap3A_1514 = tpu.vector_load %arg6[%swap3A_1512, %swap3A_1513] {strides = array<i32>} : memref<16x224xf32, #tpu.memory_space<vmem>>, vector<1x16xf32>,
    %swap3A_1515 = vector.shape_cast %swap3A_1514 : vector<1x16xf32> to vector<16xf32>
    %swap3A_1516 = vector.shape_cast %scan3A_1491#3 : vector<16xf32> to vector<1x16xf32>
    tpu.vector_store %arg6[%swap3A_1512, %swap3A_1513], %swap3A_1516 {strides = array<i32>} : memref<16x224xf32, #tpu.memory_space<vmem>>, vector<1x16xf32>,
    %swap3A_1517 = arith.constant 4 : i32
    %swap3A_1518 = arith.index_cast %swap3A_1517 : i32 to index
    %swap3A_1519 = arith.constant 0 : index
    %swap3A_1520 = tpu.vector_load %arg6[%swap3A_1518, %swap3A_1519] {strides = array<i32>} : memref<16x224xf32, #tpu.memory_space<vmem>>, vector<1x16xf32>,
    %swap3A_1521 = vector.shape_cast %swap3A_1520 : vector<1x16xf32> to vector<16xf32>
    %swap3A_1522 = vector.shape_cast %scan3A_1491#4 : vector<16xf32> to vector<1x16xf32>
    tpu.vector_store %arg6[%swap3A_1518, %swap3A_1519], %swap3A_1522 {strides = array<i32>} : memref<16x224xf32, #tpu.memory_space<vmem>>, vector<1x16xf32>,
    %swap3A_1523 = arith.constant 5 : i32
    %swap3A_1524 = arith.index_cast %swap3A_1523 : i32 to index
    %swap3A_1525 = arith.constant 0 : index
    %swap3A_1526 = tpu.vector_load %arg6[%swap3A_1524, %swap3A_1525] {strides = array<i32>} : memref<16x224xf32, #tpu.memory_space<vmem>>, vector<1x16xf32>,
    %swap3A_1527 = vector.shape_cast %swap3A_1526 : vector<1x16xf32> to vector<16xf32>
    %swap3A_1528 = vector.shape_cast %scan3A_1491#5 : vector<16xf32> to vector<1x16xf32>
    tpu.vector_store %arg6[%swap3A_1524, %swap3A_1525], %swap3A_1528 {strides = array<i32>} : memref<16x224xf32, #tpu.memory_space<vmem>>, vector<1x16xf32>,
    %swap3A_1529 = arith.constant 6 : i32
    %swap3A_1530 = arith.index_cast %swap3A_1529 : i32 to index
    %swap3A_1531 = arith.constant 0 : index
    %swap3A_1532 = tpu.vector_load %arg6[%swap3A_1530, %swap3A_1531] {strides = array<i32>} : memref<16x224xf32, #tpu.memory_space<vmem>>, vector<1x16xf32>,
    %swap3A_1533 = vector.shape_cast %swap3A_1532 : vector<1x16xf32> to vector<16xf32>
    %swap3A_1534 = vector.shape_cast %scan3A_1491#6 : vector<16xf32> to vector<1x16xf32>
    tpu.vector_store %arg6[%swap3A_1530, %swap3A_1531], %swap3A_1534 {strides = array<i32>} : memref<16x224xf32, #tpu.memory_space<vmem>>, vector<1x16xf32>,
    %swap3A_1535 = arith.constant 7 : i32
    %swap3A_1536 = arith.index_cast %swap3A_1535 : i32 to index
    %swap3A_1537 = arith.constant 0 : index
    %swap3A_1538 = tpu.vector_load %arg6[%swap3A_1536, %swap3A_1537] {strides = array<i32>} : memref<16x224xf32, #tpu.memory_space<vmem>>, vector<1x16xf32>,
    %swap3A_1539 = vector.shape_cast %swap3A_1538 : vector<1x16xf32> to vector<16xf32>
    %swap3A_1540 = vector.shape_cast %scan3A_1491#7 : vector<16xf32> to vector<1x16xf32>
    tpu.vector_store %arg6[%swap3A_1536, %swap3A_1537], %swap3A_1540 {strides = array<i32>} : memref<16x224xf32, #tpu.memory_space<vmem>>, vector<1x16xf32>,
    %swap3A_1541 = arith.constant 8 : i32
    %swap3A_1542 = arith.index_cast %swap3A_1541 : i32 to index
    %swap3A_1543 = arith.constant 0 : index
    %swap3A_1544 = tpu.vector_load %arg6[%swap3A_1542, %swap3A_1543] {strides = array<i32>} : memref<16x224xf32, #tpu.memory_space<vmem>>, vector<1x16xf32>,
    %swap3A_1545 = vector.shape_cast %swap3A_1544 : vector<1x16xf32> to vector<16xf32>
    %swap3A_1546 = vector.shape_cast %scan3A_1491#8 : vector<16xf32> to vector<1x16xf32>
    tpu.vector_store %arg6[%swap3A_1542, %swap3A_1543], %swap3A_1546 {strides = array<i32>} : memref<16x224xf32, #tpu.memory_space<vmem>>, vector<1x16xf32>,
    %swap3A_1547 = arith.constant 9 : i32
    %swap3A_1548 = arith.index_cast %swap3A_1547 : i32 to index
    %swap3A_1549 = arith.constant 0 : index
    %swap3A_1550 = tpu.vector_load %arg6[%swap3A_1548, %swap3A_1549] {strides = array<i32>} : memref<16x224xf32, #tpu.memory_space<vmem>>, vector<1x16xf32>,
    %swap3A_1551 = vector.shape_cast %swap3A_1550 : vector<1x16xf32> to vector<16xf32>
    %swap3A_1552 = vector.shape_cast %scan3A_1491#9 : vector<16xf32> to vector<1x16xf32>
    tpu.vector_store %arg6[%swap3A_1548, %swap3A_1549], %swap3A_1552 {strides = array<i32>} : memref<16x224xf32, #tpu.memory_space<vmem>>, vector<1x16xf32>,
    %swap3A_1553 = arith.constant 10 : i32
    %swap3A_1554 = arith.index_cast %swap3A_1553 : i32 to index
    %swap3A_1555 = arith.constant 0 : index
    %swap3A_1556 = tpu.vector_load %arg6[%swap3A_1554, %swap3A_1555] {strides = array<i32>} : memref<16x224xf32, #tpu.memory_space<vmem>>, vector<1x16xf32>,
    %swap3A_1557 = vector.shape_cast %swap3A_1556 : vector<1x16xf32> to vector<16xf32>
    %swap3A_1558 = vector.shape_cast %scan3A_1491#10 : vector<16xf32> to vector<1x16xf32>
    tpu.vector_store %arg6[%swap3A_1554, %swap3A_1555], %swap3A_1558 {strides = array<i32>} : memref<16x224xf32, #tpu.memory_space<vmem>>, vector<1x16xf32>,
    %swap3A_1559 = arith.constant 11 : i32
    %swap3A_1560 = arith.index_cast %swap3A_1559 : i32 to index
    %swap3A_1561 = arith.constant 0 : index
    %swap3A_1562 = tpu.vector_load %arg6[%swap3A_1560, %swap3A_1561] {strides = array<i32>} : memref<16x224xf32, #tpu.memory_space<vmem>>, vector<1x16xf32>,
    %swap3A_1563 = vector.shape_cast %swap3A_1562 : vector<1x16xf32> to vector<16xf32>
    %swap3A_1564 = vector.shape_cast %scan3A_1491#11 : vector<16xf32> to vector<1x16xf32>
    tpu.vector_store %arg6[%swap3A_1560, %swap3A_1561], %swap3A_1564 {strides = array<i32>} : memref<16x224xf32, #tpu.memory_space<vmem>>, vector<1x16xf32>,
    %swap3A_1565 = arith.constant 12 : i32
    %swap3A_1566 = arith.index_cast %swap3A_1565 : i32 to index
    %swap3A_1567 = arith.constant 0 : index
    %swap3A_1568 = tpu.vector_load %arg6[%swap3A_1566, %swap3A_1567] {strides = array<i32>} : memref<16x224xf32, #tpu.memory_space<vmem>>, vector<1x16xf32>,
    %swap3A_1569 = vector.shape_cast %swap3A_1568 : vector<1x16xf32> to vector<16xf32>
    %swap3A_1570 = vector.shape_cast %scan3A_1491#12 : vector<16xf32> to vector<1x16xf32>
    tpu.vector_store %arg6[%swap3A_1566, %swap3A_1567], %swap3A_1570 {strides = array<i32>} : memref<16x224xf32, #tpu.memory_space<vmem>>, vector<1x16xf32>,
    %swap3A_1571 = arith.constant 13 : i32
    %swap3A_1572 = arith.index_cast %swap3A_1571 : i32 to index
    %swap3A_1573 = arith.constant 0 : index
    %swap3A_1574 = tpu.vector_load %arg6[%swap3A_1572, %swap3A_1573] {strides = array<i32>} : memref<16x224xf32, #tpu.memory_space<vmem>>, vector<1x16xf32>,
    %swap3A_1575 = vector.shape_cast %swap3A_1574 : vector<1x16xf32> to vector<16xf32>
    %swap3A_1576 = vector.shape_cast %scan3A_1491#13 : vector<16xf32> to vector<1x16xf32>
    tpu.vector_store %arg6[%swap3A_1572, %swap3A_1573], %swap3A_1576 {strides = array<i32>} : memref<16x224xf32, #tpu.memory_space<vmem>>, vector<1x16xf32>,
    %swap3A_1577 = arith.constant 14 : i32
    %swap3A_1578 = arith.index_cast %swap3A_1577 : i32 to index
    %swap3A_1579 = arith.constant 0 : index
    %swap3A_1580 = tpu.vector_load %arg6[%swap3A_1578, %swap3A_1579] {strides = array<i32>} : memref<16x224xf32, #tpu.memory_space<vmem>>, vector<1x16xf32>,
    %swap3A_1581 = vector.shape_cast %swap3A_1580 : vector<1x16xf32> to vector<16xf32>
    %swap3A_1582 = vector.shape_cast %scan3A_1491#14 : vector<16xf32> to vector<1x16xf32>
    tpu.vector_store %arg6[%swap3A_1578, %swap3A_1579], %swap3A_1582 {strides = array<i32>} : memref<16x224xf32, #tpu.memory_space<vmem>>, vector<1x16xf32>,
    %swap3A_1583 = arith.constant 15 : i32
    %swap3A_1584 = arith.index_cast %swap3A_1583 : i32 to index
    %swap3A_1585 = arith.constant 0 : index
    %swap3A_1586 = tpu.vector_load %arg6[%swap3A_1584, %swap3A_1585] {strides = array<i32>} : memref<16x224xf32, #tpu.memory_space<vmem>>, vector<1x16xf32>,
    %swap3A_1587 = vector.shape_cast %swap3A_1586 : vector<1x16xf32> to vector<16xf32>
    %swap3A_1588 = vector.shape_cast %scan3A_1491#15 : vector<16xf32> to vector<1x16xf32>
    tpu.vector_store %arg6[%swap3A_1584, %swap3A_1585], %swap3A_1588 {strides = array<i32>} : memref<16x224xf32, #tpu.memory_space<vmem>>, vector<1x16xf32>,
    %mul3A_1589 = arith.constant 4 : i32
    %mul3A_1590 = arith.muli %select_n3A_9, %mul3A_1589 : i32
    %add3A_1591 = arith.addi %mul3A_1590, %select_n3A_30 : i32
    %mul3A_1592 = arith.constant 16 : i32
    %mul3A_1593 = arith.muli %add3A_1591, %mul3A_1592 : i32
    "tpu.region"() ({
      %run_scoped3A_1594 = tpu.sem_alloc : memref<!tpu.dma_semaphore, #tpu.memory_space<semaphore_mem>>
      %dma_start3A = arith.constant 0 : i32
      %dma_start3A_1595 = tpu.memref_slice %arg3[%mul3A_1593, %dma_start3A] : memref<512x224xf32, #tpu.memory_space<hbm>> -> memref<16x224xf32, #tpu.memory_space<hbm>>
      %dma_start3A_1596 = arith.constant 0 : i32
      %dma_start3A_1597 = tpu.memref_slice %arg3[%mul3A_1593, %dma_start3A_1596] : memref<512x224xf32, #tpu.memory_space<hbm>> -> memref<16x224xf32, #tpu.memory_space<hbm>>
      tpu.enqueue_dma source(%arg6 : memref<16x224xf32, #tpu.memory_space<vmem>>) target(%dma_start3A_1597 : memref<16x224xf32, #tpu.memory_space<hbm>>) target_semaphore(%run_scoped3A_1594 : memref<!tpu.dma_semaphore, #tpu.memory_space<semaphore_mem>>)
      %dma_wait3A = arith.constant 0 : i32
      %dma_wait3A_1598 = tpu.memref_slice %arg3[%mul3A_1593, %dma_wait3A] : memref<512x224xf32, #tpu.memory_space<hbm>> -> memref<16x224xf32, #tpu.memory_space<hbm>>
      %dma_wait3A_1599 = arith.constant 0 : i32
      %dma_wait3A_1600 = tpu.memref_slice %arg3[%mul3A_1593, %dma_wait3A_1599] : memref<512x224xf32, #tpu.memory_space<hbm>> -> memref<16x224xf32, #tpu.memory_space<hbm>>
      tpu.wait_dma2 semaphore(%run_scoped3A_1594 : memref<!tpu.dma_semaphore, #tpu.memory_space<semaphore_mem>>) src(%arg6 : memref<16x224xf32, #tpu.memory_space<vmem>>) dst(%dma_wait3A_1600 : memref<16x224xf32, #tpu.memory_space<hbm>>)
      tpu.yield
    }) : () -> ()
    return
  }
}

module attributes {stable_mosaic.version = 14 : i64} {
  func.func @_zero_body(%arg0: i32, %arg1: i32, %arg2: memref<1x32x224x224xf32, #tpu.memory_space<vmem>>) attributes {dimension_semantics = [#tpu.dimension_semantics<arbitrary>, #tpu.dimension_semantics<arbitrary>], iteration_bounds = array<i64: 8, 6>, scalar_prefetch = 0 : i64, scratch_operands = 0 : i64, tpu.core_type = #tpu.core_type<tc>, window_params = [{transform_indices = @transform_0, window_bounds = array<i64: 1, 32, 224, 224>}]} {
    %broadcast_in_dim3A = arith.constant 0.000000e+00 : f32
    %broadcast_in_dim3A_0 = vector.broadcast %broadcast_in_dim3A : f32 to vector<1x32x224x224xf32>
    %swap3A = arith.constant 0 : index
    %swap3A_1 = arith.constant 0 : index
    %swap3A_2 = arith.constant 0 : index
    %swap3A_3 = arith.constant 0 : index
    %swap3A_4 = vector.load %arg2[%swap3A, %swap3A_1, %swap3A_2, %swap3A_3] : memref<1x32x224x224xf32, #tpu.memory_space<vmem>>, vector<1x32x224x224xf32>
    tpu.vector_store %arg2[%swap3A, %swap3A_1, %swap3A_2, %swap3A_3], %broadcast_in_dim3A_0 {strides = array<i32>} : memref<1x32x224x224xf32, #tpu.memory_space<vmem>>, vector<1x32x224x224xf32>,
    return
  }
  func.func @transform_0(%arg0: i32, %arg1: i32) -> (i32, i32, i32, i32) {
    %c0_i32 = arith.constant 0 : i32
    %c0_i32_0 = arith.constant 0 : i32
    %c0_i32_1 = arith.constant 0 : i32
    return %arg0, %arg1, %c0_i32, %c0_i32_0 : i32, i32, i32, i32
  }
}

module attributes {stable_mosaic.version = 14 : i64} {
  func.func @_patch_merge_body(%arg0: i32, %arg1: memref<8x1x16x224xf32, #tpu.memory_space<vmem>>, %arg2: memref<512x224xf32, #tpu.memory_space<vmem>>, %arg3: memref<8x1x16x224xf32, #tpu.memory_space<vmem>>) attributes {dimension_semantics = [#tpu.dimension_semantics<arbitrary>], iteration_bounds = array<i64: 1>, scalar_prefetch = 0 : i64, scratch_operands = 0 : i64, tpu.core_type = #tpu.core_type<tc>, window_params = [{transform_indices = @transform_0, window_bounds = array<i64: 8, 1, 16, 224>}, {pipeline_mode = #tpu.pipeline_mode<synchronous>, transform_indices = @transform_1, window_bounds = array<i64: 512, 224>}, {transform_indices = @transform_2, window_bounds = array<i64: 8, 1, 16, 224>}]} {
    %get3A = arith.constant 0 : index
    %get3A_0 = arith.constant 0 : index
    %get3A_1 = vector.load %arg2[%get3A, %get3A_0] : memref<512x224xf32, #tpu.memory_space<vmem>>, vector<512x224xf32>
    %slice3A = vector.extract_strided_slice %get3A_1 {offsets = [0, 0], sizes = [16, 224], strides = [1, 1]} : vector<512x224xf32> to vector<16x224xf32>
    %slice3A_2 = vector.extract_strided_slice %get3A_1 {offsets = [16, 0], sizes = [16, 224], strides = [1, 1]} : vector<512x224xf32> to vector<16x224xf32>
    %ne3A = arith.constant 0.000000e+00 : f32
    %ne3A_3 = vector.broadcast %ne3A : f32 to vector<16x224xf32>
    %ne3A_4 = arith.cmpf one, %slice3A_2, %ne3A_3 : vector<16x224xf32>
    %select_n3A = arith.select %ne3A_4, %slice3A_2, %slice3A : vector<16x224xi1>, vector<16x224xf32>
    %slice3A_5 = vector.extract_strided_slice %get3A_1 {offsets = [32, 0], sizes = [16, 224], strides = [1, 1]} : vector<512x224xf32> to vector<16x224xf32>
    %ne3A_6 = arith.constant 0.000000e+00 : f32
    %ne3A_7 = vector.broadcast %ne3A_6 : f32 to vector<16x224xf32>
    %ne3A_8 = arith.cmpf one, %slice3A_5, %ne3A_7 : vector<16x224xf32>
    %select_n3A_9 = arith.select %ne3A_8, %slice3A_5, %select_n3A : vector<16x224xi1>, vector<16x224xf32>
    %slice3A_10 = vector.extract_strided_slice %get3A_1 {offsets = [48, 0], sizes = [16, 224], strides = [1, 1]} : vector<512x224xf32> to vector<16x224xf32>
    %ne3A_11 = arith.constant 0.000000e+00 : f32
    %ne3A_12 = vector.broadcast %ne3A_11 : f32 to vector<16x224xf32>
    %ne3A_13 = arith.cmpf one, %slice3A_10, %ne3A_12 : vector<16x224xf32>
    %select_n3A_14 = arith.select %ne3A_13, %slice3A_10, %select_n3A_9 : vector<16x224xi1>, vector<16x224xf32>
    %slice3A_15 = vector.extract_strided_slice %get3A_1 {offsets = [64, 0], sizes = [16, 224], strides = [1, 1]} : vector<512x224xf32> to vector<16x224xf32>
    %slice3A_16 = vector.extract_strided_slice %get3A_1 {offsets = [80, 0], sizes = [16, 224], strides = [1, 1]} : vector<512x224xf32> to vector<16x224xf32>
    %ne3A_17 = arith.constant 0.000000e+00 : f32
    %ne3A_18 = vector.broadcast %ne3A_17 : f32 to vector<16x224xf32>
    %ne3A_19 = arith.cmpf one, %slice3A_16, %ne3A_18 : vector<16x224xf32>
    %select_n3A_20 = arith.select %ne3A_19, %slice3A_16, %slice3A_15 : vector<16x224xi1>, vector<16x224xf32>
    %slice3A_21 = vector.extract_strided_slice %get3A_1 {offsets = [96, 0], sizes = [16, 224], strides = [1, 1]} : vector<512x224xf32> to vector<16x224xf32>
    %ne3A_22 = arith.constant 0.000000e+00 : f32
    %ne3A_23 = vector.broadcast %ne3A_22 : f32 to vector<16x224xf32>
    %ne3A_24 = arith.cmpf one, %slice3A_21, %ne3A_23 : vector<16x224xf32>
    %select_n3A_25 = arith.select %ne3A_24, %slice3A_21, %select_n3A_20 : vector<16x224xi1>, vector<16x224xf32>
    %slice3A_26 = vector.extract_strided_slice %get3A_1 {offsets = [112, 0], sizes = [16, 224], strides = [1, 1]} : vector<512x224xf32> to vector<16x224xf32>
    %ne3A_27 = arith.constant 0.000000e+00 : f32
    %ne3A_28 = vector.broadcast %ne3A_27 : f32 to vector<16x224xf32>
    %ne3A_29 = arith.cmpf one, %slice3A_26, %ne3A_28 : vector<16x224xf32>
    %select_n3A_30 = arith.select %ne3A_29, %slice3A_26, %select_n3A_25 : vector<16x224xi1>, vector<16x224xf32>
    %slice3A_31 = vector.extract_strided_slice %get3A_1 {offsets = [128, 0], sizes = [16, 224], strides = [1, 1]} : vector<512x224xf32> to vector<16x224xf32>
    %slice3A_32 = vector.extract_strided_slice %get3A_1 {offsets = [144, 0], sizes = [16, 224], strides = [1, 1]} : vector<512x224xf32> to vector<16x224xf32>
    %ne3A_33 = arith.constant 0.000000e+00 : f32
    %ne3A_34 = vector.broadcast %ne3A_33 : f32 to vector<16x224xf32>
    %ne3A_35 = arith.cmpf one, %slice3A_32, %ne3A_34 : vector<16x224xf32>
    %select_n3A_36 = arith.select %ne3A_35, %slice3A_32, %slice3A_31 : vector<16x224xi1>, vector<16x224xf32>
    %slice3A_37 = vector.extract_strided_slice %get3A_1 {offsets = [160, 0], sizes = [16, 224], strides = [1, 1]} : vector<512x224xf32> to vector<16x224xf32>
    %ne3A_38 = arith.constant 0.000000e+00 : f32
    %ne3A_39 = vector.broadcast %ne3A_38 : f32 to vector<16x224xf32>
    %ne3A_40 = arith.cmpf one, %slice3A_37, %ne3A_39 : vector<16x224xf32>
    %select_n3A_41 = arith.select %ne3A_40, %slice3A_37, %select_n3A_36 : vector<16x224xi1>, vector<16x224xf32>
    %slice3A_42 = vector.extract_strided_slice %get3A_1 {offsets = [176, 0], sizes = [16, 224], strides = [1, 1]} : vector<512x224xf32> to vector<16x224xf32>
    %ne3A_43 = arith.constant 0.000000e+00 : f32
    %ne3A_44 = vector.broadcast %ne3A_43 : f32 to vector<16x224xf32>
    %ne3A_45 = arith.cmpf one, %slice3A_42, %ne3A_44 : vector<16x224xf32>
    %select_n3A_46 = arith.select %ne3A_45, %slice3A_42, %select_n3A_41 : vector<16x224xi1>, vector<16x224xf32>
    %slice3A_47 = vector.extract_strided_slice %get3A_1 {offsets = [192, 0], sizes = [16, 224], strides = [1, 1]} : vector<512x224xf32> to vector<16x224xf32>
    %slice3A_48 = vector.extract_strided_slice %get3A_1 {offsets = [208, 0], sizes = [16, 224], strides = [1, 1]} : vector<512x224xf32> to vector<16x224xf32>
    %ne3A_49 = arith.constant 0.000000e+00 : f32
    %ne3A_50 = vector.broadcast %ne3A_49 : f32 to vector<16x224xf32>
    %ne3A_51 = arith.cmpf one, %slice3A_48, %ne3A_50 : vector<16x224xf32>
    %select_n3A_52 = arith.select %ne3A_51, %slice3A_48, %slice3A_47 : vector<16x224xi1>, vector<16x224xf32>
    %slice3A_53 = vector.extract_strided_slice %get3A_1 {offsets = [224, 0], sizes = [16, 224], strides = [1, 1]} : vector<512x224xf32> to vector<16x224xf32>
    %ne3A_54 = arith.constant 0.000000e+00 : f32
    %ne3A_55 = vector.broadcast %ne3A_54 : f32 to vector<16x224xf32>
    %ne3A_56 = arith.cmpf one, %slice3A_53, %ne3A_55 : vector<16x224xf32>
    %select_n3A_57 = arith.select %ne3A_56, %slice3A_53, %select_n3A_52 : vector<16x224xi1>, vector<16x224xf32>
    %slice3A_58 = vector.extract_strided_slice %get3A_1 {offsets = [240, 0], sizes = [16, 224], strides = [1, 1]} : vector<512x224xf32> to vector<16x224xf32>
    %ne3A_59 = arith.constant 0.000000e+00 : f32
    %ne3A_60 = vector.broadcast %ne3A_59 : f32 to vector<16x224xf32>
    %ne3A_61 = arith.cmpf one, %slice3A_58, %ne3A_60 : vector<16x224xf32>
    %select_n3A_62 = arith.select %ne3A_61, %slice3A_58, %select_n3A_57 : vector<16x224xi1>, vector<16x224xf32>
    %slice3A_63 = vector.extract_strided_slice %get3A_1 {offsets = [256, 0], sizes = [16, 224], strides = [1, 1]} : vector<512x224xf32> to vector<16x224xf32>
    %slice3A_64 = vector.extract_strided_slice %get3A_1 {offsets = [272, 0], sizes = [16, 224], strides = [1, 1]} : vector<512x224xf32> to vector<16x224xf32>
    %ne3A_65 = arith.constant 0.000000e+00 : f32
    %ne3A_66 = vector.broadcast %ne3A_65 : f32 to vector<16x224xf32>
    %ne3A_67 = arith.cmpf one, %slice3A_64, %ne3A_66 : vector<16x224xf32>
    %select_n3A_68 = arith.select %ne3A_67, %slice3A_64, %slice3A_63 : vector<16x224xi1>, vector<16x224xf32>
    %slice3A_69 = vector.extract_strided_slice %get3A_1 {offsets = [288, 0], sizes = [16, 224], strides = [1, 1]} : vector<512x224xf32> to vector<16x224xf32>
    %ne3A_70 = arith.constant 0.000000e+00 : f32
    %ne3A_71 = vector.broadcast %ne3A_70 : f32 to vector<16x224xf32>
    %ne3A_72 = arith.cmpf one, %slice3A_69, %ne3A_71 : vector<16x224xf32>
    %select_n3A_73 = arith.select %ne3A_72, %slice3A_69, %select_n3A_68 : vector<16x224xi1>, vector<16x224xf32>
    %slice3A_74 = vector.extract_strided_slice %get3A_1 {offsets = [304, 0], sizes = [16, 224], strides = [1, 1]} : vector<512x224xf32> to vector<16x224xf32>
    %ne3A_75 = arith.constant 0.000000e+00 : f32
    %ne3A_76 = vector.broadcast %ne3A_75 : f32 to vector<16x224xf32>
    %ne3A_77 = arith.cmpf one, %slice3A_74, %ne3A_76 : vector<16x224xf32>
    %select_n3A_78 = arith.select %ne3A_77, %slice3A_74, %select_n3A_73 : vector<16x224xi1>, vector<16x224xf32>
    %slice3A_79 = vector.extract_strided_slice %get3A_1 {offsets = [320, 0], sizes = [16, 224], strides = [1, 1]} : vector<512x224xf32> to vector<16x224xf32>
    %slice3A_80 = vector.extract_strided_slice %get3A_1 {offsets = [336, 0], sizes = [16, 224], strides = [1, 1]} : vector<512x224xf32> to vector<16x224xf32>
    %ne3A_81 = arith.constant 0.000000e+00 : f32
    %ne3A_82 = vector.broadcast %ne3A_81 : f32 to vector<16x224xf32>
    %ne3A_83 = arith.cmpf one, %slice3A_80, %ne3A_82 : vector<16x224xf32>
    %select_n3A_84 = arith.select %ne3A_83, %slice3A_80, %slice3A_79 : vector<16x224xi1>, vector<16x224xf32>
    %slice3A_85 = vector.extract_strided_slice %get3A_1 {offsets = [352, 0], sizes = [16, 224], strides = [1, 1]} : vector<512x224xf32> to vector<16x224xf32>
    %ne3A_86 = arith.constant 0.000000e+00 : f32
    %ne3A_87 = vector.broadcast %ne3A_86 : f32 to vector<16x224xf32>
    %ne3A_88 = arith.cmpf one, %slice3A_85, %ne3A_87 : vector<16x224xf32>
    %select_n3A_89 = arith.select %ne3A_88, %slice3A_85, %select_n3A_84 : vector<16x224xi1>, vector<16x224xf32>
    %slice3A_90 = vector.extract_strided_slice %get3A_1 {offsets = [368, 0], sizes = [16, 224], strides = [1, 1]} : vector<512x224xf32> to vector<16x224xf32>
    %ne3A_91 = arith.constant 0.000000e+00 : f32
    %ne3A_92 = vector.broadcast %ne3A_91 : f32 to vector<16x224xf32>
    %ne3A_93 = arith.cmpf one, %slice3A_90, %ne3A_92 : vector<16x224xf32>
    %select_n3A_94 = arith.select %ne3A_93, %slice3A_90, %select_n3A_89 : vector<16x224xi1>, vector<16x224xf32>
    %slice3A_95 = vector.extract_strided_slice %get3A_1 {offsets = [384, 0], sizes = [16, 224], strides = [1, 1]} : vector<512x224xf32> to vector<16x224xf32>
    %slice3A_96 = vector.extract_strided_slice %get3A_1 {offsets = [400, 0], sizes = [16, 224], strides = [1, 1]} : vector<512x224xf32> to vector<16x224xf32>
    %ne3A_97 = arith.constant 0.000000e+00 : f32
    %ne3A_98 = vector.broadcast %ne3A_97 : f32 to vector<16x224xf32>
    %ne3A_99 = arith.cmpf one, %slice3A_96, %ne3A_98 : vector<16x224xf32>
    %select_n3A_100 = arith.select %ne3A_99, %slice3A_96, %slice3A_95 : vector<16x224xi1>, vector<16x224xf32>
    %slice3A_101 = vector.extract_strided_slice %get3A_1 {offsets = [416, 0], sizes = [16, 224], strides = [1, 1]} : vector<512x224xf32> to vector<16x224xf32>
    %ne3A_102 = arith.constant 0.000000e+00 : f32
    %ne3A_103 = vector.broadcast %ne3A_102 : f32 to vector<16x224xf32>
    %ne3A_104 = arith.cmpf one, %slice3A_101, %ne3A_103 : vector<16x224xf32>
    %select_n3A_105 = arith.select %ne3A_104, %slice3A_101, %select_n3A_100 : vector<16x224xi1>, vector<16x224xf32>
    %slice3A_106 = vector.extract_strided_slice %get3A_1 {offsets = [432, 0], sizes = [16, 224], strides = [1, 1]} : vector<512x224xf32> to vector<16x224xf32>
    %ne3A_107 = arith.constant 0.000000e+00 : f32
    %ne3A_108 = vector.broadcast %ne3A_107 : f32 to vector<16x224xf32>
    %ne3A_109 = arith.cmpf one, %slice3A_106, %ne3A_108 : vector<16x224xf32>
    %select_n3A_110 = arith.select %ne3A_109, %slice3A_106, %select_n3A_105 : vector<16x224xi1>, vector<16x224xf32>
    %slice3A_111 = vector.extract_strided_slice %get3A_1 {offsets = [448, 0], sizes = [16, 224], strides = [1, 1]} : vector<512x224xf32> to vector<16x224xf32>
    %slice3A_112 = vector.extract_strided_slice %get3A_1 {offsets = [464, 0], sizes = [16, 224], strides = [1, 1]} : vector<512x224xf32> to vector<16x224xf32>
    %ne3A_113 = arith.constant 0.000000e+00 : f32
    %ne3A_114 = vector.broadcast %ne3A_113 : f32 to vector<16x224xf32>
    %ne3A_115 = arith.cmpf one, %slice3A_112, %ne3A_114 : vector<16x224xf32>
    %select_n3A_116 = arith.select %ne3A_115, %slice3A_112, %slice3A_111 : vector<16x224xi1>, vector<16x224xf32>
    %slice3A_117 = vector.extract_strided_slice %get3A_1 {offsets = [480, 0], sizes = [16, 224], strides = [1, 1]} : vector<512x224xf32> to vector<16x224xf32>
    %ne3A_118 = arith.constant 0.000000e+00 : f32
    %ne3A_119 = vector.broadcast %ne3A_118 : f32 to vector<16x224xf32>
    %ne3A_120 = arith.cmpf one, %slice3A_117, %ne3A_119 : vector<16x224xf32>
    %select_n3A_121 = arith.select %ne3A_120, %slice3A_117, %select_n3A_116 : vector<16x224xi1>, vector<16x224xf32>
    %slice3A_122 = vector.extract_strided_slice %get3A_1 {offsets = [496, 0], sizes = [16, 224], strides = [1, 1]} : vector<512x224xf32> to vector<16x224xf32>
    %ne3A_123 = arith.constant 0.000000e+00 : f32
    %ne3A_124 = vector.broadcast %ne3A_123 : f32 to vector<16x224xf32>
    %ne3A_125 = arith.cmpf one, %slice3A_122, %ne3A_124 : vector<16x224xf32>
    %select_n3A_126 = arith.select %ne3A_125, %slice3A_122, %select_n3A_121 : vector<16x224xi1>, vector<16x224xf32>
    %stack3A = vector.shape_cast %select_n3A_14 : vector<16x224xf32> to vector<1x16x224xf32>
    %stack3A_127 = vector.shape_cast %select_n3A_30 : vector<16x224xf32> to vector<1x16x224xf32>
    %stack3A_128 = vector.shape_cast %select_n3A_46 : vector<16x224xf32> to vector<1x16x224xf32>
    %stack3A_129 = vector.shape_cast %select_n3A_62 : vector<16x224xf32> to vector<1x16x224xf32>
    %stack3A_130 = vector.shape_cast %select_n3A_78 : vector<16x224xf32> to vector<1x16x224xf32>
    %stack3A_131 = vector.shape_cast %select_n3A_94 : vector<16x224xf32> to vector<1x16x224xf32>
    %stack3A_132 = vector.shape_cast %select_n3A_110 : vector<16x224xf32> to vector<1x16x224xf32>
    %stack3A_133 = vector.shape_cast %select_n3A_126 : vector<16x224xf32> to vector<1x16x224xf32>
    %stack3A_134 = tpu.concatenate %stack3A, %stack3A_127, %stack3A_128, %stack3A_129, %stack3A_130, %stack3A_131, %stack3A_132, %stack3A_133 in 0 : vector<1x16x224xf32>, vector<1x16x224xf32>, vector<1x16x224xf32>, vector<1x16x224xf32>, vector<1x16x224xf32>, vector<1x16x224xf32>, vector<1x16x224xf32>, vector<1x16x224xf32> -> vector<8x16x224xf32>
    %broadcast_in_dim3A = vector.shape_cast %stack3A_134 : vector<8x16x224xf32> to vector<8x1x16x224xf32>
    %swap3A = arith.constant 0 : index
    %swap3A_135 = arith.constant 0 : index
    %swap3A_136 = arith.constant 0 : index
    %swap3A_137 = arith.constant 0 : index
    %swap3A_138 = vector.load %arg3[%swap3A, %swap3A_135, %swap3A_136, %swap3A_137] : memref<8x1x16x224xf32, #tpu.memory_space<vmem>>, vector<8x1x16x224xf32>
    tpu.vector_store %arg3[%swap3A, %swap3A_135, %swap3A_136, %swap3A_137], %broadcast_in_dim3A {strides = array<i32>} : memref<8x1x16x224xf32, #tpu.memory_space<vmem>>, vector<8x1x16x224xf32>,
    return
  }
  func.func @transform_0(%arg0: i32) -> (i32, i32, i32, i32) {
    %c0_i32 = arith.constant 0 : i32
    %c0_i32_0 = arith.constant 0 : i32
    %c0_i32_1 = arith.constant 0 : i32
    %c0_i32_2 = arith.constant 0 : i32
    %c0_i32_3 = arith.constant 0 : i32
    return %c0_i32, %c0_i32_0, %c0_i32_1, %c0_i32_2 : i32, i32, i32, i32
  }
  func.func @transform_1(%arg0: i32) -> (i32, i32) {
    %c0_i32 = arith.constant 0 : i32
    %c0_i32_0 = arith.constant 0 : i32
    %c0_i32_1 = arith.constant 0 : i32
    return %c0_i32, %c0_i32_0 : i32, i32
  }
  func.func @transform_2(%arg0: i32) -> (i32, i32, i32, i32) {
    %c0_i32 = arith.constant 0 : i32
    %c0_i32_0 = arith.constant 0 : i32
    %c0_i32_1 = arith.constant 0 : i32
    %c0_i32_2 = arith.constant 0 : i32
    %c0_i32_3 = arith.constant 0 : i32
    return %c0_i32, %c0_i32_0, %c0_i32_1, %c0_i32_2 : i32, i32, i32, i32
  }
}

</mosaic_0001>

<sc_bundles>
// kernel: kernel.5.cloned.1.call-start
scs
__scs_entry_jumppad:
0x0: {  	(pc) =	sbr.rel $0x88, $3  }
0x1: {  	(tag) =	ssettag $0x0;
	lr =	simm.s32 $0x1  }
0x2: {  	[smem:$0x3FA0] =	sst lr;
	_ =	strace $0xD0000000  }
0x3: {  	_ = 	snop  }
0x4: {  	_ = 	snop  }
0x5: {  	_ = 	snop  }
0x6: {  	_ = 	snop  }
0x7: {  	_ = 	snop  }
__scs_overlays_trampoline_lowered:
0x8: {  	[smem:$0x3FAF] =	sst s0  }
0x9: {  	[smem:$0x3FB0] =	sst s1  }
0xa: {  	[smem:$0x3FB1] =	sst s2  }
0xb: {  	[smem:$0x3FB2] =	sst s3  }
0xc: {  	[smem:$0x3FB3] =	sst s4  }
0xd: {  	[smem:$0x3FB4] =	sst s5  }
0xe: {  	[smem:$0x3FB5] =	sst s6  }
0xf: {  	[smem:$0x3FB6] =	sst s7  }
0x10: {  	[smem:$0x3FB7] =	sst s8  }
0x11: {  	[smem:$0x3FB8] =	sst s9;
	s0 =	simm.s32 @!p0 $0x0  }
0x12: {  	s1 =	sld [smem:$0x3F9E];
	s0 =	simm.s32 @p0 $0x1  }
0x13: {  	[smem:$0x3FB9] =	sst s0;
	s0 =	simm.s32 @!p1 $0x0  }
0x14: {  	s2 =	sld [smem:$0x3F9D];
	s0 =	simm.s32 @p1 $0x1  }
0x15: {  	[smem:$0x3FBA] =	sst s0;
	s0 =	simm.s32 @!p2 $0x0  }
0x16: {  	s3 =	sld [smem:$0x3FDB];
	s0 =	simm.s32 @p2 $0x1  }
0x17: {  	s4 =	simm.s32 $0x1BF5;
	[smem:$0x3FBC] =	sst s0  }
0x18: {  	s0 =	sld [smem:$0x3F9F];
	_ =	swait.ge [sflag:s4], $0x0  }
0x19: {  	s7 =	sld [smem:$0x3FA0]  }
0x1a: {  	s8 =	sadd.s32 $0xFFFFE003, lr  }
0x1b: {  	s9 =	sadd.s32 $0xFFFFFEF7, lr;
	s5 =	simm.s32 $0xFFFFFFFF;
	p2 =	slt.u32 s8, $0xFFFFF086  }
0x1c: {  	p1 =	slt.u32 s9, $0xF7A;
	s5 =	simm.s32 @!p2 $0x0  }
0x1d: {  	s5 =	simm.s32 @p1 $0x1;
	p0 =	seq.s32 s7, s2  }
0x1e: {  	s7 =	smul.u32 @!p0 $0xF7A, s2;
	p2 =	seq.s32 @!p0 s5, $0x0  }
0x1f: {  	s9 =	smul.u32 $0xF7A, s1;
	s8 =	simm.s32 @!p0 $0x1BF5;
	p2 =	por !p2, p0  }
0x20: {  	[sflag:s8] =	ssyncset.s32 @!p0 $0xFFFFF086;
	s6 =	sadd.s32 @!p0 s3, s7;
	s7 =	simm.s32 @!p0 $0x108  }
0x21: {  	s3 =	sadd.s32 s3, s9;
	s6 =	sadd.s32 @!p0 $0x88, s6;
	s7 =	simm.s32 @p2 $0x1082  }
0x22: {  	[simem:s7], [sflag:s8] =	dma.local @!p0 [hbm:s6], $0xF7A  }
0x23: {  	s9 =	sor.u32 $0xD0000000, s2;
	s6 =	simm.s32 $0x108;
	_ =	swait.ge @!p0 [sflag:s8], $0x0  }
0x24: {  	s3 =	sadd.s32 $0x88, s3;
	s6 =	simm.s32 @!p1 $0x1082;
	[sflag:s4] =	ssyncset.s32 $0xFFFFF086  }
0x25: {  	[simem:s6], [sflag:s4] =	dma.local [hbm:s3], $0xF7A  }
0x26: {  	[smem:$0x3FA0] =	sst s1;
	(tag) =	ssettag s2;
	_ =	strace s9  }
0x27: {  	s1 =	sld [smem:$0x3FB0]  }
0x28: {  	s2 =	sld [smem:$0x3FB1]  }
0x29: {  	s4 =	sld [smem:$0x3FB3]  }
0x2a: {  	p0 =	seq.s32 s5, $0x0;
	s5 =	sld [smem:$0x3FB4]  }
0x2b: {  	s6 =	sld [smem:$0x3FB5]  }
0x2c: {  	s7 =	sld [smem:$0x3FB6]  }
0x2d: {  	s3 =	simm.s32 $0x108;
	s8 =	sld [smem:$0x3FB7]  }
0x2e: {  	s3 =	simm.s32 @!p0 $0x1082;
	s9 =	sld [smem:$0x3FB8]  }
0x2f: {  	lr =	sadd.s32 s0, s3;
	s0 =	sld [smem:$0x3FAF]  }
0x30: {  	s3 =	sld [smem:$0x3FB2]  }
0x31: {  	[smem:$0x3FBB] =	sst s10  }
0x32: {  	s10 =	sld [smem:$0x3FB9];
	_ =	sdelay $0x3  }
0x33: {  	p0 =	seq.s32 s10, $0x1;
	s10 =	sld [smem:$0x3FBB];
	_ =	sdelay $0x3  }
0x34: {  	[smem:$0x3FBB] =	sst s10  }
0x35: {  	s10 =	sld [smem:$0x3FBA];
	_ =	sdelay $0x3  }
0x36: {  	p1 =	seq.s32 s10, $0x1;
	s10 =	sld [smem:$0x3FBB];
	_ =	sdelay $0x3  }
0x37: {  	[smem:$0x3FBB] =	sst s10  }
0x38: {  	s10 =	sld [smem:$0x3FBC]  }
0x39: {  	_ = 	snop;
	(pc) =	sbr.ind lr, $3  }
0x3a: {  	_ = 	snop  }
0x3b: {  	_ = 	snop  }
0x3c: {  	p2 =	seq.s32 s10, $0x1;
	s10 =	sld [smem:$0x3FBB]  }
0x3d: {  	_ =	shalt  }
0x3e: {  	_ =	shalt  }
0x3f: {  	_ =	shalt  }
0x40: {  	_ =	shalt  }
0x41: {  	_ =	shalt  }
0x42: {  	_ =	shalt  }
0x43: {  	_ =	shalt  }
0x44: {  	_ =	shalt  }
0x45: {  	_ =	shalt  }
0x46: {  	_ =	shalt  }
0x47: {  	_ =	shalt  }
0x48: {  	_ =	shalt  }
0x49: {  	_ =	shalt  }
0x4a: {  	_ =	shalt  }
0x4b: {  	_ =	shalt  }
0x4c: {  	_ =	shalt  }
0x4d: {  	_ =	shalt  }
0x4e: {  	_ =	shalt  }
0x4f: {  	_ =	shalt  }
0x50: {  	_ =	shalt  }
0x51: {  	_ =	shalt  }
0x52: {  	_ =	shalt  }
0x53: {  	_ =	shalt  }
0x54: {  	_ =	shalt  }
0x55: {  	_ =	shalt  }
0x56: {  	_ =	shalt  }
0x57: {  	_ =	shalt  }
0x58: {  	_ =	shalt  }
0x59: {  	_ =	shalt  }
0x5a: {  	_ =	shalt  }
0x5b: {  	_ =	shalt  }
0x5c: {  	_ =	shalt  }
0x5d: {  	_ =	shalt  }
0x5e: {  	_ =	shalt  }
0x5f: {  	_ =	shalt  }
0x60: {  	_ =	shalt  }
0x61: {  	_ =	shalt  }
0x62: {  	_ =	shalt  }
0x63: {  	_ =	shalt  }
0x64: {  	_ =	shalt  }
0x65: {  	_ =	shalt  }
0x66: {  	_ =	shalt  }
0x67: {  	_ =	shalt  }
0x68: {  	_ =	shalt  }
0x69: {  	_ =	shalt  }
0x6a: {  	_ =	shalt  }
0x6b: {  	_ =	shalt  }
0x6c: {  	_ =	shalt  }
0x6d: {  	_ =	shalt  }
0x6e: {  	_ =	shalt  }
0x6f: {  	_ =	shalt  }
0x70: {  	_ =	shalt  }
0x71: {  	_ =	shalt  }
0x72: {  	_ =	shalt  }
0x73: {  	_ =	shalt  }
0x74: {  	_ =	shalt  }
0x75: {  	_ =	shalt  }
0x76: {  	_ =	shalt  }
0x77: {  	_ =	shalt  }
0x78: {  	_ =	shalt  }
0x79: {  	_ =	shalt  }
0x7a: {  	_ =	shalt  }
0x7b: {  	_ =	shalt  }
0x7c: {  	_ =	shalt  }
0x7d: {  	_ =	shalt  }
0x7e: {  	_ =	shalt  }
0x7f: {  	_ =	shalt  }
0x80: {  	_ =	shalt  }
0x81: {  	_ =	shalt  }
0x82: {  	_ =	shalt  }
0x83: {  	_ =	shalt  }
0x84: {  	_ =	shalt  }
0x85: {  	_ =	shalt  }
0x86: {  	_ =	shalt  }
0x87: {  	_ =	shalt  }
.Lfunc_end0:
.L_simem_size_0:
called_computation_lowered:
.L_overlay_start_0:
0x88: {  	s2 =	sld [smem:$0x3FD9]  }
0x89: {  	s3 =	sld [smem:$0x3FFE];
	_ =	sdelay $0x1  }
0x8a: {  	s1 =	srdreg.scid  }
0x8b: {  	s0 =	sand.u32 $0x1, s1  }
0x8c: {  	s17 =	sshll.u32 s0, $0xA;
	s2 =	sadd.s32 s3, s2  }
0x8d: {  	s2 =	sadd.s32 s2, s17  }
0x8e: {  	[smem:$0x3FC7] =	sst s2  }
0x8f: {  	_ = 	snop  }
0x90: {  	s2 =	sld [smem:$0x3FC9];
	(tm) =	ssettm $0x1  }
0x91: {  	s18 =	sld [smem:$0x3FFB];
	_ =	sdelay $0x3  }
0x92: {  	_ =	strace s18  }
0x93: {  	s3 =	sld [smem:$0x3FFC];
	_ =	sdelay $0x3  }
0x94: {  	_ =	strace s3  }
0x95: {  	s3 =	sld [smem:$0x3FFD];
	_ =	sdelay $0x3  }
0x96: {  	_ =	strace s3  }
0x97: {  	_ =	strace $0x8FFFFFFF  }
0x98: {  	s19 =	sld [smem:$0x3FDB];
	_ =	sdelay $0x1  }
0x99: {  	s4 =	simm.s32 $_scs_section_size  }
0x9a: {  	s5 =	simm.s32 $_size__tile_overlayer_lowered;
	s6 =	simm.s32 $_tile_overlayer_lowered  }
0x9b: {  	s22 =	simm.s32 $0x1BFF;
	s21 =	sshll.u32 s6, $0x1;
	s3 =	sadd.s32 s4, s19  }
0x9c: {  	s7 =	simm.s32 $0x0;
	s20 =	sshll.u32 s5, $0x1;
	s5 =	sadd.s32 s21, s3  }
0x9d: {  	[timem:s7], [sflag:s22] =	dma.local [hbm:s5], s20  }
0x9e: {  	_ =	swait.ge [sflag:s22], s20  }
0x9f: {  	s4 =	ssub.s32 $0x0, s20;
	[sflag:s22] =	ssyncset.done $0x0  }
0xa0: {  	[sflag:s22] =	ssyncadd.s32 s4;
	_ =	sdelay $0x1  }
0xa1: {  	s23 =	simm.s32 $0x1B8B  }
0xa2: {  	_ =	swait.ge [sflag:s23], $0x1  }
0xa3: {  	[sflag:s23] =	ssyncset.done $0x0  }
0xa4: {  	s25 =	simm.s32 $0x1B8E;
	s24 =	sld [smem:$0x3FFE];
	[sflag:s23] =	ssyncadd.s32 $0xFFFFFFFF  }
0xa5: {  	s26 =	simm.s32 $execute0_lowered;
	[smem:$0x3FD2] =	sst s25  }
0xa6: {  	s5 =	sshll.u32 s26, $0x1;
	_ =	strace $0x80000046;
	[dreg:$0x1] =	wrdreg $0xFFFFFFFF  }
0xa7: {  	s28 =	simm.s32 $_size_execute0_lowered;
	s3 =	sadd.s32 s3, s5;
	[dreg:$0x0] =	wrdreg $0x0  }
0xa8: {  	s5 =	sshll.u32 s28, $0x1;
	[dreg:$0x2] =	wrdreg s3  }
0xa9: {  	[dreg:$0x3] =	wrdreg s5  }
0xaa: {  	[dreg:$0x4] =	wrdreg $0xC0  }
0xab: {  	_ =	task [dreg:s7], $0x5FFFF  }
0xac: {  	[dreg:$0x1] =	wrdreg $0xFFFFFFFF  }
0xad: {  	[dreg:$0x0] =	wrdreg $0x60  }
0xae: {  	[dreg:$0x2] =	wrdreg s2  }
0xaf: {  	[dreg:$0x3] =	wrdreg s24  }
0xb0: {  	[dreg:$0x4] =	wrdreg $0x9  }
0xb1: {  	_ =	task.clear_ibuf [dreg:s7], $0x5FFFF;
	_ =	strace $0x90000046  }
0xb2: {  	s29 =	simm.s32 $0x9;
	_ =	strace $0x80000048  }
0xb3: {  	_ =	swait.ge [sflag:s29], $0x1  }
0xb4: {  	[sflag:s29] =	ssyncadd.s32 $0xFFFFFFFF  }
0xb5: {  	_ =	strace $0x90000048  }
0xb6: {  	_ =	sfence  }
0xb7: {  	s30 =	sld [smem:$0x0];
	_ =	sdelay $0x2  }
0xb8: {  	s31 =	sshll.u32 s1, $0xD;
	s1 =	sshrl.u32 s1, $0x2  }
0xb9: {  	s3 =	sand.u32 $0x4000, s31;
	s1 =	sadd.s32 s1, s30  }
0xba: {  	s0 =	sor.u32 s3, s0;
	s1 =	sshll.u32 s1, $0x11  }
0xbb: {  	s0 =	sor.u32 s1, s0  }
0xbc: {  	s0 =	sadd.s32 $0x8F2B, s0  }
0xbd: {  	[sflag:s0] =	ssyncadd.remote.s32 $0x1  }
0xbe: {  	_ =	sfence.sel $0xFFFF  }
0xbf: {  	[dreg:$0x0] =	wrdreg $0xFFFFFFFF;
	(pc) =	sbr.abs _section_cstart, $3  }
0xc0: {  	[dreg:$0x1] =	wrdreg $0xFFFFFFFF  }
0xc1: {  	_ =	task.clear_ibuf [dreg:s7], $0x2FFFF;
	_ =	strace $0x9FFFFFFF  }
0xc2: {  	(tm) =	ssettm $0x7FFFFFFF  }
0xc3: {  	_ =	shalt  }
tec
execute0_lowered:
.L_overlay_start_1:
0x0: {  	(tag) =	ssettag $0x1  }
0x1: {  	v0 =	vimm.s32 $0xEFCDAB89;
	v1 =	vimm.s32 $0x67452301;
	v2 =	vimm.s32 $0xDCFE98BA  }
0x2: {  	s0 =	srdreg.scid;
	v3 =	vimm.s32 $0x54761032;
	s6 =	rddreg [dreg:$0x0];
	v4 =	vimm.s32 $0xBA98FEDC;
	v5 =	vimm.s32 $0x32107654  }
0x3: {  	s7 =	rddreg [dreg:$0x1];
	v6 =	vimm.s32 $0xFEDCBA98;
	v7 =	vimm.s32 $0x76543210;
	v60 =	vlaneseq.u32;
	s4 =	sand.u32 $0x1, s0  }
0x4: {  	s8 =	simm.s32 $0x1;
	v0 =	vunpack.c.l.s4.s8 v0;
	v1 =	vunpack.c.l.s4.s8 v1;
	v2 =	vunpack.c.l.s4.s8 v2;
	s0 =	stileid.u32;
	s1 =	sshll.u32 s4, $0x4  }
0x5: {  	s2 =	simm.s32 $0x0;
	v3 =	vunpack.c.l.s4.s8 v3;
	v4 =	vunpack.c.l.s4.s8 v4;
	v5 =	vunpack.c.l.s4.s8 v5;
	s5 =	sand.u32 $0x7, s0;
	s3 =	sor.u32 s0, s1  }
0x6: {  	s10 =	simm.s32 $0x18000;
	v6 =	vunpack.c.l.s4.s8 v6;
	v7 =	vunpack.c.l.s4.s8 v7;
	v61 =	vor.u32 $0x10, v60;
	p0 =	sne.s32 s5, $0x0;
	p1 =	seq.s32 s3, $0x0  }
0x7: {  	s11 =	simm.s32 $0x18800;
	s12 =	simm.s32 $0x0;
	v8 =	vor.u32 $0x40, v60;
	v9 =	vor.u32 $0x50, v60;
	v10 =	vor.u32 $0x60, v60;
	p0 =	por !p0, !p1  }
0x8: {  	[smem:$0x7FF] =	sst s2;
	v11 =	vor.u32 $0x70, v60;
	v12 =	vor.u32 $0x80, v60;
	v13 =	vor.u32 $0x90, v60;
	s4 =	ssub.s32 $0x2, s4;
	p0 =	por !p0, !p0  }
0x9: {  	v14 =	vor.u32 $0xA0, v60;
	v15 =	vor.u32 $0xB0, v60;
	v16 =	vor.u32 $0xC0, v60;
	s1 =	rddreg [dreg:$0x2];
	s3 =	sshrl.u32 s3, $0x3;
	s8 =	simm.s32 @!p0 $0x0  }
0xa: {  	v17 =	vor.u32 $0xD0, v60;
	v18 =	vor.u32 $0xE0, v60;
	v0 =	vunpack.c.0.s8.s32 v0;
	s28 =	sshll.u32 s5, $0xE;
	s5 =	smul.u32 $0xA80000, s5;
	s3 =	ssub.s32 s3, s8  }
0xb: {  	v1 =	vunpack.c.0.s8.s32 v1;
	v2 =	vunpack.c.0.s8.s32 v2;
	v3 =	vunpack.c.0.s8.s32 v3;
	_ =	strace $0x80000047;
	s9 =	sshll.u32 s3, $0xC;
	s29 =	smul.u32 $0x2A0000, s3  }
0xc: {  	v19 =	vor.u32 $0xF0, v60;
	v4 =	vunpack.c.0.s8.s32 v4;
	v5 =	vunpack.c.0.s8.s32 v5;
	s30 =	sshrl.u32 s4, $0x1;
	s3 =	simm.s32 $0x1;
	s8 =	sadd.s32 s28, s9  }
0xd: {  	v0 =	vcombine.low v1, v0;
	v1 =	vcombine.low v3, v2;
	v2 =	vunpack.c.0.s8.s32 v6;
	s8 =	sshrl.u32 s8, $0x3;
	s9 =	sadd.s32 s5, s29;
	s5 =	sshrl.u32 s5, $0x3  }
0xe: {  	v3 =	vcombine.low v5, v4;
	v4 =	vunpack.c.0.s8.s32 v7;
	v6 =	vor.u32 $0x20, v60;
	s7 =	sadd.s32 s8, s7;
	s8 =	ssub.s32 s4, s30;
	s31 =	sshrl.u32 s9, $0x3  }
0xf: {  	v7 =	vor.u32 $0x30, v60;
	v0 =	vand.u32 $0xF, v0;
	v5 =	vand.u32 $0xF, v2;
	s5 =	sadd.s32 s6, s5;
	s9 =	simm.s32 $0x800;
	s4 =	sadd.s32 s6, s31  }
0x10: {  	v1 =	vand.u32 $0xF, v1;
	v2 =	vand.u32 $0xF, v3;
	v3 =	vcombine.low v5, v4;
	s6 =	sadd.s32 $0x600, s7;
	s7 =	smax.u32 s8, $0x1;
	s8 =	simm.s32 $0x400  }
.LBB2_1:
0x11: {  	s13 =	simm.s32 $0x1C00  }
0x12: {  	s16 =	sadd.s32 $0x0, s4;
	s14 =	simm.s32 $0x800;
	s15 =	simm.s32 $0x0  }
.LBB2_2:
0x13: {  	[tilespmem:s15], [sflag:$0x1] =	stream.strided.gather [hbm4b:s16+s8], $0x800, s9, s8, $0x38;
	[tilespmem:$0x19800] =	vst v63  }
0x14: {  	s16 =	smov.u32 s13;
	s15 =	smov.u32 s14;
	p0 =	sne.s32 s13, $0x52400  }
.Ltmp0:
0x15: {  	s13 =	sadd.s32 $0x1C00, s13;
	(pc) =	sbr.rel @p0 .LBB2_2-.Ltmp0, $2  }
0x16: {  	_ =	sdelay $0x2  }
0x17: {  	s14 =	sadd.s32 $0x800, s14;
	s16 =	sadd.s32 s16, s4  }
0x18: {  	[tilespmem:s15], [sflag:$0x1] =	stream.strided.gather [hbm4b:s16+s8], $0x800, s9, s8, $0x38;
	[tilespmem:$0x19800] =	vst v63  }
0x19: {  	_ =	swait.ge [sflag:s3], $0x18000  }
0x1a: {  	[sflag:s3] =	ssyncset.done $0x0  }
0x1b: {  	[sflag:s3] =	ssyncadd.s32 $0xFFFE8000  }
0x1c: {  	[tilespmem:s10], [sflag:$0x1] =	stream.strided.gather [hbm4b:s5+s8], $0x800, s9, s8, $0x38;
	[tilespmem:$0x19800] =	vst v63  }
0x1d: {  	_ =	swait.ge [sflag:s3], $0x800  }
0x1e: {  	[sflag:s3] =	ssyncset.done $0x0  }
0x1f: {  	v20 =	vimm.f32 $0.0e+00;
	[sflag:s3] =	ssyncadd.s32 $0xFFFFF800  }
0x20: {  	[tilespmem:$0x18800] =	vst v20  }
0x21: {  	[tilespmem:$0x18810] =	vst v20  }
0x22: {  	[tilespmem:$0x18820] =	vst v20  }
0x23: {  	[tilespmem:$0x18830] =	vst v20  }
0x24: {  	[tilespmem:$0x18840] =	vst v20  }
0x25: {  	[tilespmem:$0x18850] =	vst v20  }
0x26: {  	[tilespmem:$0x18860] =	vst v20  }
0x27: {  	[tilespmem:$0x18870] =	vst v20  }
0x28: {  	[tilespmem:$0x18C00] =	vst v20  }
0x29: {  	[tilespmem:$0x18C10] =	vst v20  }
0x2a: {  	[tilespmem:$0x18C20] =	vst v20  }
0x2b: {  	[tilespmem:$0x18C30] =	vst v20  }
0x2c: {  	[tilespmem:$0x18C40] =	vst v20  }
0x2d: {  	[tilespmem:$0x18C50] =	vst v20  }
0x2e: {  	[tilespmem:$0x18880] =	vst v20  }
0x2f: {  	[tilespmem:$0x18890] =	vst v20  }
0x30: {  	[tilespmem:$0x188A0] =	vst v20  }
0x31: {  	[tilespmem:$0x188B0] =	vst v20  }
0x32: {  	[tilespmem:$0x188C0] =	vst v20  }
0x33: {  	[tilespmem:$0x188D0] =	vst v20  }
0x34: {  	[tilespmem:$0x188E0] =	vst v20  }
0x35: {  	[tilespmem:$0x188F0] =	vst v20  }
0x36: {  	[tilespmem:$0x18C80] =	vst v20  }
0x37: {  	[tilespmem:$0x18C90] =	vst v20  }
0x38: {  	[tilespmem:$0x18CA0] =	vst v20  }
0x39: {  	[tilespmem:$0x18CB0] =	vst v20  }
0x3a: {  	[tilespmem:$0x18CC0] =	vst v20  }
0x3b: {  	[tilespmem:$0x18CD0] =	vst v20  }
0x3c: {  	[tilespmem:$0x18900] =	vst v20  }
0x3d: {  	[tilespmem:$0x18910] =	vst v20  }
0x3e: {  	[tilespmem:$0x18920] =	vst v20  }
0x3f: {  	[tilespmem:$0x18930] =	vst v20  }
0x40: {  	[tilespmem:$0x18940] =	vst v20  }
0x41: {  	[tilespmem:$0x18950] =	vst v20  }
0x42: {  	[tilespmem:$0x18960] =	vst v20  }
0x43: {  	[tilespmem:$0x18970] =	vst v20  }
0x44: {  	[tilespmem:$0x18D00] =	vst v20  }
0x45: {  	[tilespmem:$0x18D10] =	vst v20  }
0x46: {  	[tilespmem:$0x18D20] =	vst v20  }
0x47: {  	[tilespmem:$0x18D30] =	vst v20  }
0x48: {  	[tilespmem:$0x18D40] =	vst v20  }
0x49: {  	[tilespmem:$0x18D50] =	vst v20  }
0x4a: {  	[tilespmem:$0x18980] =	vst v20  }
0x4b: {  	[tilespmem:$0x18990] =	vst v20  }
0x4c: {  	[tilespmem:$0x189A0] =	vst v20  }
0x4d: {  	[tilespmem:$0x189B0] =	vst v20  }
0x4e: {  	[tilespmem:$0x189C0] =	vst v20  }
0x4f: {  	[tilespmem:$0x189D0] =	vst v20  }
0x50: {  	[tilespmem:$0x189E0] =	vst v20  }
0x51: {  	[tilespmem:$0x189F0] =	vst v20  }
0x52: {  	[tilespmem:$0x18D80] =	vst v20  }
0x53: {  	[tilespmem:$0x18D90] =	vst v20  }
0x54: {  	[tilespmem:$0x18DA0] =	vst v20  }
0x55: {  	[tilespmem:$0x18DB0] =	vst v20  }
0x56: {  	[tilespmem:$0x18DC0] =	vst v20  }
0x57: {  	[tilespmem:$0x18DD0] =	vst v20  }
0x58: {  	[tilespmem:$0x18A00] =	vst v20  }
0x59: {  	[tilespmem:$0x18A10] =	vst v20  }
0x5a: {  	[tilespmem:$0x18A20] =	vst v20  }
0x5b: {  	[tilespmem:$0x18A30] =	vst v20  }
0x5c: {  	[tilespmem:$0x18A40] =	vst v20  }
0x5d: {  	[tilespmem:$0x18A50] =	vst v20  }
0x5e: {  	[tilespmem:$0x18A60] =	vst v20  }
0x5f: {  	[tilespmem:$0x18A70] =	vst v20  }
0x60: {  	[tilespmem:$0x18E00] =	vst v20  }
0x61: {  	[tilespmem:$0x18E10] =	vst v20  }
0x62: {  	[tilespmem:$0x18E20] =	vst v20  }
0x63: {  	[tilespmem:$0x18E30] =	vst v20  }
0x64: {  	[tilespmem:$0x18E40] =	vst v20  }
0x65: {  	[tilespmem:$0x18E50] =	vst v20  }
0x66: {  	[tilespmem:$0x18A80] =	vst v20  }
0x67: {  	[tilespmem:$0x18A90] =	vst v20  }
0x68: {  	[tilespmem:$0x18AA0] =	vst v20  }
0x69: {  	[tilespmem:$0x18AB0] =	vst v20  }
0x6a: {  	[tilespmem:$0x18AC0] =	vst v20  }
0x6b: {  	[tilespmem:$0x18AD0] =	vst v20  }
0x6c: {  	[tilespmem:$0x18AE0] =	vst v20  }
0x6d: {  	[tilespmem:$0x18AF0] =	vst v20  }
0x6e: {  	[tilespmem:$0x18E80] =	vst v20  }
0x6f: {  	[tilespmem:$0x18E90] =	vst v20  }
0x70: {  	[tilespmem:$0x18EA0] =	vst v20  }
0x71: {  	[tilespmem:$0x18EB0] =	vst v20  }
0x72: {  	[tilespmem:$0x18EC0] =	vst v20  }
0x73: {  	[tilespmem:$0x18ED0] =	vst v20  }
0x74: {  	[tilespmem:$0x18B00] =	vst v20  }
0x75: {  	[tilespmem:$0x18B10] =	vst v20  }
0x76: {  	[tilespmem:$0x18B20] =	vst v20  }
0x77: {  	[tilespmem:$0x18B30] =	vst v20  }
0x78: {  	[tilespmem:$0x18B40] =	vst v20  }
0x79: {  	[tilespmem:$0x18B50] =	vst v20  }
0x7a: {  	[tilespmem:$0x18B60] =	vst v20  }
0x7b: {  	[tilespmem:$0x18B70] =	vst v20  }
0x7c: {  	[tilespmem:$0x18F00] =	vst v20  }
0x7d: {  	[tilespmem:$0x18F10] =	vst v20  }
0x7e: {  	[tilespmem:$0x18F20] =	vst v20  }
0x7f: {  	[tilespmem:$0x18F30] =	vst v20  }
0x80: {  	[tilespmem:$0x18F40] =	vst v20  }
0x81: {  	[tilespmem:$0x18F50] =	vst v20  }
0x82: {  	[tilespmem:$0x18B80] =	vst v20  }
0x83: {  	[tilespmem:$0x18B90] =	vst v20  }
0x84: {  	[tilespmem:$0x18BA0] =	vst v20  }
0x85: {  	[tilespmem:$0x18BB0] =	vst v20  }
0x86: {  	[tilespmem:$0x18BC0] =	vst v20  }
0x87: {  	[tilespmem:$0x18BD0] =	vst v20  }
0x88: {  	[tilespmem:$0x18BE0] =	vst v20  }
0x89: {  	[tilespmem:$0x18BF0] =	vst v20  }
0x8a: {  	[tilespmem:$0x18F80] =	vst v20  }
0x8b: {  	[tilespmem:$0x18F90] =	vst v20  }
0x8c: {  	[tilespmem:$0x18FA0] =	vst v20  }
0x8d: {  	[tilespmem:$0x18FB0] =	vst v20  }
0x8e: {  	[tilespmem:$0x18FC0] =	vst v20  }
0x8f: {  	[tilespmem:$0x18FD0] =	vst v20  }
0x90: {  	[tilespmem:$0x19000] =	vst v20  }
0x91: {  	[tilespmem:$0x19010] =	vst v20  }
0x92: {  	[tilespmem:$0x19020] =	vst v20  }
0x93: {  	[tilespmem:$0x19030] =	vst v20  }
0x94: {  	[tilespmem:$0x19040] =	vst v20  }
0x95: {  	[tilespmem:$0x19050] =	vst v20  }
0x96: {  	[tilespmem:$0x19060] =	vst v20  }
0x97: {  	[tilespmem:$0x19070] =	vst v20  }
0x98: {  	[tilespmem:$0x19400] =	vst v20  }
0x99: {  	[tilespmem:$0x19410] =	vst v20  }
0x9a: {  	[tilespmem:$0x19420] =	vst v20  }
0x9b: {  	[tilespmem:$0x19430] =	vst v20  }
0x9c: {  	[tilespmem:$0x19440] =	vst v20  }
0x9d: {  	[tilespmem:$0x19450] =	vst v20  }
0x9e: {  	[tilespmem:$0x19080] =	vst v20  }
0x9f: {  	[tilespmem:$0x19090] =	vst v20  }
0xa0: {  	[tilespmem:$0x190A0] =	vst v20  }
0xa1: {  	[tilespmem:$0x190B0] =	vst v20  }
0xa2: {  	[tilespmem:$0x190C0] =	vst v20  }
0xa3: {  	[tilespmem:$0x190D0] =	vst v20  }
0xa4: {  	[tilespmem:$0x190E0] =	vst v20  }
0xa5: {  	[tilespmem:$0x190F0] =	vst v20  }
0xa6: {  	[tilespmem:$0x19480] =	vst v20  }
0xa7: {  	[tilespmem:$0x19490] =	vst v20  }
0xa8: {  	[tilespmem:$0x194A0] =	vst v20  }
0xa9: {  	[tilespmem:$0x194B0] =	vst v20  }
0xaa: {  	[tilespmem:$0x194C0] =	vst v20  }
0xab: {  	[tilespmem:$0x194D0] =	vst v20  }
0xac: {  	[tilespmem:$0x19100] =	vst v20  }
0xad: {  	[tilespmem:$0x19110] =	vst v20  }
0xae: {  	[tilespmem:$0x19120] =	vst v20  }
0xaf: {  	[tilespmem:$0x19130] =	vst v20  }
0xb0: {  	[tilespmem:$0x19140] =	vst v20  }
0xb1: {  	[tilespmem:$0x19150] =	vst v20  }
0xb2: {  	[tilespmem:$0x19160] =	vst v20  }
0xb3: {  	[tilespmem:$0x19170] =	vst v20  }
0xb4: {  	[tilespmem:$0x19500] =	vst v20  }
0xb5: {  	[tilespmem:$0x19510] =	vst v20  }
0xb6: {  	[tilespmem:$0x19520] =	vst v20  }
0xb7: {  	[tilespmem:$0x19530] =	vst v20  }
0xb8: {  	[tilespmem:$0x19540] =	vst v20  }
0xb9: {  	[tilespmem:$0x19550] =	vst v20  }
0xba: {  	[tilespmem:$0x19180] =	vst v20  }
0xbb: {  	[tilespmem:$0x19190] =	vst v20  }
0xbc: {  	[tilespmem:$0x191A0] =	vst v20  }
0xbd: {  	[tilespmem:$0x191B0] =	vst v20  }
0xbe: {  	[tilespmem:$0x191C0] =	vst v20  }
0xbf: {  	[tilespmem:$0x191D0] =	vst v20  }
0xc0: {  	[tilespmem:$0x191E0] =	vst v20  }
0xc1: {  	[tilespmem:$0x191F0] =	vst v20  }
0xc2: {  	[tilespmem:$0x19580] =	vst v20  }
0xc3: {  	[tilespmem:$0x19590] =	vst v20  }
0xc4: {  	[tilespmem:$0x195A0] =	vst v20  }
0xc5: {  	[tilespmem:$0x195B0] =	vst v20  }
0xc6: {  	[tilespmem:$0x195C0] =	vst v20  }
0xc7: {  	[tilespmem:$0x195D0] =	vst v20  }
0xc8: {  	[tilespmem:$0x19200] =	vst v20  }
0xc9: {  	[tilespmem:$0x19210] =	vst v20  }
0xca: {  	[tilespmem:$0x19220] =	vst v20  }
0xcb: {  	[tilespmem:$0x19230] =	vst v20  }
0xcc: {  	[tilespmem:$0x19240] =	vst v20  }
0xcd: {  	[tilespmem:$0x19250] =	vst v20  }
0xce: {  	[tilespmem:$0x19260] =	vst v20  }
0xcf: {  	[tilespmem:$0x19270] =	vst v20  }
0xd0: {  	[tilespmem:$0x19600] =	vst v20  }
0xd1: {  	[tilespmem:$0x19610] =	vst v20  }
0xd2: {  	[tilespmem:$0x19620] =	vst v20  }
0xd3: {  	[tilespmem:$0x19630] =	vst v20  }
0xd4: {  	[tilespmem:$0x19640] =	vst v20  }
0xd5: {  	[tilespmem:$0x19650] =	vst v20  }
0xd6: {  	[tilespmem:$0x19280] =	vst v20  }
0xd7: {  	[tilespmem:$0x19290] =	vst v20  }
0xd8: {  	[tilespmem:$0x192A0] =	vst v20  }
0xd9: {  	[tilespmem:$0x192B0] =	vst v20  }
0xda: {  	[tilespmem:$0x192C0] =	vst v20  }
0xdb: {  	[tilespmem:$0x192D0] =	vst v20  }
0xdc: {  	[tilespmem:$0x192E0] =	vst v20  }
0xdd: {  	[tilespmem:$0x192F0] =	vst v20  }
0xde: {  	[tilespmem:$0x19680] =	vst v20  }
0xdf: {  	[tilespmem:$0x19690] =	vst v20  }
0xe0: {  	[tilespmem:$0x196A0] =	vst v20  }
0xe1: {  	[tilespmem:$0x196B0] =	vst v20  }
0xe2: {  	[tilespmem:$0x196C0] =	vst v20  }
0xe3: {  	[tilespmem:$0x196D0] =	vst v20  }
0xe4: {  	[tilespmem:$0x19300] =	vst v20  }
0xe5: {  	[tilespmem:$0x19310] =	vst v20  }
0xe6: {  	[tilespmem:$0x19320] =	vst v20  }
0xe7: {  	[tilespmem:$0x19330] =	vst v20  }
0xe8: {  	[tilespmem:$0x19340] =	vst v20  }
0xe9: {  	[tilespmem:$0x19350] =	vst v20  }
0xea: {  	[tilespmem:$0x19360] =	vst v20  }
0xeb: {  	[tilespmem:$0x19370] =	vst v20  }
0xec: {  	[tilespmem:$0x19700] =	vst v20  }
0xed: {  	[tilespmem:$0x19710] =	vst v20  }
0xee: {  	[tilespmem:$0x19720] =	vst v20  }
0xef: {  	[tilespmem:$0x19730] =	vst v20  }
0xf0: {  	[tilespmem:$0x19740] =	vst v20  }
0xf1: {  	[tilespmem:$0x19750] =	vst v20  }
0xf2: {  	[tilespmem:$0x19380] =	vst v20  }
0xf3: {  	[tilespmem:$0x19390] =	vst v20  }
0xf4: {  	[tilespmem:$0x193A0] =	vst v20  }
0xf5: {  	[tilespmem:$0x193B0] =	vst v20  }
0xf6: {  	[tilespmem:$0x193C0] =	vst v20  }
0xf7: {  	[tilespmem:$0x193D0] =	vst v20  }
0xf8: {  	[tilespmem:$0x193E0] =	vst v20  }
0xf9: {  	[tilespmem:$0x193F0] =	vst v20  }
0xfa: {  	[tilespmem:$0x19780] =	vst v20  }
0xfb: {  	[tilespmem:$0x19790] =	vst v20  }
0xfc: {  	[tilespmem:$0x197A0] =	vst v20  }
0xfd: {  	[tilespmem:$0x197B0] =	vst v20  }
0xfe: {  	[tilespmem:$0x197C0] =	vst v20  }
0xff: {  	s13 =	simm.s32 $0x0;
	[tilespmem:$0x197D0] =	vst v20  }
0x100: {  	v21 =	vld [tilespmem:s13+$0x0]  }
0x101: {  	v22 =	vld [tilespmem:s13+$0x80];
	_ =	sdelay $0x1  }
0x102: {  	v23 =	vld [tilespmem:s13+$0x100];
	_ =	sdelay $0x1  }
0x103: {  	v24 =	vld [tilespmem:s13+$0x180]  }
0x104: {  	v21 =	vand.u32 $0x7FFFFFFF, v21;
	v22 =	vand.u32 $0x7FFFFFFF, v22  }
0x105: {  	v25 =	vld [tilespmem:s13+$0x200];
	vm0 =	vgt.f32 v22, v21  }
0x106: {  	v21 =	vsel vm0, v22, v21;
	v22 =	vand.u32 $0x7FFFFFFF, v23  }
0x107: {  	v23 =	vld [tilespmem:s13+$0x280];
	vm1 =	vgt.f32 v22, v21  }
0x108: {  	v21 =	vsel vm1, v22, v21;
	v22 =	vand.u32 $0x7FFFFFFF, v24  }
0x109: {  	v24 =	vld [tilespmem:s13+$0x300];
	vm2 =	vgt.f32 v22, v21  }
0x10a: {  	v21 =	vsel vm2, v22, v21;
	v22 =	vand.u32 $0x7FFFFFFF, v25  }
0x10b: {  	v25 =	vld [tilespmem:s13+$0x380];
	vm3 =	vgt.f32 v22, v21  }
0x10c: {  	v21 =	vsel vm3, v22, v21;
	v22 =	vand.u32 $0x7FFFFFFF, v23  }
0x10d: {  	v23 =	vld [tilespmem:s13+$0x400];
	vm4 =	vgt.f32 v22, v21  }
0x10e: {  	v21 =	vsel vm4, v22, v21;
	v22 =	vand.u32 $0x7FFFFFFF, v24  }
0x10f: {  	v24 =	vld [tilespmem:s13+$0x480];
	vm5 =	vgt.f32 v22, v21  }
0x110: {  	v25 =	vand.u32 $0x7FFFFFFF, v25;
	v21 =	vsel vm5, v22, v21  }
0x111: {  	v22 =	vld [tilespmem:s13+$0x500];
	vm6 =	vgt.f32 v25, v21  }
0x112: {  	v23 =	vand.u32 $0x7FFFFFFF, v23;
	v21 =	vsel vm6, v25, v21  }
0x113: {  	v25 =	vld [tilespmem:s13+$0x580];
	vm7 =	vgt.f32 v23, v21  }
0x114: {  	v24 =	vand.u32 $0x7FFFFFFF, v24;
	v21 =	vsel vm7, v23, v21  }
0x115: {  	v23 =	vld [tilespmem:s13+$0x600];
	vm8 =	vgt.f32 v24, v21  }
0x116: {  	v22 =	vand.u32 $0x7FFFFFFF, v22;
	v21 =	vsel vm8, v24, v21  }
0x117: {  	v24 =	vld [tilespmem:s13+$0x680];
	vm9 =	vgt.f32 v22, v21  }
0x118: {  	v25 =	vand.u32 $0x7FFFFFFF, v25;
	v21 =	vsel vm9, v22, v21  }
0x119: {  	v22 =	vld [tilespmem:s13+$0x700];
	vm10 =	vgt.f32 v25, v21  }
0x11a: {  	v23 =	vand.u32 $0x7FFFFFFF, v23;
	v21 =	vsel vm10, v25, v21  }
0x11b: {  	v25 =	vld [tilespmem:s13+$0x780];
	vm11 =	vgt.f32 v23, v21  }
0x11c: {  	v24 =	vand.u32 $0x7FFFFFFF, v24;
	v21 =	vsel vm11, v23, v21  }
0x11d: {  	vm12 =	vgt.f32 v24, v21  }
0x11e: {  	v22 =	vand.u32 $0x7FFFFFFF, v22;
	v21 =	vsel vm12, v24, v21  }
0x11f: {  	vm13 =	vgt.f32 v22, v21  }
0x120: {  	v21 =	vsel vm13, v22, v21;
	v22 =	vand.u32 $0x7FFFFFFF, v25  }
0x121: {  	v23 =	vsel vm0, v61, v60;
	vm14 =	vgt.f32 v22, v21  }
0x122: {  	v21 =	vsel vm14, v22, v21;
	v22 =	vsel vm1, v6, v23  }
0x123: {  	v23 =	vperm.xlane v21, v0;
	v22 =	vsel vm2, v7, v22  }
0x124: {  	v22 =	vsel vm3, v8, v22  }
0x125: {  	v23 =	vmax.f32 v21, v23;
	v22 =	vsel vm4, v9, v22  }
0x126: {  	v24 =	vperm.xlane v23, v1;
	v22 =	vsel vm5, v10, v22  }
0x127: {  	v22 =	vsel vm6, v11, v22  }
0x128: {  	v23 =	vmax.f32 v23, v24;
	v22 =	vsel vm7, v12, v22  }
0x129: {  	v24 =	vperm.xlane v23, v2;
	v22 =	vsel vm8, v13, v22  }
0x12a: {  	v22 =	vsel vm9, v14, v22  }
0x12b: {  	v23 =	vmax.f32 v23, v24;
	v22 =	vsel vm10, v15, v22  }
0x12c: {  	v24 =	vperm.xlane v23, v3;
	v22 =	vsel vm11, v16, v22  }
0x12d: {  	v22 =	vsel vm12, v17, v22  }
0x12e: {  	v23 =	vmax.f32 v23, v24;
	v22 =	vsel vm13, v18, v22  }
0x12f: {  	vm0 =	veq.f32 v21, v23;
	v21 =	vsel vm14, v19, v22  }
0x130: {  	s31 =	simm.s32 $0x800;
	v21 =	vnsel vm0, $0x40000000, v21  }
0x131: {  	v26 =	vld [tilespmem:s31+$0x80];
	v24 =	vperm.xlane v21, v0  }
0x132: {  	v25 =	vld [tilespmem:s31+$0x0]  }
0x133: {  	v23 =	vld [tilespmem:s31+$0x680];
	vm0 =	vlt.s32 v21, v24  }
0x134: {  	v21 =	vsel vm0, v21, v24;
	v24 =	vld [tilespmem:s31+$0x100];
	_ =	sdelay $0x1  }
0x135: {  	v28 =	vperm.xlane v21, v1  }
0x136: {  	v30 =	vld [tilespmem:s31+$0x180];
	v26 =	vand.u32 $0x7FFFFFFF, v26;
	v25 =	vand.u32 $0x7FFFFFFF, v25  }
0x137: {  	vm1 =	vgt.f32 v26, v25;
	v38 =	vand.u32 $0x7FFFFFFF, v23;
	vm0 =	vlt.s32 v21, v28  }
0x138: {  	v23 =	vsel vm1, v26, v25;
	v21 =	vsel vm0, v21, v28;
	v28 =	vld [tilespmem:s31+$0x200];
	v24 =	vand.u32 $0x7FFFFFFF, v24  }
0x139: {  	v5 =	vimm.s32 $0x0;
	v32 =	vperm.xlane v21, v2;
	vm2 =	vgt.f32 v24, v23  }
0x13a: {  	v27 =	vld [tilespmem:s31+$0x600];
	v5 =	vsel vm2, $0xFFFFFFFF, v5  }
0x13b: {  	v25 =	vld [tilespmem:s31+$0x280];
	vm0 =	vlt.s32 v21, v32;
	v23 =	vsel vm2, v24, v23;
	v24 =	vand.u32 $0x7FFFFFFF, v30  }
0x13c: {  	[tilespmem:$0x1FED0] =	vst v5;
	v21 =	vsel vm0, v21, v32;
	vm0 =	vgt.f32 v24, v23;
	v5 =	vimm.s32 $0x0  }
0x13d: {  	v5 =	vsel vm0, $0xFFFFFFFF, v5;
	v23 =	vsel vm0, v24, v23;
	v24 =	vand.u32 $0x7FFFFFFF, v28  }
0x13e: {  	v29 =	vld [tilespmem:s31+$0x580];
	v32 =	vperm.xlane v21, v3;
	[tilespmem:$0x1FEE0] =	vst v5;
	vm2 =	vgt.f32 v24, v23;
	v5 =	vimm.s32 $0x0  }
0x13f: {  	v39 =	vand.u32 $0x7FFFFFFF, v27;
	v27 =	vld [tilespmem:s31+$0x380];
	v5 =	vsel vm2, $0xFFFFFFFF, v5  }
0x140: {  	v4 =	vld [tilespmem:$0x18000];
	vm0 =	vlt.s32 v21, v32;
	v23 =	vsel vm2, v24, v23;
	v24 =	vand.u32 $0x7FFFFFFF, v25  }
0x141: {  	v34 =	vld [tilespmem:s31+$0x300];
	[tilespmem:$0x1FEF0] =	vst v5;
	v21 =	vsel vm0, v21, v32;
	vm0 =	vgt.f32 v24, v23;
	v5 =	vimm.s32 $0x0  }
0x142: {  	v5 =	vsel vm0, $0xFFFFFFFF, v5;
	v43 =	vshra.s32 v21, $0x4  }
0x143: {  	v22 =	vimm.s32 $0x0;
	[tilespmem:$0x1FF00] =	vst v5;
	v5 =	vsel vm0, v24, v23;
	vm0 =	veq.s32 v43, $0x0  }
0x144: {  	v40 =	vand.u32 $0x7FFFFFFF, v29;
	v29 =	vld [tilespmem:$0x18080];
	v35 =	vand.u32 $0x7FFFFFFF, v27;
	v22 =	vsel vm0, $0xFFFFFFFF, v22  }
0x145: {  	v23 =	vmovc v4;
	v27 =	vnsel vm0, $0x0, v4;
	vm0 =	veq.s32 v43, $0x1;
	v4 =	vimm.s32 $0x0  }
0x146: {  	v24 =	vand.u32 $0x7FFFFFFF, v34;
	v4 =	vsel vm0, $0xFFFFFFFF, v4  }
0x147: {  	v36 =	vld [tilespmem:$0x18100];
	vm2 =	vgt.f32 v24, v5;
	[tilespmem:$0x1FF30] =	vst v4;
	v4 =	vimm.s32 $0x0  }
0x148: {  	v4 =	vsel vm2, $0xFFFFFFFF, v4  }
0x149: {  	v25 =	vld [tilespmem:$0x18180];
	v27 =	vsel vm0, v29, v27;
	vm0 =	veq.s32 v43, $0x2;
	[tilespmem:$0x1FF10] =	vst v4;
	v4 =	vimm.s32 $0x0  }
0x14a: {  	v4 =	vsel vm0, $0xFFFFFFFF, v4  }
0x14b: {  	v37 =	vld [tilespmem:$0x18200];
	[tilespmem:$0x1FF40] =	vst v4;
	v4 =	vsel vm2, v24, v5  }
0x14c: {  	v24 =	vsel vm0, v36, v27;
	vm0 =	veq.s32 v43, $0x3;
	v5 =	vimm.s32 $0x0  }
0x14d: {  	v44 =	vld [tilespmem:$0x18280];
	v5 =	vsel vm0, $0xFFFFFFFF, v5  }
0x14e: {  	v26 =	vld [tilespmem:s31+$0x400];
	v27 =	vmovc v25;
	v24 =	vsel vm0, v25, v24;
	vm0 =	veq.s32 v43, $0x4;
	v25 =	vimm.s32 $0x0  }
0x14f: {  	v33 =	vld [tilespmem:s31+$0x480];
	[tilespmem:$0x1FF20] =	vst v22;
	v25 =	vsel vm0, $0xFFFFFFFF, v25  }
0x150: {  	v22 =	vld [tilespmem:$0x18300];
	v24 =	vsel vm0, v37, v24;
	vm0 =	veq.s32 v43, $0x5;
	[tilespmem:$0x1FF60] =	vst v25;
	v25 =	vimm.s32 $0x0  }
0x151: {  	vm12 =	vgt.f32 v35, v4;
	v25 =	vsel vm0, $0xFFFFFFFF, v25  }
0x152: {  	v30 =	vmovc v29;
	v29 =	vld [tilespmem:$0x18380];
	v24 =	vsel vm0, v44, v24;
	vm0 =	veq.s32 v43, $0x6;
	[tilespmem:$0x1FF70] =	vst v25;
	v25 =	vimm.s32 $0x0  }
0x153: {  	v28 =	vand.u32 $0x7FFFFFFF, v26;
	v4 =	vsel vm12, v35, v4;
	v25 =	vsel vm0, $0xFFFFFFFF, v25  }
0x154: {  	v42 =	vand.u32 $0x7FFFFFFF, v33;
	[tilespmem:$0x1FF50] =	vst v5;
	v5 =	vld [tilespmem:$0x18400];
	vm9 =	vgt.f32 v28, v4  }
0x155: {  	v4 =	vsel vm9, v28, v4;
	v28 =	vimm.s32 $0x0;
	v24 =	vsel vm0, v22, v24  }
0x156: {  	v26 =	vld [tilespmem:$0x18480];
	vm8 =	vgt.f32 v42, v4;
	vm0 =	veq.s32 v43, $0x7;
	[tilespmem:$0x1FF80] =	vst v25;
	v25 =	vmovc v22;
	v22 =	vimm.s32 $0x0  }
0x157: {  	v31 =	vld [tilespmem:s31+$0x500];
	v24 =	vsel vm0, v29, v24;
	v22 =	vsel vm0, $0xFFFFFFFF, v22;
	vm0 =	veq.s32 v43, $0x8  }
0x158: {  	v45 =	vld [tilespmem:$0x18500];
	v42 =	vsel vm8, v42, v4;
	v28 =	vsel vm0, $0xFFFFFFFF, v28  }
0x159: {  	v46 =	vld [tilespmem:$0x18580];
	v35 =	vmovc v5;
	v4 =	vsel vm0, v5, v24;
	vm0 =	veq.s32 v43, $0x9;
	v5 =	vimm.s32 $0x0  }
0x15a: {  	[tilespmem:$0x1FFA0] =	vst v22;
	v22 =	vld [tilespmem:$0x18600];
	v5 =	vsel vm0, $0xFFFFFFFF, v5  }
0x15b: {  	v47 =	vld [tilespmem:$0x18680];
	v63 =	vsel vm0, v26, v4;
	vm0 =	veq.s32 v43, $0xA;
	v4 =	vimm.s32 $0x0  }
0x15c: {  	v41 =	vand.u32 $0x7FFFFFFF, v31;
	[tilespmem:$0x1FFE0] =	vst v5;
	v5 =	vld [tilespmem:$0x18700];
	v4 =	vsel vm0, $0xFFFFFFFF, v4  }
0x15d: {  	vm13 =	veq.s32 v43, $0xB;
	vm7 =	vgt.f32 v41, v42;
	v48 =	vsel vm0, v45, v63;
	[tilespmem:$0x1FFF0] =	vst v4;
	v4 =	vld [tilespmem:$0x18780]  }
0x15e: {  	vm15 =	veq.s32 v43, $0xC;
	v41 =	vsel vm7, v41, v42;
	v42 =	vsel vm13, v46, v48  }
0x15f: {  	vm11 =	veq.s32 v43, $0xD;
	vm6 =	vgt.f32 v40, v41;
	v50 =	vsel vm15, v22, v42  }
0x160: {  	vm10 =	veq.s32 v43, $0xE;
	v40 =	vsel vm6, v40, v41;
	v41 =	vsel vm11, v47, v50  }
0x161: {  	vm5 =	veq.s32 v43, $0xF;
	vm4 =	vgt.f32 v39, v40;
	v52 =	vsel vm10, v5, v41  }
0x162: {  	v39 =	vsel vm4, v39, v40;
	[tilespmem:$0x1FEC0] =	vst v4;
	v40 =	vsel vm5, v4, v52;
	v4 =	vld [tilespmem:$0x1FED0];
	_ =	sdelay $0x4  }
0x163: {  	vm14 =	vnez.u8 v4;
	v4 =	vld [tilespmem:$0x1FEE0];
	_ =	sdelay $0x3  }
0x164: {  	v55 =	vsel vm1, v61, v60  }
0x165: {  	v41 =	vsel vm14, v6, v55;
	vm14 =	vnez.u8 v4;
	v4 =	vld [tilespmem:$0x1FEF0];
	_ =	sdelay $0x2  }
0x166: {  	v49 =	vld [tilespmem:s31+$0x700];
	_ =	sdelay $0x1  }
0x167: {  	v56 =	vsel vm14, v7, v41;
	vm14 =	vnez.u8 v4;
	v4 =	vld [tilespmem:$0x1FF00]  }
0x168: {  	v51 =	vld [tilespmem:s31+$0x780]  }
0x169: {  	v21 =	vand.u32 $0xF, v21;
	vm3 =	vgt.f32 v38, v39  }
0x16a: {  	v53 =	vand.u32 $0x7FFFFFFF, v49;
	vm0 =	veq.s32 v21, v60;
	v38 =	vsel vm3, v38, v39  }
0x16b: {  	vm2 =	vgt.f32 v53, v38;
	v21 =	vnsel vm0, $0x0, v40  }
0x16c: {  	v40 =	vperm.xlane v21, v0;
	v39 =	vsel vm14, v8, v56;
	vm14 =	vnez.u8 v4;
	v4 =	vld [tilespmem:$0x1FF10]  }
0x16d: {  	v54 =	vand.u32 $0x7FFFFFFF, v51;
	v38 =	vsel vm2, v53, v38  }
0x16e: {  	vm1 =	vgt.f32 v54, v38;
	v21 =	vadd.f32 v21, v40  }
0x16f: {  	v38 =	vsel vm1, v54, v38  }
0x170: {  	v57 =	vperm.xlane v38, v0;
	v58 =	vperm.xlane v21, v1  }
0x171: {  	v39 =	vsel vm14, v9, v39;
	vm14 =	vnez.u8 v4  }
0x172: {  	v40 =	vmax.f32 v38, v57;
	v21 =	vadd.f32 v21, v58;
	v39 =	vsel vm14, v10, v39  }
0x173: {  	v59 =	vperm.xlane v40, v1;
	v39 =	vsel vm12, v11, v39  }
0x174: {  	v60 =	vperm.xlane v21, v2;
	v39 =	vsel vm9, v12, v39  }
0x175: {  	v40 =	vmax.f32 v40, v59;
	v39 =	vsel vm8, v13, v39  }
0x176: {  	v41 =	vperm.xlane v40, v2;
	v21 =	vadd.f32 v21, v60;
	v39 =	vsel vm7, v14, v39  }
0x177: {  	v4 =	vld [tilespmem:$0x1FF20];
	v39 =	vsel vm6, v15, v39  }
0x178: {  	v40 =	vmax.f32 v40, v41;
	v62 =	vperm.xlane v21, v3;
	v39 =	vsel vm4, v16, v39  }
0x179: {  	v63 =	vperm.xlane v40, v3;
	v39 =	vsel vm3, v17, v39  }
0x17a: {  	v52 =	vadd.f32 v21, v62;
	v39 =	vsel vm2, v18, v39  }
0x17b: {  	v21 =	vmax.f32 v40, v63;
	v39 =	vsel vm1, v19, v39;
	vm1 =	vmand vm5, vm0  }
0x17c: {  	vm2 =	veq.f32 v38, v21;
	v21 =	vsel vm1, v52, v20;
	vm1 =	vnez.u8 v4;
	v4 =	vld [tilespmem:$0x1FF30];
	_ =	sdelay $0x3  }
0x17d: {  	vm1 =	vmand vm1, vm0  }
0x17e: {  	v43 =	vsel vm1, v52, v20;
	vm1 =	vnez.u8 v4;
	v4 =	vld [tilespmem:$0x1FF40];
	_ =	sdelay $0x4  }
0x17f: {  	v53 =	vnsel vm2, $0x40000000, v39;
	vm2 =	vnez.u8 v4;
	v4 =	vld [tilespmem:$0x1FF50];
	_ =	sdelay $0x4  }
0x180: {  	vm3 =	vnez.u8 v4;
	v4 =	vld [tilespmem:$0x1FF60];
	_ =	sdelay $0x4  }
0x181: {  	vm4 =	vnez.u8 v4;
	v4 =	vld [tilespmem:$0x1FF70];
	_ =	sdelay $0x4  }
0x182: {  	vm5 =	vnez.u8 v4;
	v4 =	vld [tilespmem:$0x1FF80];
	_ =	sdelay $0x4  }
0x183: {  	vm6 =	vnez.u8 v4  }
0x184: {  	v4 =	vimm.s32 $0x0;
	vm6 =	vmand vm6, vm0  }
0x185: {  	v4 =	vsel vm6, $0xFFFFFFFF, v4  }
0x186: {  	[tilespmem:$0x1FF90] =	vst v4;
	v4 =	vld [tilespmem:$0x1FFA0];
	_ =	sdelay $0x4  }
0x187: {  	vm6 =	vnez.u8 v4  }
0x188: {  	v4 =	vimm.s32 $0x0;
	vm6 =	vmand vm6, vm0  }
0x189: {  	[tilespmem:$0x1FFC0] =	vst v28;
	v4 =	vsel vm6, $0xFFFFFFFF, v4  }
0x18a: {  	[tilespmem:$0x1FFB0] =	vst v4;
	v4 =	vld [tilespmem:$0x1FFC0];
	_ =	sdelay $0x4  }
0x18b: {  	vm6 =	vnez.u8 v4  }
0x18c: {  	v4 =	vimm.s32 $0x0;
	vm6 =	vmand vm6, vm0  }
0x18d: {  	v4 =	vsel vm6, $0xFFFFFFFF, v4  }
0x18e: {  	[tilespmem:$0x1FFD0] =	vst v4;
	v4 =	vld [tilespmem:$0x1FFE0];
	_ =	sdelay $0x1  }
0x18f: {  	v31 =	vmov v36;
	v49 =	vimm.f32 $0.0e+00  }
0x190: {  	v33 =	vmovc v44;
	v51 =	vimm.f32 $0.0e+00;
	v36 =	vmovc v45;
	v44 =	vimm.f32 $0.0e+00;
	v45 =	vimm.f32 $0.0e+00  }
0x191: {  	v32 =	vmovc v37;
	v37 =	vmovc v46;
	vm13 =	vmand vm13, vm0;
	v46 =	vimm.f32 $0.0e+00;
	v48 =	vimm.f32 $0.0e+00  }
0x192: {  	v50 =	vimm.f32 $0.0e+00;
	v54 =	vperm.xlane v53, v0;
	vm6 =	vnez.u8 v4;
	v4 =	vld [tilespmem:$0x1FFF0]  }
0x193: {  	v24 =	vmovc v47;
	v47 =	vimm.f32 $0.0e+00;
	vm8 =	vmand vm15, vm0;
	vm1 =	vmand vm1, vm0  }
0x194: {  	s14 =	simm.s32 $0x1000;
	vm7 =	vmand vm10, vm0;
	vm9 =	vlt.s32 v53, v54;
	v42 =	vsel vm1, v52, v20  }
0x195: {  	v57 =	vld [tilespmem:s14+$0x0];
	vm2 =	vmand vm2, vm0;
	vm3 =	vmand vm3, vm0;
	vm4 =	vmand vm4, vm0  }
0x196: {  	v55 =	vld [tilespmem:s14+$0x680];
	v41 =	vsel vm2, v52, v20;
	v40 =	vsel vm3, v52, v20;
	v39 =	vsel vm4, v52, v20  }
0x197: {  	v34 =	vmovc v29;
	v28 =	vmovc v26;
	v58 =	vld [tilespmem:s14+$0x80];
	vm5 =	vmand vm5, vm0;
	vm14 =	vmand vm6, vm0;
	vm6 =	vnez.u8 v4  }
0x198: {  	s13 =	simm.s32 $0x6000;
	v29 =	vmovc v22;
	v26 =	vmovc v5;
	v56 =	vld [tilespmem:s14+$0x600];
	v38 =	vsel vm5, v52, v20;
	vm12 =	vmand vm6, vm0;
	vm6 =	vmand vm11, vm0  }
.LBB2_4:
0x199: {  	v4 =	vld [tilespmem:$0x1FF90];
	_ =	sdelay $0x4  }
0x19a: {  	vm0 =	vnez.u8 v4;
	v4 =	vld [tilespmem:$0x1FFB0];
	_ =	sdelay $0x4  }
0x19b: {  	v20 =	vsel vm0, v52, v20;
	vm0 =	vnez.u8 v4;
	v4 =	vld [tilespmem:$0x1FFD0];
	_ =	sdelay $0x2  }
0x19c: {  	v53 =	vsel vm9, v53, v54;
	v44 =	vsel vm14, v52, v44;
	v22 =	vmovc v19;
	v19 =	vmovc v18;
	v18 =	vmov v17  }
0x19d: {  	v54 =	vld [tilespmem:s14+$0x100];
	v17 =	vmovc v16;
	v45 =	vsel vm12, v52, v45;
	v46 =	vsel vm13, v52, v46;
	v51 =	vsel vm8, v52, v51  }
0x19e: {  	v16 =	vmovc v15;
	v15 =	vmovc v14;
	v60 =	vperm.xlane v53, v1;
	v49 =	vsel vm0, v52, v49;
	vm0 =	vnez.u8 v4  }
0x19f: {  	v14 =	vmovc v13;
	v47 =	vsel vm6, v52, v47;
	v48 =	vsel vm7, v52, v48;
	v50 =	vsel vm0, v52, v50  }
0x1a0: {  	v13 =	vmovc v12;
	v12 =	vmovc v11;
	v62 =	vld [tilespmem:s14+$0x180];
	vm0 =	vlt.s32 v53, v60;
	v52 =	vand.u32 $0x7FFFFFFF, v57;
	v57 =	vand.u32 $0x7FFFFFFF, v58  }
0x1a1: {  	v11 =	vmovc v10;
	v10 =	vmovc v9;
	v4 =	vimm.s32 $0x0;
	v53 =	vsel vm0, v53, v60;
	vm0 =	vgt.f32 v57, v52  }
0x1a2: {  	v9 =	vmovc v8;
	v8 =	vmovc v7;
	v54 =	vand.u32 $0x7FFFFFFF, v54;
	v60 =	vld [tilespmem:s14+$0x200];
	v4 =	vsel vm0, $0xFFFFFFFF, v4;
	v52 =	vsel vm0, v57, v52  }
0x1a3: {  	v7 =	vmovc v6;
	v6 =	vmovc v61;
	v61 =	vld [tilespmem:s14+$0x500];
	v63 =	vperm.xlane v53, v2;
	[tilespmem:$0x1FDA0] =	vst v4;
	vm1 =	vgt.f32 v54, v52;
	v4 =	vimm.s32 $0x0  }
0x1a4: {  	v58 =	vld [tilespmem:s14+$0x480];
	v4 =	vsel vm1, $0xFFFFFFFF, v4  }
0x1a5: {  	vm0 =	vlt.s32 v53, v63;
	v52 =	vsel vm1, v54, v52;
	v54 =	vand.u32 $0x7FFFFFFF, v62;
	[tilespmem:$0x1FDB0] =	vst v4;
	v4 =	vld [tilespmem:s14+$0x280]  }
0x1a6: {  	v5 =	vimm.s32 $0x0;
	v53 =	vsel vm0, v53, v63;
	vm0 =	vgt.f32 v54, v52  }
0x1a7: {  	v57 =	vld [tilespmem:s14+$0x400];
	v5 =	vsel vm0, $0xFFFFFFFF, v5;
	v52 =	vsel vm0, v54, v52;
	v54 =	vand.u32 $0x7FFFFFFF, v60  }
0x1a8: {  	v63 =	vld [tilespmem:s14+$0x300];
	v60 =	vimm.s32 $0x0;
	[tilespmem:$0x1FDC0] =	vst v5;
	v5 =	vperm.xlane v53, v3;
	vm1 =	vgt.f32 v54, v52  }
0x1a9: {  	v61 =	vand.u32 $0x7FFFFFFF, v61;
	v58 =	vand.u32 $0x7FFFFFFF, v58;
	v60 =	vsel vm1, $0xFFFFFFFF, v60  }
0x1aa: {  	v52 =	vsel vm1, v54, v52;
	vm0 =	vlt.s32 v53, v5;
	v4 =	vand.u32 $0x7FFFFFFF, v4  }
0x1ab: {  	[tilespmem:$0x1FDD0] =	vst v60;
	v60 =	vimm.s32 $0x0;
	v5 =	vsel vm0, v53, v5;
	vm0 =	vgt.f32 v4, v52  }
0x1ac: {  	v57 =	vand.u32 $0x7FFFFFFF, v57;
	v54 =	vshra.s32 v5, $0x4;
	v53 =	vsel vm0, $0xFFFFFFFF, v60  }
0x1ad: {  	v62 =	vld [tilespmem:s14+$0x380];
	v4 =	vsel vm0, v4, v52;
	v52 =	vand.u32 $0x7FFFFFFF, v63;
	vm4 =	veq.s32 v54, $0x0  }
0x1ae: {  	v60 =	vimm.s32 $0x0;
	vm5 =	veq.s32 v54, $0x1;
	vm8 =	veq.s32 v54, $0x2  }
0x1af: {  	vm10 =	veq.s32 v54, $0x3;
	vm7 =	veq.s32 v54, $0x4;
	vm11 =	veq.s32 v54, $0x5  }
0x1b0: {  	vm12 =	veq.s32 v54, $0x6;
	v63 =	vimm.s32 $0x0;
	vm0 =	vgt.f32 v52, v4  }
0x1b1: {  	vm13 =	veq.s32 v54, $0x7;
	vm14 =	veq.s32 v54, $0x9;
	[tilespmem:$0x1FDE0] =	vst v53;
	v60 =	vsel vm0, $0xFFFFFFFF, v60  }
0x1b2: {  	v53 =	vand.u32 $0x7FFFFFFF, v62;
	v4 =	vsel vm0, v52, v4;
	[tilespmem:$0x1FDF0] =	vst v60;
	v60 =	vnsel vm4, $0x0, v23  }
0x1b3: {  	v62 =	vimm.s32 $0x0;
	vm0 =	vgt.f32 v53, v4;
	v52 =	vsel vm5, v30, v60  }
0x1b4: {  	v62 =	vsel vm0, $0xFFFFFFFF, v62;
	v4 =	vsel vm0, v53, v4;
	v52 =	vsel vm8, v31, v52  }
0x1b5: {  	[tilespmem:$0x1FE00] =	vst v62;
	vm0 =	vgt.f32 v57, v4;
	v62 =	vimm.s32 $0x0;
	v52 =	vsel vm10, v27, v52  }
0x1b6: {  	v53 =	vsel vm0, $0xFFFFFFFF, v62;
	v4 =	vsel vm0, v57, v4;
	v52 =	vsel vm7, v32, v52  }
0x1b7: {  	v57 =	vimm.s32 $0x0;
	vm0 =	vgt.f32 v58, v4;
	v52 =	vsel vm11, v33, v52  }
0x1b8: {  	[tilespmem:$0x1FE10] =	vst v53;
	v53 =	vsel vm0, $0xFFFFFFFF, v63;
	v4 =	vsel vm0, v58, v4;
	vm0 =	veq.s32 v54, $0x8  }
0x1b9: {  	[tilespmem:$0x1FE20] =	vst v53;
	v52 =	vsel vm12, v25, v52;
	v53 =	vsel vm0, $0xFFFFFFFF, v57;
	vm1 =	vgt.f32 v61, v4  }
0x1ba: {  	v52 =	vsel vm13, v34, v52;
	v4 =	vsel vm1, v61, v4;
	v61 =	vmovc v6;
	v6 =	vmovc v7;
	v7 =	vmov v8  }
0x1bb: {  	v8 =	vmovc v9;
	v9 =	vmovc v10;
	v10 =	vmov v11;
	v11 =	vmov v12;
	v12 =	vmov v13  }
0x1bc: {  	v13 =	vmovc v14;
	v14 =	vmovc v15;
	v15 =	vmov v16;
	v16 =	vmov v17;
	v17 =	vmov v18  }
0x1bd: {  	v18 =	vmovc v19;
	v19 =	vmovc v22;
	v22 =	vimm.s32 $0x0;
	v52 =	vsel vm0, v35, v52;
	vm0 =	veq.s32 v54, $0xA  }
0x1be: {  	v52 =	vsel vm14, v28, v52;
	v22 =	vsel vm0, $0xFFFFFFFF, v22  }
0x1bf: {  	[tilespmem:$0x1FE50] =	vst v22;
	v52 =	vsel vm0, v36, v52;
	vm0 =	veq.s32 v54, $0xB;
	v22 =	vimm.s32 $0x0  }
0x1c0: {  	v22 =	vsel vm0, $0xFFFFFFFF, v22  }
0x1c1: {  	v52 =	vsel vm0, v37, v52;
	vm0 =	veq.s32 v54, $0xC;
	[tilespmem:$0x1FE60] =	vst v22;
	v22 =	vimm.s32 $0x0  }
0x1c2: {  	v22 =	vsel vm0, $0xFFFFFFFF, v22  }
0x1c3: {  	v52 =	vsel vm0, v29, v52;
	vm0 =	veq.s32 v54, $0xD;
	[tilespmem:$0x1FE70] =	vst v22;
	v22 =	vimm.s32 $0x0  }
0x1c4: {  	v22 =	vsel vm0, $0xFFFFFFFF, v22  }
0x1c5: {  	v52 =	vsel vm0, v24, v52;
	vm0 =	veq.s32 v54, $0xE;
	[tilespmem:$0x1FE80] =	vst v22;
	v22 =	vimm.s32 $0x0  }
0x1c6: {  	v22 =	vsel vm0, $0xFFFFFFFF, v22  }
0x1c7: {  	[tilespmem:$0x1FEA0] =	vst v22;
	v22 =	vld [tilespmem:$0x1FEC0];
	_ =	sdelay $0x1  }
0x1c8: {  	v59 =	vld [tilespmem:s14+$0x580]  }
0x1c9: {  	v5 =	vand.u32 $0xF, v5;
	v60 =	vlaneseq.u32  }
0x1ca: {  	vm3 =	veq.s32 v54, $0xF;
	vm15 =	veq.s32 v5, v60;
	v52 =	vsel vm0, v26, v52  }
0x1cb: {  	vm0 =	vmand vm4, vm15;
	v52 =	vsel vm3, v22, v52;
	v22 =	vimm.s32 $0x0  }
0x1cc: {  	v22 =	vsel vm0, $0xFFFFFFFF, v22  }
0x1cd: {  	v59 =	vand.u32 $0x7FFFFFFF, v59;
	vm0 =	vmand vm5, vm15;
	[tilespmem:$0x1FE90] =	vst v22;
	v22 =	vimm.s32 $0x0  }
0x1ce: {  	v62 =	vld [tilespmem:s14+$0x700];
	vm9 =	vgt.f32 v59, v4;
	v22 =	vsel vm0, $0xFFFFFFFF, v22  }
0x1cf: {  	v56 =	vand.u32 $0x7FFFFFFF, v56;
	v4 =	vsel vm9, v59, v4;
	[tilespmem:$0x1FEB0] =	vst v22;
	v22 =	vld [tilespmem:$0x1FDA0]  }
0x1d0: {  	v63 =	vld [tilespmem:s14+$0x780];
	vm6 =	vgt.f32 v56, v4  }
0x1d1: {  	v55 =	vand.u32 $0x7FFFFFFF, v55;
	v4 =	vsel vm6, v56, v4  }
0x1d2: {  	vm2 =	vgt.f32 v55, v4  }
0x1d3: {  	v58 =	vimm.s32 $0x0;
	v5 =	vand.u32 $0x7FFFFFFF, v62;
	v4 =	vsel vm2, v55, v4  }
0x1d4: {  	[tilespmem:$0x1FE40] =	vst v53;
	v53 =	vsel vm1, $0xFFFFFFFF, v58;
	vm1 =	vgt.f32 v5, v4;
	vm4 =	vnez.u8 v22;
	v22 =	vld [tilespmem:$0x1FDC0]  }
0x1d5: {  	v4 =	vsel vm1, v5, v4;
	v5 =	vand.u32 $0x7FFFFFFF, v63  }
0x1d6: {  	vm0 =	vgt.f32 v5, v4  }
0x1d7: {  	v4 =	vsel vm0, v5, v4;
	v5 =	vld [tilespmem:$0x1FDB0];
	_ =	sdelay $0x1  }
0x1d8: {  	vm5 =	vnez.u8 v22;
	v22 =	vld [tilespmem:$0x1FDD0];
	_ =	sdelay $0x2  }
0x1d9: {  	v62 =	vsel vm4, v61, v60;
	vm4 =	vnez.u8 v5  }
0x1da: {  	v5 =	vsel vm4, v6, v62  }
0x1db: {  	v5 =	vsel vm5, v7, v5;
	vm5 =	vnez.u8 v22;
	v22 =	vld [tilespmem:$0x1FDE0];
	_ =	sdelay $0x4  }
0x1dc: {  	v5 =	vsel vm5, v8, v5;
	vm5 =	vmand vm7, vm15;
	vm7 =	vnez.u8 v22;
	v22 =	vld [tilespmem:$0x1FDF0];
	_ =	sdelay $0x4  }
0x1dd: {  	v5 =	vsel vm7, v9, v5;
	vm7 =	vnez.u8 v22;
	v22 =	vld [tilespmem:$0x1FE00];
	_ =	sdelay $0x4  }
0x1de: {  	v5 =	vsel vm7, v10, v5;
	vm7 =	vnez.u8 v22  }
0x1df: {  	v22 =	vimm.s32 $0x0;
	v5 =	vsel vm7, v11, v5;
	vm7 =	vmand vm12, vm15  }
0x1e0: {  	v22 =	vsel vm7, $0xFFFFFFFF, v22  }
0x1e1: {  	[tilespmem:$0x1FF90] =	vst v22;
	v22 =	vld [tilespmem:$0x1FE10];
	_ =	sdelay $0x4  }
0x1e2: {  	vm7 =	vnez.u8 v22  }
0x1e3: {  	v22 =	vimm.s32 $0x0;
	v5 =	vsel vm7, v12, v5;
	vm7 =	vmand vm13, vm15  }
0x1e4: {  	v22 =	vsel vm7, $0xFFFFFFFF, v22  }
0x1e5: {  	[tilespmem:$0x1FFB0] =	vst v22;
	v22 =	vld [tilespmem:$0x1FE20];
	_ =	sdelay $0x3  }
0x1e6: {  	[tilespmem:$0x1FE30] =	vst v53  }
0x1e7: {  	vm7 =	vnez.u8 v22;
	v22 =	vld [tilespmem:$0x1FE30];
	_ =	sdelay $0x4  }
0x1e8: {  	v5 =	vsel vm7, v13, v5;
	vm7 =	vnez.u8 v22;
	v22 =	vld [tilespmem:$0x1FE40];
	_ =	sdelay $0x4  }
0x1e9: {  	v5 =	vsel vm7, v14, v5;
	vm7 =	vnez.u8 v22  }
0x1ea: {  	v22 =	vimm.s32 $0x0;
	vm7 =	vmand vm7, vm15  }
0x1eb: {  	v63 =	vperm.xlane v4, v0;
	v22 =	vsel vm7, $0xFFFFFFFF, v22  }
0x1ec: {  	[tilespmem:$0x1FFD0] =	vst v22;
	v22 =	vld [tilespmem:$0x1FE50]  }
0x1ed: {  	v53 =	vmax.f32 v4, v63  }
0x1ee: {  	v58 =	vperm.xlane v53, v1;
	_ =	sdelay $0x1  }
0x1ef: {  	v53 =	vmax.f32 v53, v58;
	v5 =	vsel vm9, v15, v5  }
0x1f0: {  	v54 =	vperm.xlane v53, v2;
	v5 =	vsel vm6, v16, v5;
	vm6 =	vnez.u8 v22;
	v22 =	vld [tilespmem:$0x1FE60];
	_ =	sdelay $0x1  }
0x1f1: {  	v53 =	vmax.f32 v53, v54  }
0x1f2: {  	v63 =	vperm.xlane v53, v3  }
0x1f3: {  	v5 =	vsel vm2, v17, v5  }
0x1f4: {  	v53 =	vmax.f32 v53, v63;
	v5 =	vsel vm1, v18, v5;
	vm2 =	vnez.u8 v22  }
0x1f5: {  	vm13 =	vmand vm2, vm15;
	vm2 =	veq.f32 v4, v53;
	v4 =	vsel vm0, v19, v5  }
0x1f6: {  	v53 =	vnsel vm2, $0x40000000, v4;
	v4 =	vld [tilespmem:$0x1FE70];
	_ =	sdelay $0x1  }
0x1f7: {  	v52 =	vnsel vm15, $0x0, v52  }
0x1f8: {  	v59 =	vperm.xlane v52, v0;
	_ =	sdelay $0x1  }
0x1f9: {  	v52 =	vadd.f32 v52, v59;
	vm0 =	vnez.u8 v4;
	v4 =	vld [tilespmem:$0x1FE80];
	_ =	sdelay $0x1  }
0x1fa: {  	v57 =	vperm.xlane v52, v1;
	_ =	sdelay $0x1  }
0x1fb: {  	v52 =	vadd.f32 v52, v57  }
0x1fc: {  	vm4 =	vmand vm8, vm15;
	vm8 =	vmand vm0, vm15;
	vm0 =	vnez.u8 v4;
	v4 =	vld [tilespmem:$0x1FE90];
	_ =	sdelay $0x1  }
0x1fd: {  	v59 =	vperm.xlane v52, v2;
	_ =	sdelay $0x1  }
0x1fe: {  	v52 =	vadd.f32 v52, v59  }
0x1ff: {  	vm12 =	vmand vm6, vm15;
	vm6 =	vmand vm0, vm15;
	vm0 =	vnez.u8 v4;
	v4 =	vld [tilespmem:$0x1FEA0]  }
0x200: {  	v62 =	vperm.xlane v52, v3;
	_ =	sdelay $0x1  }
0x201: {  	v52 =	vadd.f32 v52, v62;
	_ =	sdelay $0x1  }
0x202: {  	v43 =	vsel vm0, v52, v43;
	vm0 =	vnez.u8 v4;
	v4 =	vld [tilespmem:$0x1FEB0]  }
0x203: {  	p0 =	sne.s32 s13, $0x5E000  }
.Ltmp1:
0x204: {  	vm10 =	vmand vm10, vm15;
	vm11 =	vmand vm11, vm15;
	s14 =	sshra.s32 s13, $0x2;
	(pc) =	sbr.rel @p0 .LBB2_4-.Ltmp1, $4  }
0x205: {  	vm14 =	vmand vm14, vm15;
	v56 =	vld [tilespmem:s14+$0x600];
	v41 =	vsel vm4, v52, v41;
	v40 =	vsel vm10, v52, v40  }
0x206: {  	v55 =	vld [tilespmem:s14+$0x680];
	v38 =	vsel vm11, v52, v38;
	v39 =	vsel vm5, v52, v39;
	v54 =	vperm.xlane v53, v0  }
0x207: {  	v57 =	vld [tilespmem:s14+$0x0];
	vm1 =	vmand vm3, vm15;
	vm7 =	vmand vm0, vm15;
	vm0 =	vnez.u8 v4  }
0x208: {  	s13 =	sadd.s32 $0x2000, s13;
	v58 =	vld [tilespmem:s14+$0x80];
	v21 =	vsel vm1, v52, v21;
	vm9 =	vlt.s32 v53, v54;
	v42 =	vsel vm0, v52, v42  }
0x209: {  	_ = 	snop  }
0x20a: {  	v4 =	vld [tilespmem:s14+$0x100];
	_ =	sdelay $0x1  }
0x20b: {  	v5 =	vld [tilespmem:s14+$0x180]  }
0x20c: {  	v57 =	vand.u32 $0x7FFFFFFF, v57;
	v58 =	vand.u32 $0x7FFFFFFF, v58  }
0x20d: {  	v59 =	vld [tilespmem:s14+$0x200];
	vm0 =	vgt.f32 v58, v57  }
0x20e: {  	v4 =	vand.u32 $0x7FFFFFFF, v4;
	v57 =	vsel vm0, v58, v57  }
0x20f: {  	v58 =	vld [tilespmem:s14+$0x280];
	vm1 =	vgt.f32 v4, v57  }
0x210: {  	v22 =	vimm.s32 $0x0;
	v5 =	vand.u32 $0x7FFFFFFF, v5;
	v4 =	vsel vm1, v4, v57  }
0x211: {  	v22 =	vsel vm1, $0xFFFFFFFF, v22;
	v57 =	vld [tilespmem:s14+$0x300];
	vm1 =	vgt.f32 v5, v4  }
0x212: {  	v62 =	vimm.s32 $0x0;
	v4 =	vsel vm1, v5, v4;
	v5 =	vand.u32 $0x7FFFFFFF, v59  }
0x213: {  	[tilespmem:$0x1FB80] =	vst v22;
	v22 =	vsel vm1, $0xFFFFFFFF, v62;
	v59 =	vld [tilespmem:s14+$0x380];
	vm1 =	vgt.f32 v5, v4  }
0x214: {  	v63 =	vimm.s32 $0x0;
	v4 =	vsel vm1, v5, v4;
	v5 =	vand.u32 $0x7FFFFFFF, v58  }
0x215: {  	[tilespmem:$0x1FB90] =	vst v22;
	v22 =	vsel vm1, $0xFFFFFFFF, v63;
	v58 =	vld [tilespmem:s14+$0x400];
	vm1 =	vgt.f32 v5, v4  }
0x216: {  	v62 =	vimm.s32 $0x0;
	v4 =	vsel vm1, v5, v4;
	v5 =	vand.u32 $0x7FFFFFFF, v57  }
0x217: {  	[tilespmem:$0x1FBA0] =	vst v22;
	v22 =	vsel vm1, $0xFFFFFFFF, v62;
	v57 =	vld [tilespmem:s14+$0x480];
	vm1 =	vgt.f32 v5, v4  }
0x218: {  	v63 =	vimm.s32 $0x0;
	v59 =	vand.u32 $0x7FFFFFFF, v59;
	v4 =	vsel vm1, v5, v4  }
0x219: {  	[tilespmem:$0x1FBB0] =	vst v22;
	v22 =	vsel vm1, $0xFFFFFFFF, v63;
	v5 =	vld [tilespmem:s14+$0x500];
	vm1 =	vgt.f32 v59, v4  }
0x21a: {  	v58 =	vand.u32 $0x7FFFFFFF, v58;
	v4 =	vsel vm1, v59, v4  }
0x21b: {  	v63 =	vld [tilespmem:s14+$0x580];
	vm11 =	vgt.f32 v58, v4  }
0x21c: {  	v57 =	vand.u32 $0x7FFFFFFF, v57;
	v4 =	vsel vm11, v58, v4  }
0x21d: {  	vm15 =	vgt.f32 v57, v4  }
0x21e: {  	v62 =	vimm.s32 $0x0;
	v5 =	vand.u32 $0x7FFFFFFF, v5;
	v4 =	vsel vm15, v57, v4  }
0x21f: {  	[tilespmem:$0x1FBC0] =	vst v22;
	v22 =	vsel vm1, $0xFFFFFFFF, v62;
	vm5 =	vgt.f32 v5, v4  }
0x220: {  	[tilespmem:$0x1FBD0] =	vst v22;
	v22 =	vand.u32 $0x7FFFFFFF, v63;
	v4 =	vsel vm5, v5, v4  }
0x221: {  	v5 =	vld [tilespmem:s14+$0x700];
	vm4 =	vgt.f32 v22, v4  }
0x222: {  	v56 =	vand.u32 $0x7FFFFFFF, v56;
	v4 =	vsel vm4, v22, v4  }
0x223: {  	v62 =	vld [tilespmem:s14+$0x780];
	vm3 =	vgt.f32 v56, v4  }
0x224: {  	v55 =	vand.u32 $0x7FFFFFFF, v55;
	v4 =	vsel vm3, v56, v4  }
0x225: {  	vm2 =	vgt.f32 v55, v4  }
0x226: {  	v5 =	vand.u32 $0x7FFFFFFF, v5;
	v4 =	vsel vm2, v55, v4  }
0x227: {  	vm1 =	vgt.f32 v5, v4  }
0x228: {  	v4 =	vsel vm1, v5, v4;
	v5 =	vand.u32 $0x7FFFFFFF, v62  }
0x229: {  	v63 =	vsel vm0, v61, v60;
	v56 =	vld [tilespmem:$0x1FB80];
	vm0 =	vgt.f32 v5, v4  }
0x22a: {  	v4 =	vsel vm0, v5, v4;
	v5 =	vld [tilespmem:$0x1FB90];
	_ =	sdelay $0x2  }
0x22b: {  	v58 =	vld [tilespmem:$0x1FBA0]  }
0x22c: {  	v59 =	vld [tilespmem:$0x1FBB0];
	vm10 =	vnez.u8 v56;
	v57 =	vperm.xlane v4, v0  }
0x22d: {  	v62 =	vld [tilespmem:$0x1FBC0];
	v55 =	vsel vm10, v6, v63;
	vm10 =	vnez.u8 v5  }
0x22e: {  	v5 =	vsel vm10, v7, v55;
	v55 =	vmax.f32 v4, v57;
	v57 =	vld [tilespmem:$0x1FBD0];
	_ =	sdelay $0x1  }
0x22f: {  	vm10 =	vnez.u8 v58  }
0x230: {  	v5 =	vsel vm10, v8, v5;
	vm10 =	vnez.u8 v59  }
0x231: {  	v5 =	vsel vm10, v9, v5;
	vm10 =	vnez.u8 v62  }
0x232: {  	v63 =	vperm.xlane v55, v1;
	v5 =	vsel vm10, v10, v5;
	vm10 =	vnez.u8 v57  }
0x233: {  	v5 =	vsel vm10, v11, v5  }
0x234: {  	v55 =	vmax.f32 v55, v63;
	v5 =	vsel vm11, v12, v5  }
0x235: {  	v56 =	vperm.xlane v55, v2;
	v5 =	vsel vm15, v13, v5  }
0x236: {  	v5 =	vsel vm5, v14, v5  }
0x237: {  	v55 =	vmax.f32 v55, v56;
	v5 =	vsel vm4, v15, v5  }
0x238: {  	v56 =	vperm.xlane v55, v3;
	v5 =	vsel vm3, v16, v5  }
0x239: {  	v5 =	vsel vm2, v17, v5  }
0x23a: {  	v55 =	vmax.f32 v55, v56;
	v5 =	vsel vm1, v18, v5  }
0x23b: {  	v53 =	vsel vm9, v53, v54;
	vm5 =	veq.f32 v4, v55;
	v4 =	vsel vm0, v19, v5  }
0x23c: {  	v54 =	vperm.xlane v53, v1;
	v4 =	vnsel vm5, $0x40000000, v4  }
0x23d: {  	v5 =	vperm.xlane v4, v0  }
0x23e: {  	vm11 =	vlt.s32 v53, v54  }
0x23f: {  	v53 =	vsel vm11, v53, v54;
	vm10 =	vlt.s32 v4, v5  }
0x240: {  	v54 =	vperm.xlane v53, v2;
	v4 =	vsel vm10, v4, v5  }
0x241: {  	v5 =	vperm.xlane v4, v1  }
0x242: {  	vm4 =	vlt.s32 v53, v54  }
0x243: {  	v53 =	vsel vm4, v53, v54;
	vm15 =	vlt.s32 v4, v5  }
0x244: {  	v54 =	vperm.xlane v53, v3;
	v4 =	vsel vm15, v4, v5  }
0x245: {  	v5 =	vperm.xlane v4, v2  }
0x246: {  	v59 =	vimm.s32 $0x0;
	v62 =	vimm.s32 $0x0;
	vm9 =	vlt.s32 v53, v54  }
0x247: {  	v57 =	vimm.s32 $0x0;
	v53 =	vsel vm9, v53, v54;
	vm5 =	vlt.s32 v4, v5  }
0x248: {  	v56 =	vimm.s32 $0x0;
	v54 =	vshra.s32 v53, $0x4;
	v4 =	vsel vm5, v4, v5  }
0x249: {  	vm3 =	veq.s32 v54, $0x0;
	vm11 =	veq.s32 v54, $0x1;
	v5 =	vperm.xlane v4, v3  }
0x24a: {  	vm1 =	veq.s32 v54, $0xF;
	v58 =	vnsel vm3, $0x0, v23;
	v22 =	vsel vm11, $0xFFFFFFFF, v59  }
0x24b: {  	v55 =	vsel vm11, v30, v58;
	v58 =	vimm.s32 $0x0;
	vm10 =	vlt.s32 v4, v5  }
0x24c: {  	vm11 =	veq.s32 v54, $0x4;
	vm5 =	veq.s32 v54, $0x2;
	v4 =	vsel vm10, v4, v5  }
0x24d: {  	v59 =	vsel vm5, v31, v55;
	v55 =	vimm.s32 $0x0;
	v5 =	vshra.s32 v4, $0x4  }
0x24e: {  	vm10 =	veq.s32 v54, $0x3;
	v4 =	vand.u32 $0xF, v4;
	vm15 =	veq.s32 v5, $0x0  }
0x24f: {  	[tilespmem:$0x1FBE0] =	vst v22;
	vm4 =	veq.s32 v5, $0x1;
	vm9 =	veq.s32 v5, $0x2;
	v22 =	vsel vm15, $0xFFFFFFFF, v62  }
0x250: {  	v63 =	vnsel vm15, $0x0, v23;
	v23 =	vsel vm4, $0xFFFFFFFF, v56;
	v62 =	vimm.s32 $0x0  }
0x251: {  	vm15 =	veq.s32 v5, $0x3;
	v56 =	vimm.s32 $0x0;
	[tilespmem:$0x1FC80] =	vst v22;
	v22 =	vsel vm4, v30, v63  }
0x252: {  	[tilespmem:$0x1FC90] =	vst v23;
	v23 =	vsel vm5, $0xFFFFFFFF, v57;
	v30 =	vsel vm10, $0xFFFFFFFF, v62;
	v63 =	vimm.s32 $0x0  }
0x253: {  	vm4 =	veq.s32 v5, $0x4;
	vm5 =	veq.s32 v54, $0x5;
	v57 =	vimm.s32 $0x0;
	[tilespmem:$0x1FBF0] =	vst v23  }
0x254: {  	v23 =	vsel vm9, $0xFFFFFFFF, v58;
	v22 =	vsel vm9, v31, v22;
	[tilespmem:$0x1FC00] =	vst v30;
	v30 =	vsel vm11, $0xFFFFFFFF, v63  }
0x255: {  	vm9 =	veq.s32 v5, $0x5;
	v58 =	vimm.s32 $0x0;
	v31 =	vimm.s32 $0x0;
	[tilespmem:$0x1FCA0] =	vst v23  }
0x256: {  	v23 =	vsel vm10, v27, v59;
	[tilespmem:$0x1FC10] =	vst v30;
	v30 =	vsel vm15, $0xFFFFFFFF, v55;
	v22 =	vsel vm15, v27, v22  }
0x257: {  	v27 =	vsel vm4, $0xFFFFFFFF, v56;
	vm10 =	veq.s32 v54, $0x6;
	v59 =	vimm.s32 $0x0  }
0x258: {  	vm15 =	veq.s32 v5, $0x6;
	v55 =	vimm.s32 $0x0;
	v56 =	vimm.s32 $0x0  }
0x259: {  	v23 =	vsel vm11, v32, v23;
	[tilespmem:$0x1FCC0] =	vst v27;
	v22 =	vsel vm4, v32, v22;
	v27 =	vsel vm5, $0xFFFFFFFF, v57  }
0x25a: {  	[tilespmem:$0x1FCB0] =	vst v30;
	vm11 =	veq.s32 v54, $0x7;
	v30 =	vimm.s32 $0x0;
	vm4 =	veq.s32 v5, $0x7  }
0x25b: {  	v32 =	vimm.s32 $0x0;
	v57 =	vimm.s32 $0x0;
	[tilespmem:$0x1FC20] =	vst v27;
	v27 =	vsel vm9, $0xFFFFFFFF, v58  }
0x25c: {  	v23 =	vsel vm5, v33, v23;
	v22 =	vsel vm9, v33, v22;
	vm5 =	veq.s32 v54, $0x8  }
0x25d: {  	v33 =	vimm.s32 $0x0;
	vm9 =	veq.s32 v5, $0x8;
	v58 =	vimm.s32 $0x0  }
0x25e: {  	v62 =	vmovc v25;
	[tilespmem:$0x1FCD0] =	vst v27;
	v27 =	vsel vm10, $0xFFFFFFFF, v59;
	v63 =	vsel vm10, v25, v23;
	v23 =	vsel vm11, $0xFFFFFFFF, v30  }
0x25f: {  	v22 =	vsel vm15, v62, v22;
	vm10 =	veq.s32 v54, $0x9;
	v59 =	vimm.s32 $0x0  }
0x260: {  	v62 =	vimm.s32 $0x0;
	[tilespmem:$0x1FC40] =	vst v23;
	v23 =	vsel vm15, $0xFFFFFFFF, v31;
	v25 =	vsel vm11, v34, v63  }
0x261: {  	v22 =	vsel vm4, v34, v22;
	v34 =	vimm.s32 $0x0;
	vm11 =	veq.s32 v54, $0xA  }
0x262: {  	vm15 =	veq.s32 v5, $0x9;
	v63 =	vand.u32 $0xF, v53;
	[tilespmem:$0x1FCE0] =	vst v23;
	v23 =	vsel vm4, $0xFFFFFFFF, v32  }
0x263: {  	v25 =	vsel vm5, v35, v25;
	v22 =	vsel vm9, v35, v22;
	v35 =	vimm.s32 $0x0  }
0x264: {  	vm4 =	veq.s32 v5, $0xA;
	[tilespmem:$0x1FCF0] =	vst v23;
	v23 =	vsel vm5, $0xFFFFFFFF, v33;
	v25 =	vsel vm10, v28, v25  }
0x265: {  	v22 =	vsel vm15, v28, v22;
	vm5 =	veq.s32 v5, $0xB;
	[tilespmem:$0x1FC50] =	vst v23;
	v23 =	vsel vm9, $0xFFFFFFFF, v34  }
0x266: {  	v25 =	vsel vm11, v36, v25;
	v22 =	vsel vm4, v36, v22;
	[tilespmem:$0x1FD00] =	vst v23;
	v23 =	vsel vm10, $0xFFFFFFFF, v35  }
0x267: {  	vm9 =	veq.s32 v5, $0xC;
	vm10 =	veq.s32 v54, $0xB;
	[tilespmem:$0x1FC60] =	vst v23;
	v23 =	vsel vm11, $0xFFFFFFFF, v55  }
0x268: {  	v22 =	vsel vm5, v37, v22;
	v25 =	vsel vm10, v37, v25;
	[tilespmem:$0x1FC70] =	vst v23;
	v23 =	vsel vm15, $0xFFFFFFFF, v56  }
0x269: {  	v28 =	vld [tilespmem:$0x1FEC0];
	v22 =	vsel vm9, v29, v22;
	vm11 =	veq.s32 v5, $0xD;
	[tilespmem:$0x1FD20] =	vst v23;
	v23 =	vsel vm4, $0xFFFFFFFF, v57  }
0x26a: {  	v22 =	vsel vm11, v24, v22;
	[tilespmem:$0x1FD30] =	vst v23;
	v23 =	vsel vm5, $0xFFFFFFFF, v58;
	vm5 =	veq.s32 v54, $0xC  }
0x26b: {  	vm4 =	veq.s32 v54, $0xD;
	[tilespmem:$0x1FD40] =	vst v23;
	v25 =	vsel vm5, v29, v25;
	v23 =	vsel vm9, $0xFFFFFFFF, v59  }
0x26c: {  	[tilespmem:$0x1FD50] =	vst v23;
	v25 =	vsel vm4, v24, v25;
	v23 =	vsel vm11, $0xFFFFFFFF, v62;
	vm11 =	veq.s32 v54, $0xE  }
0x26d: {  	vm0 =	veq.s32 v63, v60;
	vm15 =	veq.s32 v5, $0xE;
	v25 =	vsel vm11, v26, v25  }
0x26e: {  	v36 =	vld [tilespmem:$0x1FF90];
	vm9 =	veq.s32 v5, $0xF;
	v24 =	vimm.s32 $0x0;
	v29 =	vsel vm1, v28, v25  }
0x26f: {  	v56 =	vld [tilespmem:$0x1FC10];
	v5 =	vimm.s32 $0x0;
	[tilespmem:$0x1FD60] =	vst v23;
	v23 =	vsel vm15, $0xFFFFFFFF, v24;
	v24 =	vnsel vm0, $0x0, v29  }
0x270: {  	[tilespmem:$0x1FC30] =	vst v27;
	v37 =	vld [tilespmem:$0x1FFB0];
	v22 =	vsel vm15, v26, v22;
	v5 =	vsel vm9, $0xFFFFFFFF, v5;
	v30 =	vperm.xlane v24, v0  }
0x271: {  	v27 =	vsel vm13, v52, v46;
	[tilespmem:$0x1FD90] =	vst v5;
	v5 =	vsel vm9, v28, v22;
	vm9 =	veq.s32 v4, v60  }
0x272: {  	vm3 =	vmand vm3, vm0;
	v55 =	vld [tilespmem:$0x1FC00];
	v4 =	vnsel vm9, $0x0, v5;
	v5 =	vadd.f32 v24, v30  }
0x273: {  	v53 =	vld [tilespmem:$0x1FBE0];
	vm10 =	vmand vm10, vm0;
	vm5 =	vmand vm5, vm0;
	vm15 =	vnez.u8 v36  }
0x274: {  	v58 =	vld [tilespmem:$0x1FC30];
	v26 =	vsel vm12, v52, v45;
	vm12 =	vnez.u8 v56;
	v32 =	vperm.xlane v5, v1  }
0x275: {  	v54 =	vld [tilespmem:$0x1FBF0];
	v20 =	vsel vm15, v52, v20;
	vm15 =	vnez.u8 v37;
	v25 =	vsel vm14, v52, v44  }
0x276: {  	[tilespmem:$0x1FD70] =	vst v23;
	v31 =	vperm.xlane v4, v0;
	v23 =	vsel vm15, v52, v49;
	v49 =	vld [tilespmem:$0x1FFD0];
	v5 =	vadd.f32 v5, v32  }
0x277: {  	v28 =	vsel vm8, v52, v51;
	vm8 =	vnez.u8 v55;
	v29 =	vsel vm6, v52, v47  }
0x278: {  	v59 =	vld [tilespmem:$0x1FC40];
	vm6 =	vnez.u8 v53;
	v4 =	vadd.f32 v4, v31;
	v34 =	vperm.xlane v5, v2  }
0x279: {  	v57 =	vld [tilespmem:$0x1FC20];
	vm1 =	vmand vm1, vm0;
	vm13 =	vmand vm6, vm0;
	vm6 =	vmand vm8, vm0  }
0x27a: {  	v62 =	vld [tilespmem:$0x1FC50];
	vm8 =	vnez.u8 v58;
	v33 =	vperm.xlane v4, v1;
	v5 =	vadd.f32 v5, v34  }
0x27b: {  	v30 =	vsel vm7, v52, v48;
	vm7 =	vnez.u8 v54;
	vm15 =	vnez.u8 v49  }
0x27c: {  	v63 =	vld [tilespmem:$0x1FC60];
	v4 =	vadd.f32 v4, v33;
	v24 =	vsel vm15, v52, v50;
	v50 =	vperm.xlane v5, v3  }
0x27d: {  	vm14 =	vmand vm7, vm0;
	vm7 =	vmand vm12, vm0;
	vm12 =	vnez.u8 v59  }
0x27e: {  	vm15 =	vnez.u8 v57;
	v33 =	vld [tilespmem:$0x1FC70];
	v35 =	vperm.xlane v4, v2;
	v5 =	vadd.f32 v5, v50  }
0x27f: {  	vm12 =	vmand vm12, vm0;
	vm2 =	vmand vm15, vm0;
	vm15 =	vnez.u8 v62  }
0x280: {  	v32 =	vimm.s32 $0x0;
	v4 =	vadd.f32 v4, v35;
	v35 =	vld [tilespmem:$0x1FC80];
	v52 =	vsel vm3, v5, v43  }
0x281: {  	v37 =	vld [tilespmem:$0x1FC90];
	vm3 =	vmand vm8, vm0;
	vm8 =	vmand vm15, vm0;
	vm15 =	vnez.u8 v63  }
0x282: {  	v51 =	vperm.xlane v4, v3;
	v36 =	vsel vm13, v5, v42;
	v42 =	vld [tilespmem:$0x1FCA0];
	vm15 =	vmand vm15, vm0  }
0x283: {  	v44 =	vld [tilespmem:$0x1FCB0];
	v34 =	vimm.s32 $0x0;
	v22 =	vsel vm15, $0xFFFFFFFF, v32;
	vm15 =	vnez.u8 v33  }
0x284: {  	v48 =	vld [tilespmem:$0x1FCD0];
	v4 =	vadd.f32 v4, v51;
	[tilespmem:$0x1FD10] =	vst v22;
	vm15 =	vmand vm15, vm0;
	v22 =	vsel vm1, $0xFFFFFFFF, v34  }
0x285: {  	v50 =	vld [tilespmem:$0x1FCE0];
	vm1 =	vmand vm4, vm0;
	vm0 =	vmand vm11, vm0;
	vm11 =	vnez.u8 v35  }
0x286: {  	vm13 =	vnez.u8 v37;
	v41 =	vsel vm14, v5, v41;
	vm4 =	vmand vm11, vm9  }
0x287: {  	v31 =	vsel vm4, v4, v52;
	vm4 =	vmand vm13, vm9;
	vm11 =	vnez.u8 v42  }
0x288: {  	v47 =	vsel vm2, v5, v38;
	[tilespmem:$0x1FD80] =	vst v22;
	v22 =	vsel vm4, v4, v36;
	vm4 =	vmand vm11, vm9  }
0x289: {  	vm13 =	vnez.u8 v44;
	vm11 =	vnez.u8 v48;
	v32 =	vsel vm4, v4, v41  }
0x28a: {  	vm4 =	vmand vm13, vm9;
	vm2 =	vmand vm11, vm9;
	vm13 =	vnez.u8 v50  }
0x28b: {  	v46 =	vld [tilespmem:$0x1FCC0];
	v20 =	vsel vm3, v5, v20;
	v49 =	vsel vm2, v4, v47;
	vm2 =	vmand vm13, vm9  }
0x28c: {  	v20 =	vsel vm2, v4, v20  }
0x28d: {  	[tilespmem:$0x18B00] =	vst v20;
	v20 =	vld [tilespmem:$0x1FD00];
	_ =	sdelay $0x2  }
0x28e: {  	v43 =	vsel vm6, v5, v40;
	vm14 =	vnez.u8 v46;
	v52 =	vld [tilespmem:$0x1FCF0]  }
0x28f: {  	v54 =	vld [tilespmem:$0x1FD20];
	v45 =	vsel vm7, v5, v39;
	[tilespmem:$0x18800] =	vst v31;
	v31 =	vsel vm4, v4, v43;
	vm4 =	vmand vm14, vm9  }
0x290: {  	[tilespmem:$0x18880] =	vst v22;
	v22 =	vsel vm4, v4, v45;
	vm4 =	vnez.u8 v20;
	v20 =	vld [tilespmem:$0x1FD10];
	_ =	sdelay $0x2  }
0x291: {  	v51 =	vsel vm12, v5, v23;
	vm14 =	vnez.u8 v52  }
0x292: {  	vm7 =	vnez.u8 v54;
	v53 =	vsel vm8, v5, v24;
	vm2 =	vmand vm14, vm9  }
0x293: {  	[tilespmem:$0x18A00] =	vst v22;
	v22 =	vsel vm2, v4, v51;
	vm2 =	vmand vm4, vm9;
	vm6 =	vnez.u8 v20  }
0x294: {  	v23 =	vsel vm2, v4, v53;
	vm2 =	vmand vm7, vm9;
	v20 =	vsel vm6, v5, v25  }
0x295: {  	v56 =	vld [tilespmem:$0x1FD30];
	v20 =	vsel vm2, v4, v20  }
0x296: {  	[tilespmem:$0x19080] =	vst v20;
	v20 =	vld [tilespmem:$0x1FD40]  }
0x297: {  	v58 =	vld [tilespmem:$0x1FD50];
	_ =	sdelay $0x2  }
0x298: {  	v57 =	vsel vm10, v5, v27;
	vm8 =	vnez.u8 v56  }
0x299: {  	v55 =	vsel vm15, v5, v26;
	vm2 =	vmand vm8, vm9;
	vm10 =	vnez.u8 v20  }
0x29a: {  	vm11 =	vnez.u8 v58;
	[tilespmem:$0x18B80] =	vst v22;
	v22 =	vsel vm2, v4, v55;
	vm2 =	vmand vm10, vm9  }
0x29b: {  	[tilespmem:$0x19000] =	vst v23;
	v20 =	vsel vm5, v5, v28;
	v23 =	vsel vm2, v4, v57;
	vm2 =	vmand vm11, vm9  }
0x29c: {  	v20 =	vsel vm2, v4, v20  }
0x29d: {  	[tilespmem:$0x19200] =	vst v20;
	v20 =	vld [tilespmem:$0x1FD70];
	_ =	sdelay $0x4  }
0x29e: {  	vm13 =	vnez.u8 v20;
	v20 =	vld [tilespmem:$0x1FD80];
	_ =	sdelay $0x1  }
0x29f: {  	v62 =	vld [tilespmem:$0x1FD60];
	_ =	sdelay $0x2  }
0x2a0: {  	vm14 =	vnez.u8 v20;
	v20 =	vld [tilespmem:$0x1FD90]  }
0x2a1: {  	[tilespmem:$0x18900] =	vst v32  }
0x2a2: {  	vm12 =	vnez.u8 v62;
	[tilespmem:$0x18980] =	vst v31  }
0x2a3: {  	v59 =	vsel vm1, v5, v29;
	vm1 =	vmand vm12, vm9;
	[tilespmem:$0x18A80] =	vst v49  }
0x2a4: {  	[tilespmem:$0x19100] =	vst v22;
	v22 =	vsel vm1, v4, v59  }
0x2a5: {  	v63 =	vsel vm0, v5, v30;
	[tilespmem:$0x19280] =	vst v22;
	vm0 =	vmand vm13, vm9;
	vm15 =	vnez.u8 v20  }
0x2a6: {  	s12 =	sadd.s32 $0x1, s12;
	[tilespmem:$0x19180] =	vst v23;
	v5 =	vsel vm14, v5, v21;
	v20 =	vsel vm0, v4, v63;
	vm1 =	vmand vm15, vm9  }
0x2a7: {  	p0 =	sne.s32 s12, s7;
	[tilespmem:$0x19300] =	vst v20;
	v4 =	vsel vm1, v4, v5  }
.Ltmp2:
0x2a8: {  	[tilespmem:$0x19380] =	vst v4;
	(pc) =	sbr.rel @p0 .LBB2_1-.Ltmp2, $4  }
0x2a9: {  	[hbm4b:s6+s2] =	stream.linear.scatter [tilespmem:s11], [sflag:$0x1], $0x1000, $0x38;
	[tilespmem:$0x19800] =	vst v63  }
0x2aa: {  	_ =	swait.ge [sflag:s3], $0x1000  }
0x2ab: {  	[sflag:s3] =	ssyncset.done $0x0  }
0x2ac: {  	[sflag:s3] =	ssyncadd.s32 $0xFFFFF000  }
0x2ad: {  	_ =	sfence.sel $0x180000  }
0x2ae: {  	[bflag:$0x0] =	sbarrier.arrive $0xFFFF  }
0x2af: {  	p0 =	sne.s32 s0, $0x0;
	_ =	strace $0x90000047  }
0x2b0: {  	s0 =	sadd.s32 @!p0 $0x100000, s1;
	[bflag:$0x2] =	sbarrier.arrive $0xFFFF  }
0x2b1: {  	[sflag:s0] =	ssyncadd.tile.s32 @!p0 $0x1;
	_ =	shalt  }
.Lfunc_end2:
_tile_overlayer_lowered:
.L_overlay_start_2:
0x2b2: {  	(tag) =	ssettag $0x2  }
0x2b3: {  	s0 =	rddreg [dreg:$0x0];
	s2 =	stileid.u32  }
0x2b4: {  	s1 =	rddreg [dreg:$0x1];
	p0 =	sne.s32 s2, $0x0  }
0x2b5: {  	s3 =	rddreg [dreg:$0x2];
	[bflag:$0x3] =	sbarrier.arrive $0xFFFF;
	s2 =	simm.s32 @!p0 $0x1C01  }
0x2b6: {  	[timem:s3], [sflag:s2] =	dma.local @!p0 [hbm:s0], s1  }
0x2b7: {  	s0 =	simm.s32 @!p0 $0x1  }
0x2b8: {  	_ =	swait.ge @!p0 [sflag:s0], s1  }
0x2b9: {  	s1 =	ssub.s32 @!p0 $0x0, s1;
	[sflag:s0] =	ssyncset.done @!p0 $0x0  }
0x2ba: {  	[sflag:s0] =	ssyncadd.s32 @!p0 s1  }
0x2bb: {  	[bflag:$0x3] =	sbarrier.arrive $0xFFFF  }
0x2bc: {  	_ =	shalt  }

</sc_bundles>
